<compile_context>
chip_gen: v7x
topology: tpu7x:2x2x1
jax: 0.10.2.dev20260603
libtpu: 0.0.44.dev20260713+nightly
codegen_flags: <defaults>
</compile_context>

<pallas_src>
import functools

import jax
import jax.numpy as jnp
from jax import lax
from jax.experimental import pallas as pl
from jax.experimental.pallas import tpu as pltpu
from jax.experimental.pallas import tpu_sc as plsc

N = 10000
E = 320000
D = 128
G = 128
DOUT = 16

NC = 2
NS = 16
NW = NC * NS
CHUNK = 128
E_PAD = 327680
IT0 = 120
IT1 = 40
ITMAX = 120
N_PAD = 10240
RPT = N_PAD // NS

_mesh = plsc.VectorSubcoreMesh(core_axis_name="core", subcore_axis_name="subcore")


@functools.partial(
    pl.kernel,
    out_type=jax.ShapeDtypeStruct((NC, N_PAD, D), jnp.float32),
    mesh=_mesh,
    scratch_types=[
        pltpu.VMEM_SHARED((N_PAD, D), jnp.float32),
        pltpu.VMEM((ITMAX, CHUNK), jnp.int32),
        pltpu.VMEM((CHUNK, D), jnp.float32),
        pltpu.SemaphoreType.DMA,
        pltpu.SemaphoreType.DMA,
    ],
)
def _sc_degree(dst_hbm, zeros_hbm, ones_hbm, out_hbm, acc, dst_all, ones_v,
               ssem0, ssem1):
    c = lax.axis_index("core")
    s = lax.axis_index("subcore")
    w = c * NS + s
    r0 = s * RPT
    pltpu.sync_copy(zeros_hbm.at[pl.ds(r0, RPT)], acc.at[pl.ds(r0, RPT)])
    pltpu.sync_copy(dst_hbm.at[w], dst_all)
    pltpu.sync_copy(ones_hbm, ones_v)
    plsc.subcore_barrier()

    GRP = 8
    my_groups = jnp.where(c == 0, IT0 // GRP, IT1 // GRP)

    @pl.loop(0, my_groups)
    def _(j):
        for t in range(GRP):
            sem = ssem0 if t % 2 == 0 else ssem1
            pltpu.async_copy(ones_v, acc.at[dst_all.at[GRP * j + t]], sem,
                             add=True)
        for t in range(GRP):
            sem = ssem0 if t % 2 == 0 else ssem1
            pltpu.make_async_copy(ones_v, acc.at[dst_all.at[GRP * j + t]],
                                  sem).wait()

    plsc.subcore_barrier()
    pltpu.sync_copy(acc.at[pl.ds(r0, RPT)], out_hbm.at[c, pl.ds(r0, RPT)])


@functools.partial(
    pl.kernel,
    out_type=jax.ShapeDtypeStruct((NC, N_PAD, D), jnp.float32),
    mesh=_mesh,
    scratch_types=[
        pltpu.VMEM_SHARED((N_PAD, D), jnp.float32),
        pltpu.VMEM((ITMAX, CHUNK), jnp.int32),
        pltpu.VMEM((CHUNK,), jnp.int32),
        pltpu.VMEM((CHUNK,), jnp.int32),
        pltpu.VMEM((CHUNK, D), jnp.float32),
        pltpu.VMEM((CHUNK, D), jnp.float32),
        pltpu.SemaphoreType.DMA,
        pltpu.SemaphoreType.DMA,
        pltpu.SemaphoreType.DMA,
        pltpu.SemaphoreType.DMA,
        pltpu.SemaphoreType.DMA,
        pltpu.SemaphoreType.DMA,
    ],
)
def _sc_scatter(hs_hbm, src_hbm, dst_hbm, zeros_hbm, out_hbm,
                acc, src_all, di0, di1, rows0, rows1,
                gsem0, gsem1, ssem0, ssem1, dsem0, dsem1):
    c = lax.axis_index("core")
    s = lax.axis_index("subcore")
    w = c * NS + s
    r0 = s * RPT
    pltpu.sync_copy(zeros_hbm.at[pl.ds(r0, RPT)], acc.at[pl.ds(r0, RPT)])
    pltpu.sync_copy(src_hbm.at[w], src_all)
    plsc.subcore_barrier()

    my_half = jnp.where(c == 0, IT0 // 2, IT1 // 2)
    pltpu.async_copy(hs_hbm.at[src_all.at[0]], rows0, gsem0)
    pltpu.async_copy(hs_hbm.at[src_all.at[1]], rows1, gsem1)
    pltpu.async_copy(dst_hbm.at[w, 0], di0, dsem0)
    pltpu.async_copy(dst_hbm.at[w, 1], di1, dsem1)

    @pl.loop(0, my_half)
    def _(j):
        i0 = 2 * j
        i1 = i0 + 1
        pltpu.make_async_copy(hs_hbm.at[src_all.at[i0]], rows0, gsem0).wait()
        pltpu.make_async_copy(dst_hbm.at[w, i0], di0, dsem0).wait()
        pltpu.async_copy(rows0, acc.at[di0], ssem0, add=True)
        pltpu.make_async_copy(hs_hbm.at[src_all.at[i1]], rows1, gsem1).wait()
        pltpu.make_async_copy(dst_hbm.at[w, i1], di1, dsem1).wait()
        pltpu.async_copy(rows1, acc.at[di1], ssem1, add=True)
        pltpu.make_async_copy(rows0, acc.at[di0], ssem0).wait()
        pltpu.make_async_copy(rows1, acc.at[di1], ssem1).wait()

        @pl.when(j < my_half - 1)
        def _():
            pltpu.async_copy(hs_hbm.at[src_all.at[i0 + 2]], rows0, gsem0)
            pltpu.async_copy(hs_hbm.at[src_all.at[i1 + 2]], rows1, gsem1)
            pltpu.async_copy(dst_hbm.at[w, i0 + 2], di0, dsem0)
            pltpu.async_copy(dst_hbm.at[w, i1 + 2], di1, dsem1)

    plsc.subcore_barrier()
    pltpu.sync_copy(acc.at[pl.ds(r0, RPT)], out_hbm.at[c, pl.ds(r0, RPT)])


def _tc_matmul_body(x_ref, w_ref, o_ref):
    o_ref[...] = jnp.dot(x_ref[...], w_ref[...],
                         preferred_element_type=jnp.float32)


def _tc_scale_body(deg_ref, h_ref, hs_ref, dinv_ref):
    deg = deg_ref[0, :N, 0:1] + deg_ref[1, :N, 0:1] + 1.0
    dinv = lax.rsqrt(deg)
    dinv_ref[...] = dinv
    hs_ref[...] = h_ref[...] * dinv


def _tc_mid_body(acc_ref, hs_ref, dinv_ref, b_ref, w_ref, o_ref):
    a = acc_ref[0, :N, :] + acc_ref[1, :N, :] + hs_ref[...]
    dinv = dinv_ref[...]
    h = jnp.maximum(a * dinv + b_ref[...], 0.0)
    o_ref[...] = jnp.dot(h, w_ref[...],
                         preferred_element_type=jnp.float32) * dinv


def _tc_final_body(acc_ref, hs_ref, dinv_ref, b_ref, batch_ref, wm_ref,
                   bm_ref, o_ref):
    a = acc_ref[0, :N, :] + acc_ref[1, :N, :] + hs_ref[...]
    h3 = jnp.maximum(a * dinv_ref[...] + b_ref[...], 0.0)
    gid = lax.broadcasted_iota(jnp.int32, (G, N), 0)
    onehot = (batch_ref[...] == gid).astype(jnp.float32)
    pooled = jnp.dot(onehot, h3, preferred_element_type=jnp.float32)
    o_ref[...] = jnp.dot(pooled, wm_ref[...],
                         preferred_element_type=jnp.float32) + bm_ref[...]


def kernel(x, edge_index, batch, W0, b0, W1, b1, W2, b2, Wm, bm):
    src = edge_index[0].astype(jnp.int32)
    dst = edge_index[1].astype(jnp.int32)
    npad = E_PAD - E
    src_p = jnp.concatenate([src, jnp.zeros((npad,), jnp.int32)])
    dst_p = jnp.concatenate([dst, jnp.full((npad,), N, jnp.int32)])

    def _layout(e):
        e0 = NS * IT0 * CHUNK

        def _pad(p, it):
            if it == ITMAX:
                return p
            return jnp.concatenate(
                [p, jnp.zeros((NS, ITMAX - it, CHUNK), jnp.int32)], axis=1)

        p0 = _pad(e[:e0].reshape(NS, IT0, CHUNK), IT0)
        p1 = _pad(e[e0:].reshape(NS, IT1, CHUNK), IT1)
        return jnp.concatenate([p0, p1], axis=0)

    src_p = _layout(src_p)
    dst_p = _layout(dst_p)
    batch_row = batch.astype(jnp.int32).reshape(1, N)

    onesD = jnp.ones((CHUNK, D), jnp.float32)
    zerosD = jnp.zeros((N_PAD, D), jnp.float32)

    deg2 = _sc_degree(dst_p, zerosD, onesD)

    h0 = pl.pallas_call(
        _tc_matmul_body,
        out_shape=jax.ShapeDtypeStruct((N, D), jnp.float32),
    )(x, W0)

    hs0, dinv = pl.pallas_call(
        _tc_scale_body,
        out_shape=(jax.ShapeDtypeStruct((N, D), jnp.float32),
                   jax.ShapeDtypeStruct((N, 1), jnp.float32)),
    )(deg2, h0)

    hs = hs0
    for b_l, W_next in ((b0, W1), (b1, W2)):
        acc = _sc_scatter(hs, src_p, dst_p, zerosD)
        hs = pl.pallas_call(
            _tc_mid_body,
            out_shape=jax.ShapeDtypeStruct((N, D), jnp.float32),
        )(acc, hs, dinv, b_l.reshape(1, D), W_next)

    acc = _sc_scatter(hs, src_p, dst_p, zerosD)
    out = pl.pallas_call(
        _tc_final_body,
        out_shape=jax.ShapeDtypeStruct((G, DOUT), jnp.float32),
    )(acc, hs, dinv, b2.reshape(1, D), batch_row, Wm, bm.reshape(1, DOUT))
    return out

# --- scband reference (transcript-rebuilt; emitter-appended) ---
"""Pipeline reference for scband-gcn-76407468195987 (READ-ONLY COPY).

The authoritative reference and input builder live on the scoring server;
editing this copy changes nothing except your own understanding.
"""

import jax, jax.numpy as jnp
import numpy as np

NUM_NODES = 10000
NUM_EDGES = 320000
D_IN = 128
D_HID = 128
D_OUT = 16
NUM_GRAPHS = 128


def setup_inputs(seed: int = 0) -> dict:
    key = jax.random.key(seed)
    ks = jax.random.split(key, 12)
    x = jax.random.normal(ks[0], (NUM_NODES, D_IN), dtype=jnp.float32)
    edge_index = jax.random.randint(ks[1], (2, NUM_EDGES), 0, NUM_NODES, dtype=jnp.int64)
    batch = jnp.sort(jax.random.randint(ks[2], (NUM_NODES,), 0, NUM_GRAPHS, dtype=jnp.int64))
    def glorot(k, fan_in, fan_out):
        lim = jnp.sqrt(6.0 / (fan_in + fan_out))
        return jax.random.uniform(k, (fan_in, fan_out), dtype=jnp.float32, minval=-lim, maxval=lim)
    W0 = glorot(ks[3], D_IN, D_HID)
    b0 = jnp.zeros((D_HID,), dtype=jnp.float32)
    W1 = glorot(ks[4], D_HID, D_HID)
    b1 = jnp.zeros((D_HID,), dtype=jnp.float32)
    W2 = glorot(ks[5], D_HID, D_HID)
    b2 = jnp.zeros((D_HID,), dtype=jnp.float32)
    Wm = glorot(ks[6], D_HID, D_OUT)
    bm = jnp.zeros((D_OUT,), dtype=jnp.float32)
    return {"x": x, "edge_index": edge_index, "batch": batch,
            "W0": W0, "b0": b0, "W1": W1, "b1": b1, "W2": W2, "b2": b2,
            "Wm": Wm, "bm": bm}


def _gcn_conv(x, src, dst, W, b):
    # GCNConv with added self-loops and symmetric normalization:
    # X' = D^{-1/2} (A + I) D^{-1/2} X W + b
    h = x @ W
    deg = jnp.zeros((NUM_NODES,), dtype=jnp.float32).at[dst].add(1.0)
    deg_inv_sqrt = jnp.where(deg > 0, deg ** -0.5, 0.0)
    norm = deg_inv_sqrt[src] * deg_inv_sqrt[dst]
    msg = h[src] * norm[:, None]
    out = jax.ops.segment_sum(msg, dst, num_segments=NUM_NODES)
    return out + b


def reference(x, edge_index, batch, W0, b0, W1, b1, W2, b2, Wm, bm):
    loop = jnp.arange(NUM_NODES, dtype=edge_index.dtype)
    src = jnp.concatenate([edge_index[0], loop])
    dst = jnp.concatenate([edge_index[1], loop])
    h = jax.nn.relu(_gcn_conv(x, src, dst, W0, b0))
    h = jax.nn.relu(_gcn_conv(h, src, dst, W1, b1))
    h = jax.nn.relu(_gcn_conv(h, src, dst, W2, b2))
    pooled = jax.ops.segment_sum(h, batch, num_segments=NUM_GRAPHS)
    return pooled @ Wm + bm

if __name__ == "__main__":
    import jax
    _d = setup_inputs()
    print(jax.jit(kernel)(*tuple(_d.values())))

</pallas_src>

<mosaic_0001>
#map = affine_map<(d0, d1) -> (0, 0)>
#map1 = affine_map<(d0, d1) -> (0, 0, 0)>
module attributes {stable_mosaic.version = 14 : i64} {
  func.func @_sc_scatter(%arg0: i32, %arg1: i32, %arg2: memref<10000x128xf32, #tpu.memory_space<hbm>>, %arg3: memref<32x120x128xi32, #tpu.memory_space<hbm>>, %arg4: memref<32x120x128xi32, #tpu.memory_space<hbm>>, %arg5: memref<10240x128xf32, #tpu.memory_space<hbm>>, %arg6: memref<2x10240x128xf32, #tpu.memory_space<hbm>>, %arg7: memref<10240x128xf32, #tpu.memory_space<vmem_shared>>, %arg8: memref<120x128xi32, #tpu.memory_space<vmem>>, %arg9: memref<128xi32, #tpu.memory_space<vmem>>, %arg10: memref<128xi32, #tpu.memory_space<vmem>>, %arg11: memref<128x128xf32, #tpu.memory_space<vmem>>, %arg12: memref<128x128xf32, #tpu.memory_space<vmem>>, %arg13: memref<!tpu.dma_semaphore, #tpu.memory_space<semaphore_mem>>, %arg14: memref<!tpu.dma_semaphore, #tpu.memory_space<semaphore_mem>>, %arg15: memref<!tpu.dma_semaphore, #tpu.memory_space<semaphore_mem>>, %arg16: memref<!tpu.dma_semaphore, #tpu.memory_space<semaphore_mem>>, %arg17: memref<!tpu.dma_semaphore, #tpu.memory_space<semaphore_mem>>, %arg18: memref<!tpu.dma_semaphore, #tpu.memory_space<semaphore_mem>>) attributes {dimension_semantics = [#tpu.dimension_semantics<core_parallel>, #tpu.dimension_semantics<subcore_parallel>], iteration_bounds = array<i64: 2, 16>, scalar_prefetch = 0 : i64, scratch_operands = 12 : i64, tpu.core_type = #tpu.core_type<sc_vector_subcore>, window_params = [{transform_indices = #map}, {transform_indices = #map1}, {transform_indices = #map1}, {transform_indices = #map}, {transform_indices = #map1}]} {
    %mul3A = arith.constant 16 : i32
    %mul3A_0 = arith.muli %arg0, %mul3A : i32
    %add3A = arith.addi %mul3A_0, %arg1 : i32
    %mul3A_1 = arith.constant 640 : i32
    %mul3A_2 = arith.muli %arg1, %mul3A_1 : i32
    "tpu.region"() ({
      %run_scoped3A = tpu.sem_alloc : memref<!tpu.dma_semaphore, #tpu.memory_space<semaphore_mem>>
      %dma_start3A_49 = arith.constant 0 : i32
      %dma_start3A_50 = tpu.memref_slice %arg7[%mul3A_2, %dma_start3A_49] : memref<10240x128xf32, #tpu.memory_space<vmem_shared>> -> memref<640x128xf32, #tpu.memory_space<vmem_shared>>
      %dma_start3A_51 = arith.constant 0 : i32
      %dma_start3A_52 = tpu.memref_slice %arg5[%mul3A_2, %dma_start3A_51] : memref<10240x128xf32, #tpu.memory_space<hbm>> -> memref<640x128xf32, #tpu.memory_space<hbm>>
      tpu.enqueue_dma source(%dma_start3A_52 : memref<640x128xf32, #tpu.memory_space<hbm>>) target(%dma_start3A_50 : memref<640x128xf32, #tpu.memory_space<vmem_shared>>) target_semaphore(%run_scoped3A : memref<!tpu.dma_semaphore, #tpu.memory_space<semaphore_mem>>)
      %dma_wait3A = arith.constant 0 : i32
      %dma_wait3A_53 = tpu.memref_slice %arg7[%mul3A_2, %dma_wait3A] : memref<10240x128xf32, #tpu.memory_space<vmem_shared>> -> memref<640x128xf32, #tpu.memory_space<vmem_shared>>
      %dma_wait3A_54 = arith.constant 0 : i32
      %dma_wait3A_55 = tpu.memref_slice %arg5[%mul3A_2, %dma_wait3A_54] : memref<10240x128xf32, #tpu.memory_space<hbm>> -> memref<640x128xf32, #tpu.memory_space<hbm>>
      tpu.wait_dma2 semaphore(%run_scoped3A : memref<!tpu.dma_semaphore, #tpu.memory_space<semaphore_mem>>) src(%dma_wait3A_55 : memref<640x128xf32, #tpu.memory_space<hbm>>) dst(%dma_wait3A_53 : memref<640x128xf32, #tpu.memory_space<vmem_shared>>)
      tpu.yield
    }) : () -> ()
    "tpu.region"() ({
      %run_scoped3A = tpu.sem_alloc : memref<!tpu.dma_semaphore, #tpu.memory_space<semaphore_mem>>
      %dma_start3A_49 = arith.constant 0 : i32
      %dma_start3A_50 = arith.constant 0 : i32
      %dma_start3A_51 = tpu.memref_slice %arg3[%add3A, %dma_start3A_49, %dma_start3A_50] : memref<32x120x128xi32, #tpu.memory_space<hbm>> -> memref<1x120x128xi32, #tpu.memory_space<hbm>>
      %dma_start3A_52 = tpu.memref_squeeze %dma_start3A_51 : memref<1x120x128xi32, #tpu.memory_space<hbm>> -> memref<120x128xi32, #tpu.memory_space<hbm>>
      %dma_start3A_53 = arith.constant 0 : i32
      %dma_start3A_54 = arith.constant 0 : i32
      %dma_start3A_55 = tpu.memref_slice %arg3[%add3A, %dma_start3A_53, %dma_start3A_54] : memref<32x120x128xi32, #tpu.memory_space<hbm>> -> memref<1x120x128xi32, #tpu.memory_space<hbm>>
      %dma_start3A_56 = tpu.memref_squeeze %dma_start3A_55 : memref<1x120x128xi32, #tpu.memory_space<hbm>> -> memref<120x128xi32, #tpu.memory_space<hbm>>
      tpu.enqueue_dma source(%dma_start3A_56 : memref<120x128xi32, #tpu.memory_space<hbm>>) target(%arg8 : memref<120x128xi32, #tpu.memory_space<vmem>>) target_semaphore(%run_scoped3A : memref<!tpu.dma_semaphore, #tpu.memory_space<semaphore_mem>>)
      %dma_wait3A = arith.constant 0 : i32
      %dma_wait3A_57 = arith.constant 0 : i32
      %dma_wait3A_58 = tpu.memref_slice %arg3[%add3A, %dma_wait3A, %dma_wait3A_57] : memref<32x120x128xi32, #tpu.memory_space<hbm>> -> memref<1x120x128xi32, #tpu.memory_space<hbm>>
      %dma_wait3A_59 = tpu.memref_squeeze %dma_wait3A_58 : memref<1x120x128xi32, #tpu.memory_space<hbm>> -> memref<120x128xi32, #tpu.memory_space<hbm>>
      %dma_wait3A_60 = arith.constant 0 : i32
      %dma_wait3A_61 = arith.constant 0 : i32
      %dma_wait3A_62 = tpu.memref_slice %arg3[%add3A, %dma_wait3A_60, %dma_wait3A_61] : memref<32x120x128xi32, #tpu.memory_space<hbm>> -> memref<1x120x128xi32, #tpu.memory_space<hbm>>
      %dma_wait3A_63 = tpu.memref_squeeze %dma_wait3A_62 : memref<1x120x128xi32, #tpu.memory_space<hbm>> -> memref<120x128xi32, #tpu.memory_space<hbm>>
      tpu.wait_dma2 semaphore(%run_scoped3A : memref<!tpu.dma_semaphore, #tpu.memory_space<semaphore_mem>>) src(%dma_wait3A_63 : memref<120x128xi32, #tpu.memory_space<hbm>>) dst(%arg8 : memref<120x128xi32, #tpu.memory_space<vmem>>)
      tpu.yield
    }) : () -> ()
    %barrier3A = arith.constant 0 : index
    tpu.barrier barrier_id(%barrier3A)
    %eq3A = arith.constant 0 : i32
    %eq3A_3 = arith.cmpi eq, %arg0, %eq3A : i32
    %jit3A = arith.constant 60 : i32
    %jit3A_4 = arith.constant 20 : i32
    %select_n3A = arith.select %eq3A_3, %jit3A, %jit3A_4 : i32
    %dma_start3A = arith.constant 0 : i32
    %dma_start3A_5 = arith.constant 0 : i32
    %dma_start3A_6 = tpu.memref_slice %arg8[%dma_start3A, %dma_start3A_5] : memref<120x128xi32, #tpu.memory_space<vmem>> -> memref<1x128xi32, #tpu.memory_space<vmem>>
    %dma_start3A_7 = tpu.memref_squeeze %dma_start3A_6 : memref<1x128xi32, #tpu.memory_space<vmem>> -> memref<128xi32, #tpu.memory_space<vmem>>
    %dma_start3A_8 = arith.constant 0 : i32
    %dma_start3A_9 = arith.constant 0 : i32
    %dma_start3A_10 = tpu.memref_slice %arg2[%dma_start3A_8, %dma_start3A_9] : memref<10000x128xf32, #tpu.memory_space<hbm>> -> memref<10000x128xf32, #tpu.memory_space<hbm>>
    tpu.enqueue_indirect_dma source(%dma_start3A_10 : memref<10000x128xf32, #tpu.memory_space<hbm>>) target(%arg11 : memref<128x128xf32, #tpu.memory_space<vmem>>) offsets(%dma_start3A_7 : memref<128xi32, #tpu.memory_space<vmem>>) semaphore(%arg13 : memref<!tpu.dma_semaphore, #tpu.memory_space<semaphore_mem>>)
    %dma_start3A_11 = arith.constant 1 : i32
    %dma_start3A_12 = arith.constant 0 : i32
    %dma_start3A_13 = tpu.memref_slice %arg8[%dma_start3A_11, %dma_start3A_12] : memref<120x128xi32, #tpu.memory_space<vmem>> -> memref<1x128xi32, #tpu.memory_space<vmem>>
    %dma_start3A_14 = tpu.memref_squeeze %dma_start3A_13 : memref<1x128xi32, #tpu.memory_space<vmem>> -> memref<128xi32, #tpu.memory_space<vmem>>
    %dma_start3A_15 = arith.constant 0 : i32
    %dma_start3A_16 = arith.constant 0 : i32
    %dma_start3A_17 = tpu.memref_slice %arg2[%dma_start3A_15, %dma_start3A_16] : memref<10000x128xf32, #tpu.memory_space<hbm>> -> memref<10000x128xf32, #tpu.memory_space<hbm>>
    tpu.enqueue_indirect_dma source(%dma_start3A_17 : memref<10000x128xf32, #tpu.memory_space<hbm>>) target(%arg12 : memref<128x128xf32, #tpu.memory_space<vmem>>) offsets(%dma_start3A_14 : memref<128xi32, #tpu.memory_space<vmem>>) semaphore(%arg14 : memref<!tpu.dma_semaphore, #tpu.memory_space<semaphore_mem>>)
    %dma_start3A_18 = arith.constant 0 : i32
    %dma_start3A_19 = arith.constant 0 : i32
    %dma_start3A_20 = tpu.memref_slice %arg4[%add3A, %dma_start3A_18, %dma_start3A_19] : memref<32x120x128xi32, #tpu.memory_space<hbm>> -> memref<1x1x128xi32, #tpu.memory_space<hbm>>
    %dma_start3A_21 = tpu.memref_squeeze %dma_start3A_20 : memref<1x1x128xi32, #tpu.memory_space<hbm>> -> memref<128xi32, #tpu.memory_space<hbm>>
    %dma_start3A_22 = arith.constant 0 : i32
    %dma_start3A_23 = tpu.memref_slice %arg4[%add3A, %dma_start3A_18, %dma_start3A_22] : memref<32x120x128xi32, #tpu.memory_space<hbm>> -> memref<1x1x128xi32, #tpu.memory_space<hbm>>
    %dma_start3A_24 = tpu.memref_squeeze %dma_start3A_23 : memref<1x1x128xi32, #tpu.memory_space<hbm>> -> memref<128xi32, #tpu.memory_space<hbm>>
    tpu.enqueue_dma source(%dma_start3A_24 : memref<128xi32, #tpu.memory_space<hbm>>) target(%arg9 : memref<128xi32, #tpu.memory_space<vmem>>) target_semaphore(%arg17 : memref<!tpu.dma_semaphore, #tpu.memory_space<semaphore_mem>>)
    %dma_start3A_25 = arith.constant 1 : i32
    %dma_start3A_26 = arith.constant 0 : i32
    %dma_start3A_27 = tpu.memref_slice %arg4[%add3A, %dma_start3A_25, %dma_start3A_26] : memref<32x120x128xi32, #tpu.memory_space<hbm>> -> memref<1x1x128xi32, #tpu.memory_space<hbm>>
    %dma_start3A_28 = tpu.memref_squeeze %dma_start3A_27 : memref<1x1x128xi32, #tpu.memory_space<hbm>> -> memref<128xi32, #tpu.memory_space<hbm>>
    %dma_start3A_29 = arith.constant 0 : i32
    %dma_start3A_30 = tpu.memref_slice %arg4[%add3A, %dma_start3A_25, %dma_start3A_29] : memref<32x120x128xi32, #tpu.memory_space<hbm>> -> memref<1x1x128xi32, #tpu.memory_space<hbm>>
    %dma_start3A_31 = tpu.memref_squeeze %dma_start3A_30 : memref<1x1x128xi32, #tpu.memory_space<hbm>> -> memref<128xi32, #tpu.memory_space<hbm>>
    tpu.enqueue_dma source(%dma_start3A_31 : memref<128xi32, #tpu.memory_space<hbm>>) target(%arg10 : memref<128xi32, #tpu.memory_space<vmem>>) target_semaphore(%arg18 : memref<!tpu.dma_semaphore, #tpu.memory_space<semaphore_mem>>)
    %sub3A = arith.constant 0 : i32
    %sub3A_32 = arith.subi %select_n3A, %sub3A : i32
    %sub3A_33 = arith.constant 1 : i32
    %sub3A_34 = arith.constant 1 : i32
    %sub3A_35 = arith.subi %sub3A_33, %sub3A_34 : i32
    %add3A_36 = arith.addi %sub3A_32, %sub3A_35 : i32
    %div3A = arith.constant 1 : i32
    %div3A_37 = arith.divsi %add3A_36, %div3A : i32
    %while3A = arith.constant 1 : i32
    %while3A_38 = arith.constant 0 : i32
    %while3A_39 = arith.constant 0 : i32
    %while3A_40 = arith.subi %div3A_37, %while3A_39 : i32
    %while3A_41 = arith.addi %while3A_39, %while3A_40 : i32
    %while3A_42 = arith.constant 1 : i32
    %while3A_43 = arith.divsi %while3A_40, %while3A_42 : i32
    %while3A_44 = arith.muli %while3A_43, %while3A_42 : i32
    %while3A_45 = arith.addi %while3A_39, %while3A_44 : i32
    %while3A_46 = arith.constant 1 : i32
    scf.for %while3A_49 = %while3A_39 to %while3A_45 step %while3A_46  : i32 {
      %mul3A_50 = arith.muli %while3A_49, %while3A : i32
      %add3A_51 = arith.addi %while3A_38, %mul3A_50 : i32
      %mul3A_52 = arith.constant 2 : i32
      %mul3A_53 = arith.muli %mul3A_52, %add3A_51 : i32
      %add3A_54 = arith.constant 1 : i32
      %add3A_55 = arith.addi %mul3A_53, %add3A_54 : i32
      %dma_wait3A = arith.constant 0 : i32
      %dma_wait3A_56 = tpu.memref_slice %arg8[%mul3A_53, %dma_wait3A] : memref<120x128xi32, #tpu.memory_space<vmem>> -> memref<1x128xi32, #tpu.memory_space<vmem>>
      %dma_wait3A_57 = tpu.memref_squeeze %dma_wait3A_56 : memref<1x128xi32, #tpu.memory_space<vmem>> -> memref<128xi32, #tpu.memory_space<vmem>>
      %dma_wait3A_58 = arith.constant 0 : i32
      %dma_wait3A_59 = arith.constant 0 : i32
      %dma_wait3A_60 = tpu.memref_slice %arg2[%dma_wait3A_58, %dma_wait3A_59] : memref<10000x128xf32, #tpu.memory_space<hbm>> -> memref<10000x128xf32, #tpu.memory_space<hbm>>
      tpu.wait_indirect_dma semaphore(%arg13 : memref<!tpu.dma_semaphore, #tpu.memory_space<semaphore_mem>>) src(%dma_wait3A_60 : memref<10000x128xf32, #tpu.memory_space<hbm>>) dst(%arg11 : memref<128x128xf32, #tpu.memory_space<vmem>>)
      %dma_wait3A_61 = arith.constant 0 : i32
      %dma_wait3A_62 = tpu.memref_slice %arg4[%add3A, %mul3A_53, %dma_wait3A_61] : memref<32x120x128xi32, #tpu.memory_space<hbm>> -> memref<1x1x128xi32, #tpu.memory_space<hbm>>
      %dma_wait3A_63 = tpu.memref_squeeze %dma_wait3A_62 : memref<1x1x128xi32, #tpu.memory_space<hbm>> -> memref<128xi32, #tpu.memory_space<hbm>>
      %dma_wait3A_64 = arith.constant 0 : i32
      %dma_wait3A_65 = tpu.memref_slice %arg4[%add3A, %mul3A_53, %dma_wait3A_64] : memref<32x120x128xi32, #tpu.memory_space<hbm>> -> memref<1x1x128xi32, #tpu.memory_space<hbm>>
      %dma_wait3A_66 = tpu.memref_squeeze %dma_wait3A_65 : memref<1x1x128xi32, #tpu.memory_space<hbm>> -> memref<128xi32, #tpu.memory_space<hbm>>
      tpu.wait_dma2 semaphore(%arg17 : memref<!tpu.dma_semaphore, #tpu.memory_space<semaphore_mem>>) src(%dma_wait3A_66 : memref<128xi32, #tpu.memory_space<hbm>>) dst(%arg9 : memref<128xi32, #tpu.memory_space<vmem>>)
      %dma_start3A_67 = arith.constant 0 : i32
      %dma_start3A_68 = arith.constant 0 : i32
      %dma_start3A_69 = tpu.memref_slice %arg7[%dma_start3A_67, %dma_start3A_68] : memref<10240x128xf32, #tpu.memory_space<vmem_shared>> -> memref<10240x128xf32, #tpu.memory_space<vmem_shared>>
      tpu.enqueue_indirect_dma source(%arg11 : memref<128x128xf32, #tpu.memory_space<vmem>>) target(%dma_start3A_69 : memref<10240x128xf32, #tpu.memory_space<vmem_shared>>) offsets(%arg9 : memref<128xi32, #tpu.memory_space<vmem>>) semaphore(%arg15 : memref<!tpu.dma_semaphore, #tpu.memory_space<semaphore_mem>>) {add = true}
      %dma_wait3A_70 = arith.constant 0 : i32
      %dma_wait3A_71 = tpu.memref_slice %arg8[%add3A_55, %dma_wait3A_70] : memref<120x128xi32, #tpu.memory_space<vmem>> -> memref<1x128xi32, #tpu.memory_space<vmem>>
      %dma_wait3A_72 = tpu.memref_squeeze %dma_wait3A_71 : memref<1x128xi32, #tpu.memory_space<vmem>> -> memref<128xi32, #tpu.memory_space<vmem>>
      %dma_wait3A_73 = arith.constant 0 : i32
      %dma_wait3A_74 = arith.constant 0 : i32
      %dma_wait3A_75 = tpu.memref_slice %arg2[%dma_wait3A_73, %dma_wait3A_74] : memref<10000x128xf32, #tpu.memory_space<hbm>> -> memref<10000x128xf32, #tpu.memory_space<hbm>>
      tpu.wait_indirect_dma semaphore(%arg14 : memref<!tpu.dma_semaphore, #tpu.memory_space<semaphore_mem>>) src(%dma_wait3A_75 : memref<10000x128xf32, #tpu.memory_space<hbm>>) dst(%arg12 : memref<128x128xf32, #tpu.memory_space<vmem>>)
      %dma_wait3A_76 = arith.constant 0 : i32
      %dma_wait3A_77 = tpu.memref_slice %arg4[%add3A, %add3A_55, %dma_wait3A_76] : memref<32x120x128xi32, #tpu.memory_space<hbm>> -> memref<1x1x128xi32, #tpu.memory_space<hbm>>
      %dma_wait3A_78 = tpu.memref_squeeze %dma_wait3A_77 : memref<1x1x128xi32, #tpu.memory_space<hbm>> -> memref<128xi32, #tpu.memory_space<hbm>>
      %dma_wait3A_79 = arith.constant 0 : i32
      %dma_wait3A_80 = tpu.memref_slice %arg4[%add3A, %add3A_55, %dma_wait3A_79] : memref<32x120x128xi32, #tpu.memory_space<hbm>> -> memref<1x1x128xi32, #tpu.memory_space<hbm>>
      %dma_wait3A_81 = tpu.memref_squeeze %dma_wait3A_80 : memref<1x1x128xi32, #tpu.memory_space<hbm>> -> memref<128xi32, #tpu.memory_space<hbm>>
      tpu.wait_dma2 semaphore(%arg18 : memref<!tpu.dma_semaphore, #tpu.memory_space<semaphore_mem>>) src(%dma_wait3A_81 : memref<128xi32, #tpu.memory_space<hbm>>) dst(%arg10 : memref<128xi32, #tpu.memory_space<vmem>>)
      %dma_start3A_82 = arith.constant 0 : i32
      %dma_start3A_83 = arith.constant 0 : i32
      %dma_start3A_84 = tpu.memref_slice %arg7[%dma_start3A_82, %dma_start3A_83] : memref<10240x128xf32, #tpu.memory_space<vmem_shared>> -> memref<10240x128xf32, #tpu.memory_space<vmem_shared>>
      tpu.enqueue_indirect_dma source(%arg12 : memref<128x128xf32, #tpu.memory_space<vmem>>) target(%dma_start3A_84 : memref<10240x128xf32, #tpu.memory_space<vmem_shared>>) offsets(%arg10 : memref<128xi32, #tpu.memory_space<vmem>>) semaphore(%arg16 : memref<!tpu.dma_semaphore, #tpu.memory_space<semaphore_mem>>) {add = true}
      %dma_wait3A_85 = arith.constant 0 : i32
      %dma_wait3A_86 = arith.constant 0 : i32
      %dma_wait3A_87 = tpu.memref_slice %arg7[%dma_wait3A_85, %dma_wait3A_86] : memref<10240x128xf32, #tpu.memory_space<vmem_shared>> -> memref<10240x128xf32, #tpu.memory_space<vmem_shared>>
      tpu.wait_indirect_dma semaphore(%arg15 : memref<!tpu.dma_semaphore, #tpu.memory_space<semaphore_mem>>) src(%arg11 : memref<128x128xf32, #tpu.memory_space<vmem>>) dst(%dma_wait3A_87 : memref<10240x128xf32, #tpu.memory_space<vmem_shared>>)
      %dma_wait3A_88 = arith.constant 0 : i32
      %dma_wait3A_89 = arith.constant 0 : i32
      %dma_wait3A_90 = tpu.memref_slice %arg7[%dma_wait3A_88, %dma_wait3A_89] : memref<10240x128xf32, #tpu.memory_space<vmem_shared>> -> memref<10240x128xf32, #tpu.memory_space<vmem_shared>>
      tpu.wait_indirect_dma semaphore(%arg16 : memref<!tpu.dma_semaphore, #tpu.memory_space<semaphore_mem>>) src(%arg12 : memref<128x128xf32, #tpu.memory_space<vmem>>) dst(%dma_wait3A_90 : memref<10240x128xf32, #tpu.memory_space<vmem_shared>>)
      %sub3A_91 = arith.constant 1 : i32
      %sub3A_92 = arith.subi %select_n3A, %sub3A_91 : i32
      %lt3A = arith.cmpi slt, %add3A_51, %sub3A_92 : i32
      %convert_element_type3A = arith.extui %lt3A : i1 to i32
      %cond3A = arith.constant 0 : i32
      %cond3A_93 = arith.cmpi ne, %convert_element_type3A, %cond3A : i32
      scf.if %cond3A_93 {
        %add3A_94 = arith.constant 2 : i32
        %add3A_95 = arith.addi %mul3A_53, %add3A_94 : i32
        %dma_start3A_96 = arith.constant 0 : i32
        %dma_start3A_97 = tpu.memref_slice %arg8[%add3A_95, %dma_start3A_96] : memref<120x128xi32, #tpu.memory_space<vmem>> -> memref<1x128xi32, #tpu.memory_space<vmem>>
        %dma_start3A_98 = tpu.memref_squeeze %dma_start3A_97 : memref<1x128xi32, #tpu.memory_space<vmem>> -> memref<128xi32, #tpu.memory_space<vmem>>
        %dma_start3A_99 = arith.constant 0 : i32
        %dma_start3A_100 = arith.constant 0 : i32
        %dma_start3A_101 = tpu.memref_slice %arg2[%dma_start3A_99, %dma_start3A_100] : memref<10000x128xf32, #tpu.memory_space<hbm>> -> memref<10000x128xf32, #tpu.memory_space<hbm>>
        tpu.enqueue_indirect_dma source(%dma_start3A_101 : memref<10000x128xf32, #tpu.memory_space<hbm>>) target(%arg11 : memref<128x128xf32, #tpu.memory_space<vmem>>) offsets(%dma_start3A_98 : memref<128xi32, #tpu.memory_space<vmem>>) semaphore(%arg13 : memref<!tpu.dma_semaphore, #tpu.memory_space<semaphore_mem>>)
        %add3A_102 = arith.constant 2 : i32
        %add3A_103 = arith.addi %add3A_55, %add3A_102 : i32
        %dma_start3A_104 = arith.constant 0 : i32
        %dma_start3A_105 = tpu.memref_slice %arg8[%add3A_103, %dma_start3A_104] : memref<120x128xi32, #tpu.memory_space<vmem>> -> memref<1x128xi32, #tpu.memory_space<vmem>>
        %dma_start3A_106 = tpu.memref_squeeze %dma_start3A_105 : memref<1x128xi32, #tpu.memory_space<vmem>> -> memref<128xi32, #tpu.memory_space<vmem>>
        %dma_start3A_107 = arith.constant 0 : i32
        %dma_start3A_108 = arith.constant 0 : i32
        %dma_start3A_109 = tpu.memref_slice %arg2[%dma_start3A_107, %dma_start3A_108] : memref<10000x128xf32, #tpu.memory_space<hbm>> -> memref<10000x128xf32, #tpu.memory_space<hbm>>
        tpu.enqueue_indirect_dma source(%dma_start3A_109 : memref<10000x128xf32, #tpu.memory_space<hbm>>) target(%arg12 : memref<128x128xf32, #tpu.memory_space<vmem>>) offsets(%dma_start3A_106 : memref<128xi32, #tpu.memory_space<vmem>>) semaphore(%arg14 : memref<!tpu.dma_semaphore, #tpu.memory_space<semaphore_mem>>)
        %add3A_110 = arith.constant 2 : i32
        %add3A_111 = arith.addi %mul3A_53, %add3A_110 : i32
        %dma_start3A_112 = arith.constant 0 : i32
        %dma_start3A_113 = tpu.memref_slice %arg4[%add3A, %add3A_111, %dma_start3A_112] : memref<32x120x128xi32, #tpu.memory_space<hbm>> -> memref<1x1x128xi32, #tpu.memory_space<hbm>>
        %dma_start3A_114 = tpu.memref_squeeze %dma_start3A_113 : memref<1x1x128xi32, #tpu.memory_space<hbm>> -> memref<128xi32, #tpu.memory_space<hbm>>
        %dma_start3A_115 = arith.constant 0 : i32
        %dma_start3A_116 = tpu.memref_slice %arg4[%add3A, %add3A_111, %dma_start3A_115] : memref<32x120x128xi32, #tpu.memory_space<hbm>> -> memref<1x1x128xi32, #tpu.memory_space<hbm>>
        %dma_start3A_117 = tpu.memref_squeeze %dma_start3A_116 : memref<1x1x128xi32, #tpu.memory_space<hbm>> -> memref<128xi32, #tpu.memory_space<hbm>>
        tpu.enqueue_dma source(%dma_start3A_117 : memref<128xi32, #tpu.memory_space<hbm>>) target(%arg9 : memref<128xi32, #tpu.memory_space<vmem>>) target_semaphore(%arg17 : memref<!tpu.dma_semaphore, #tpu.memory_space<semaphore_mem>>)
        %add3A_118 = arith.constant 2 : i32
        %add3A_119 = arith.addi %add3A_55, %add3A_118 : i32
        %dma_start3A_120 = arith.constant 0 : i32
        %dma_start3A_121 = tpu.memref_slice %arg4[%add3A, %add3A_119, %dma_start3A_120] : memref<32x120x128xi32, #tpu.memory_space<hbm>> -> memref<1x1x128xi32, #tpu.memory_space<hbm>>
        %dma_start3A_122 = tpu.memref_squeeze %dma_start3A_121 : memref<1x1x128xi32, #tpu.memory_space<hbm>> -> memref<128xi32, #tpu.memory_space<hbm>>
        %dma_start3A_123 = arith.constant 0 : i32
        %dma_start3A_124 = tpu.memref_slice %arg4[%add3A, %add3A_119, %dma_start3A_123] : memref<32x120x128xi32, #tpu.memory_space<hbm>> -> memref<1x1x128xi32, #tpu.memory_space<hbm>>
        %dma_start3A_125 = tpu.memref_squeeze %dma_start3A_124 : memref<1x1x128xi32, #tpu.memory_space<hbm>> -> memref<128xi32, #tpu.memory_space<hbm>>
        tpu.enqueue_dma source(%dma_start3A_125 : memref<128xi32, #tpu.memory_space<hbm>>) target(%arg10 : memref<128xi32, #tpu.memory_space<vmem>>) target_semaphore(%arg18 : memref<!tpu.dma_semaphore, #tpu.memory_space<semaphore_mem>>)
      } else {
      }
    }
    %while3A_47 = arith.constant 1 : i32
    scf.for %while3A_49 = %while3A_45 to %while3A_41 step %while3A_47  : i32 {
      %mul3A_50 = arith.muli %while3A_49, %while3A : i32
      %add3A_51 = arith.addi %while3A_38, %mul3A_50 : i32
      %mul3A_52 = arith.constant 2 : i32
      %mul3A_53 = arith.muli %mul3A_52, %add3A_51 : i32
      %add3A_54 = arith.constant 1 : i32
      %add3A_55 = arith.addi %mul3A_53, %add3A_54 : i32
      %dma_wait3A = arith.constant 0 : i32
      %dma_wait3A_56 = tpu.memref_slice %arg8[%mul3A_53, %dma_wait3A] : memref<120x128xi32, #tpu.memory_space<vmem>> -> memref<1x128xi32, #tpu.memory_space<vmem>>
      %dma_wait3A_57 = tpu.memref_squeeze %dma_wait3A_56 : memref<1x128xi32, #tpu.memory_space<vmem>> -> memref<128xi32, #tpu.memory_space<vmem>>
      %dma_wait3A_58 = arith.constant 0 : i32
      %dma_wait3A_59 = arith.constant 0 : i32
      %dma_wait3A_60 = tpu.memref_slice %arg2[%dma_wait3A_58, %dma_wait3A_59] : memref<10000x128xf32, #tpu.memory_space<hbm>> -> memref<10000x128xf32, #tpu.memory_space<hbm>>
      tpu.wait_indirect_dma semaphore(%arg13 : memref<!tpu.dma_semaphore, #tpu.memory_space<semaphore_mem>>) src(%dma_wait3A_60 : memref<10000x128xf32, #tpu.memory_space<hbm>>) dst(%arg11 : memref<128x128xf32, #tpu.memory_space<vmem>>)
      %dma_wait3A_61 = arith.constant 0 : i32
      %dma_wait3A_62 = tpu.memref_slice %arg4[%add3A, %mul3A_53, %dma_wait3A_61] : memref<32x120x128xi32, #tpu.memory_space<hbm>> -> memref<1x1x128xi32, #tpu.memory_space<hbm>>
      %dma_wait3A_63 = tpu.memref_squeeze %dma_wait3A_62 : memref<1x1x128xi32, #tpu.memory_space<hbm>> -> memref<128xi32, #tpu.memory_space<hbm>>
      %dma_wait3A_64 = arith.constant 0 : i32
      %dma_wait3A_65 = tpu.memref_slice %arg4[%add3A, %mul3A_53, %dma_wait3A_64] : memref<32x120x128xi32, #tpu.memory_space<hbm>> -> memref<1x1x128xi32, #tpu.memory_space<hbm>>
      %dma_wait3A_66 = tpu.memref_squeeze %dma_wait3A_65 : memref<1x1x128xi32, #tpu.memory_space<hbm>> -> memref<128xi32, #tpu.memory_space<hbm>>
      tpu.wait_dma2 semaphore(%arg17 : memref<!tpu.dma_semaphore, #tpu.memory_space<semaphore_mem>>) src(%dma_wait3A_66 : memref<128xi32, #tpu.memory_space<hbm>>) dst(%arg9 : memref<128xi32, #tpu.memory_space<vmem>>)
      %dma_start3A_67 = arith.constant 0 : i32
      %dma_start3A_68 = arith.constant 0 : i32
      %dma_start3A_69 = tpu.memref_slice %arg7[%dma_start3A_67, %dma_start3A_68] : memref<10240x128xf32, #tpu.memory_space<vmem_shared>> -> memref<10240x128xf32, #tpu.memory_space<vmem_shared>>
      tpu.enqueue_indirect_dma source(%arg11 : memref<128x128xf32, #tpu.memory_space<vmem>>) target(%dma_start3A_69 : memref<10240x128xf32, #tpu.memory_space<vmem_shared>>) offsets(%arg9 : memref<128xi32, #tpu.memory_space<vmem>>) semaphore(%arg15 : memref<!tpu.dma_semaphore, #tpu.memory_space<semaphore_mem>>) {add = true}
      %dma_wait3A_70 = arith.constant 0 : i32
      %dma_wait3A_71 = tpu.memref_slice %arg8[%add3A_55, %dma_wait3A_70] : memref<120x128xi32, #tpu.memory_space<vmem>> -> memref<1x128xi32, #tpu.memory_space<vmem>>
      %dma_wait3A_72 = tpu.memref_squeeze %dma_wait3A_71 : memref<1x128xi32, #tpu.memory_space<vmem>> -> memref<128xi32, #tpu.memory_space<vmem>>
      %dma_wait3A_73 = arith.constant 0 : i32
      %dma_wait3A_74 = arith.constant 0 : i32
      %dma_wait3A_75 = tpu.memref_slice %arg2[%dma_wait3A_73, %dma_wait3A_74] : memref<10000x128xf32, #tpu.memory_space<hbm>> -> memref<10000x128xf32, #tpu.memory_space<hbm>>
      tpu.wait_indirect_dma semaphore(%arg14 : memref<!tpu.dma_semaphore, #tpu.memory_space<semaphore_mem>>) src(%dma_wait3A_75 : memref<10000x128xf32, #tpu.memory_space<hbm>>) dst(%arg12 : memref<128x128xf32, #tpu.memory_space<vmem>>)
      %dma_wait3A_76 = arith.constant 0 : i32
      %dma_wait3A_77 = tpu.memref_slice %arg4[%add3A, %add3A_55, %dma_wait3A_76] : memref<32x120x128xi32, #tpu.memory_space<hbm>> -> memref<1x1x128xi32, #tpu.memory_space<hbm>>
      %dma_wait3A_78 = tpu.memref_squeeze %dma_wait3A_77 : memref<1x1x128xi32, #tpu.memory_space<hbm>> -> memref<128xi32, #tpu.memory_space<hbm>>
      %dma_wait3A_79 = arith.constant 0 : i32
      %dma_wait3A_80 = tpu.memref_slice %arg4[%add3A, %add3A_55, %dma_wait3A_79] : memref<32x120x128xi32, #tpu.memory_space<hbm>> -> memref<1x1x128xi32, #tpu.memory_space<hbm>>
      %dma_wait3A_81 = tpu.memref_squeeze %dma_wait3A_80 : memref<1x1x128xi32, #tpu.memory_space<hbm>> -> memref<128xi32, #tpu.memory_space<hbm>>
      tpu.wait_dma2 semaphore(%arg18 : memref<!tpu.dma_semaphore, #tpu.memory_space<semaphore_mem>>) src(%dma_wait3A_81 : memref<128xi32, #tpu.memory_space<hbm>>) dst(%arg10 : memref<128xi32, #tpu.memory_space<vmem>>)
      %dma_start3A_82 = arith.constant 0 : i32
      %dma_start3A_83 = arith.constant 0 : i32
      %dma_start3A_84 = tpu.memref_slice %arg7[%dma_start3A_82, %dma_start3A_83] : memref<10240x128xf32, #tpu.memory_space<vmem_shared>> -> memref<10240x128xf32, #tpu.memory_space<vmem_shared>>
      tpu.enqueue_indirect_dma source(%arg12 : memref<128x128xf32, #tpu.memory_space<vmem>>) target(%dma_start3A_84 : memref<10240x128xf32, #tpu.memory_space<vmem_shared>>) offsets(%arg10 : memref<128xi32, #tpu.memory_space<vmem>>) semaphore(%arg16 : memref<!tpu.dma_semaphore, #tpu.memory_space<semaphore_mem>>) {add = true}
      %dma_wait3A_85 = arith.constant 0 : i32
      %dma_wait3A_86 = arith.constant 0 : i32
      %dma_wait3A_87 = tpu.memref_slice %arg7[%dma_wait3A_85, %dma_wait3A_86] : memref<10240x128xf32, #tpu.memory_space<vmem_shared>> -> memref<10240x128xf32, #tpu.memory_space<vmem_shared>>
      tpu.wait_indirect_dma semaphore(%arg15 : memref<!tpu.dma_semaphore, #tpu.memory_space<semaphore_mem>>) src(%arg11 : memref<128x128xf32, #tpu.memory_space<vmem>>) dst(%dma_wait3A_87 : memref<10240x128xf32, #tpu.memory_space<vmem_shared>>)
      %dma_wait3A_88 = arith.constant 0 : i32
      %dma_wait3A_89 = arith.constant 0 : i32
      %dma_wait3A_90 = tpu.memref_slice %arg7[%dma_wait3A_88, %dma_wait3A_89] : memref<10240x128xf32, #tpu.memory_space<vmem_shared>> -> memref<10240x128xf32, #tpu.memory_space<vmem_shared>>
      tpu.wait_indirect_dma semaphore(%arg16 : memref<!tpu.dma_semaphore, #tpu.memory_space<semaphore_mem>>) src(%arg12 : memref<128x128xf32, #tpu.memory_space<vmem>>) dst(%dma_wait3A_90 : memref<10240x128xf32, #tpu.memory_space<vmem_shared>>)
      %sub3A_91 = arith.constant 1 : i32
      %sub3A_92 = arith.subi %select_n3A, %sub3A_91 : i32
      %lt3A = arith.cmpi slt, %add3A_51, %sub3A_92 : i32
      %convert_element_type3A = arith.extui %lt3A : i1 to i32
      %cond3A = arith.constant 0 : i32
      %cond3A_93 = arith.cmpi ne, %convert_element_type3A, %cond3A : i32
      scf.if %cond3A_93 {
        %add3A_94 = arith.constant 2 : i32
        %add3A_95 = arith.addi %mul3A_53, %add3A_94 : i32
        %dma_start3A_96 = arith.constant 0 : i32
        %dma_start3A_97 = tpu.memref_slice %arg8[%add3A_95, %dma_start3A_96] : memref<120x128xi32, #tpu.memory_space<vmem>> -> memref<1x128xi32, #tpu.memory_space<vmem>>
        %dma_start3A_98 = tpu.memref_squeeze %dma_start3A_97 : memref<1x128xi32, #tpu.memory_space<vmem>> -> memref<128xi32, #tpu.memory_space<vmem>>
        %dma_start3A_99 = arith.constant 0 : i32
        %dma_start3A_100 = arith.constant 0 : i32
        %dma_start3A_101 = tpu.memref_slice %arg2[%dma_start3A_99, %dma_start3A_100] : memref<10000x128xf32, #tpu.memory_space<hbm>> -> memref<10000x128xf32, #tpu.memory_space<hbm>>
        tpu.enqueue_indirect_dma source(%dma_start3A_101 : memref<10000x128xf32, #tpu.memory_space<hbm>>) target(%arg11 : memref<128x128xf32, #tpu.memory_space<vmem>>) offsets(%dma_start3A_98 : memref<128xi32, #tpu.memory_space<vmem>>) semaphore(%arg13 : memref<!tpu.dma_semaphore, #tpu.memory_space<semaphore_mem>>)
        %add3A_102 = arith.constant 2 : i32
        %add3A_103 = arith.addi %add3A_55, %add3A_102 : i32
        %dma_start3A_104 = arith.constant 0 : i32
        %dma_start3A_105 = tpu.memref_slice %arg8[%add3A_103, %dma_start3A_104] : memref<120x128xi32, #tpu.memory_space<vmem>> -> memref<1x128xi32, #tpu.memory_space<vmem>>
        %dma_start3A_106 = tpu.memref_squeeze %dma_start3A_105 : memref<1x128xi32, #tpu.memory_space<vmem>> -> memref<128xi32, #tpu.memory_space<vmem>>
        %dma_start3A_107 = arith.constant 0 : i32
        %dma_start3A_108 = arith.constant 0 : i32
        %dma_start3A_109 = tpu.memref_slice %arg2[%dma_start3A_107, %dma_start3A_108] : memref<10000x128xf32, #tpu.memory_space<hbm>> -> memref<10000x128xf32, #tpu.memory_space<hbm>>
        tpu.enqueue_indirect_dma source(%dma_start3A_109 : memref<10000x128xf32, #tpu.memory_space<hbm>>) target(%arg12 : memref<128x128xf32, #tpu.memory_space<vmem>>) offsets(%dma_start3A_106 : memref<128xi32, #tpu.memory_space<vmem>>) semaphore(%arg14 : memref<!tpu.dma_semaphore, #tpu.memory_space<semaphore_mem>>)
        %add3A_110 = arith.constant 2 : i32
        %add3A_111 = arith.addi %mul3A_53, %add3A_110 : i32
        %dma_start3A_112 = arith.constant 0 : i32
        %dma_start3A_113 = tpu.memref_slice %arg4[%add3A, %add3A_111, %dma_start3A_112] : memref<32x120x128xi32, #tpu.memory_space<hbm>> -> memref<1x1x128xi32, #tpu.memory_space<hbm>>
        %dma_start3A_114 = tpu.memref_squeeze %dma_start3A_113 : memref<1x1x128xi32, #tpu.memory_space<hbm>> -> memref<128xi32, #tpu.memory_space<hbm>>
        %dma_start3A_115 = arith.constant 0 : i32
        %dma_start3A_116 = tpu.memref_slice %arg4[%add3A, %add3A_111, %dma_start3A_115] : memref<32x120x128xi32, #tpu.memory_space<hbm>> -> memref<1x1x128xi32, #tpu.memory_space<hbm>>
        %dma_start3A_117 = tpu.memref_squeeze %dma_start3A_116 : memref<1x1x128xi32, #tpu.memory_space<hbm>> -> memref<128xi32, #tpu.memory_space<hbm>>
        tpu.enqueue_dma source(%dma_start3A_117 : memref<128xi32, #tpu.memory_space<hbm>>) target(%arg9 : memref<128xi32, #tpu.memory_space<vmem>>) target_semaphore(%arg17 : memref<!tpu.dma_semaphore, #tpu.memory_space<semaphore_mem>>)
        %add3A_118 = arith.constant 2 : i32
        %add3A_119 = arith.addi %add3A_55, %add3A_118 : i32
        %dma_start3A_120 = arith.constant 0 : i32
        %dma_start3A_121 = tpu.memref_slice %arg4[%add3A, %add3A_119, %dma_start3A_120] : memref<32x120x128xi32, #tpu.memory_space<hbm>> -> memref<1x1x128xi32, #tpu.memory_space<hbm>>
        %dma_start3A_122 = tpu.memref_squeeze %dma_start3A_121 : memref<1x1x128xi32, #tpu.memory_space<hbm>> -> memref<128xi32, #tpu.memory_space<hbm>>
        %dma_start3A_123 = arith.constant 0 : i32
        %dma_start3A_124 = tpu.memref_slice %arg4[%add3A, %add3A_119, %dma_start3A_123] : memref<32x120x128xi32, #tpu.memory_space<hbm>> -> memref<1x1x128xi32, #tpu.memory_space<hbm>>
        %dma_start3A_125 = tpu.memref_squeeze %dma_start3A_124 : memref<1x1x128xi32, #tpu.memory_space<hbm>> -> memref<128xi32, #tpu.memory_space<hbm>>
        tpu.enqueue_dma source(%dma_start3A_125 : memref<128xi32, #tpu.memory_space<hbm>>) target(%arg10 : memref<128xi32, #tpu.memory_space<vmem>>) target_semaphore(%arg18 : memref<!tpu.dma_semaphore, #tpu.memory_space<semaphore_mem>>)
      } else {
      }
    }
    %barrier3A_48 = arith.constant 0 : index
    tpu.barrier barrier_id(%barrier3A_48)
    "tpu.region"() ({
      %run_scoped3A = tpu.sem_alloc : memref<!tpu.dma_semaphore, #tpu.memory_space<semaphore_mem>>
      %dma_start3A_49 = arith.constant 0 : i32
      %dma_start3A_50 = tpu.memref_slice %arg6[%arg0, %mul3A_2, %dma_start3A_49] : memref<2x10240x128xf32, #tpu.memory_space<hbm>> -> memref<1x640x128xf32, #tpu.memory_space<hbm>>
      %dma_start3A_51 = tpu.memref_squeeze %dma_start3A_50 : memref<1x640x128xf32, #tpu.memory_space<hbm>> -> memref<640x128xf32, #tpu.memory_space<hbm>>
      %dma_start3A_52 = arith.constant 0 : i32
      %dma_start3A_53 = tpu.memref_slice %arg7[%mul3A_2, %dma_start3A_52] : memref<10240x128xf32, #tpu.memory_space<vmem_shared>> -> memref<640x128xf32, #tpu.memory_space<vmem_shared>>
      tpu.enqueue_dma source(%dma_start3A_53 : memref<640x128xf32, #tpu.memory_space<vmem_shared>>) target(%dma_start3A_51 : memref<640x128xf32, #tpu.memory_space<hbm>>) target_semaphore(%run_scoped3A : memref<!tpu.dma_semaphore, #tpu.memory_space<semaphore_mem>>)
      %dma_wait3A = arith.constant 0 : i32
      %dma_wait3A_54 = tpu.memref_slice %arg6[%arg0, %mul3A_2, %dma_wait3A] : memref<2x10240x128xf32, #tpu.memory_space<hbm>> -> memref<1x640x128xf32, #tpu.memory_space<hbm>>
      %dma_wait3A_55 = tpu.memref_squeeze %dma_wait3A_54 : memref<1x640x128xf32, #tpu.memory_space<hbm>> -> memref<640x128xf32, #tpu.memory_space<hbm>>
      %dma_wait3A_56 = arith.constant 0 : i32
      %dma_wait3A_57 = tpu.memref_slice %arg7[%mul3A_2, %dma_wait3A_56] : memref<10240x128xf32, #tpu.memory_space<vmem_shared>> -> memref<640x128xf32, #tpu.memory_space<vmem_shared>>
      tpu.wait_dma2 semaphore(%run_scoped3A : memref<!tpu.dma_semaphore, #tpu.memory_space<semaphore_mem>>) src(%dma_wait3A_57 : memref<640x128xf32, #tpu.memory_space<vmem_shared>>) dst(%dma_wait3A_55 : memref<640x128xf32, #tpu.memory_space<hbm>>)
      tpu.yield
    }) : () -> ()
    return
  }
}

#map = affine_map<(d0, d1) -> (0, 0)>
#map1 = affine_map<(d0, d1) -> (0, 0, 0)>
module attributes {stable_mosaic.version = 14 : i64} {
  func.func @_sc_scatter(%arg0: i32, %arg1: i32, %arg2: memref<10000x128xf32, #tpu.memory_space<hbm>>, %arg3: memref<32x120x128xi32, #tpu.memory_space<hbm>>, %arg4: memref<32x120x128xi32, #tpu.memory_space<hbm>>, %arg5: memref<10240x128xf32, #tpu.memory_space<hbm>>, %arg6: memref<2x10240x128xf32, #tpu.memory_space<hbm>>, %arg7: memref<10240x128xf32, #tpu.memory_space<vmem_shared>>, %arg8: memref<120x128xi32, #tpu.memory_space<vmem>>, %arg9: memref<128xi32, #tpu.memory_space<vmem>>, %arg10: memref<128xi32, #tpu.memory_space<vmem>>, %arg11: memref<128x128xf32, #tpu.memory_space<vmem>>, %arg12: memref<128x128xf32, #tpu.memory_space<vmem>>, %arg13: memref<!tpu.dma_semaphore, #tpu.memory_space<semaphore_mem>>, %arg14: memref<!tpu.dma_semaphore, #tpu.memory_space<semaphore_mem>>, %arg15: memref<!tpu.dma_semaphore, #tpu.memory_space<semaphore_mem>>, %arg16: memref<!tpu.dma_semaphore, #tpu.memory_space<semaphore_mem>>, %arg17: memref<!tpu.dma_semaphore, #tpu.memory_space<semaphore_mem>>, %arg18: memref<!tpu.dma_semaphore, #tpu.memory_space<semaphore_mem>>) attributes {dimension_semantics = [#tpu.dimension_semantics<core_parallel>, #tpu.dimension_semantics<subcore_parallel>], iteration_bounds = array<i64: 2, 16>, scalar_prefetch = 0 : i64, scratch_operands = 12 : i64, tpu.core_type = #tpu.core_type<sc_vector_subcore>, window_params = [{transform_indices = #map}, {transform_indices = #map1}, {transform_indices = #map1}, {transform_indices = #map}, {transform_indices = #map1}]} {
    %mul3A = arith.constant 16 : i32
    %mul3A_0 = arith.muli %arg0, %mul3A : i32
    %add3A = arith.addi %mul3A_0, %arg1 : i32
    %mul3A_1 = arith.constant 640 : i32
    %mul3A_2 = arith.muli %arg1, %mul3A_1 : i32
    "tpu.region"() ({
      %run_scoped3A = tpu.sem_alloc : memref<!tpu.dma_semaphore, #tpu.memory_space<semaphore_mem>>
      %dma_start3A_49 = arith.constant 0 : i32
      %dma_start3A_50 = tpu.memref_slice %arg7[%mul3A_2, %dma_start3A_49] : memref<10240x128xf32, #tpu.memory_space<vmem_shared>> -> memref<640x128xf32, #tpu.memory_space<vmem_shared>>
      %dma_start3A_51 = arith.constant 0 : i32
      %dma_start3A_52 = tpu.memref_slice %arg5[%mul3A_2, %dma_start3A_51] : memref<10240x128xf32, #tpu.memory_space<hbm>> -> memref<640x128xf32, #tpu.memory_space<hbm>>
      tpu.enqueue_dma source(%dma_start3A_52 : memref<640x128xf32, #tpu.memory_space<hbm>>) target(%dma_start3A_50 : memref<640x128xf32, #tpu.memory_space<vmem_shared>>) target_semaphore(%run_scoped3A : memref<!tpu.dma_semaphore, #tpu.memory_space<semaphore_mem>>)
      %dma_wait3A = arith.constant 0 : i32
      %dma_wait3A_53 = tpu.memref_slice %arg7[%mul3A_2, %dma_wait3A] : memref<10240x128xf32, #tpu.memory_space<vmem_shared>> -> memref<640x128xf32, #tpu.memory_space<vmem_shared>>
      %dma_wait3A_54 = arith.constant 0 : i32
      %dma_wait3A_55 = tpu.memref_slice %arg5[%mul3A_2, %dma_wait3A_54] : memref<10240x128xf32, #tpu.memory_space<hbm>> -> memref<640x128xf32, #tpu.memory_space<hbm>>
      tpu.wait_dma2 semaphore(%run_scoped3A : memref<!tpu.dma_semaphore, #tpu.memory_space<semaphore_mem>>) src(%dma_wait3A_55 : memref<640x128xf32, #tpu.memory_space<hbm>>) dst(%dma_wait3A_53 : memref<640x128xf32, #tpu.memory_space<vmem_shared>>)
      tpu.yield
    }) : () -> ()
    "tpu.region"() ({
      %run_scoped3A = tpu.sem_alloc : memref<!tpu.dma_semaphore, #tpu.memory_space<semaphore_mem>>
      %dma_start3A_49 = arith.constant 0 : i32
      %dma_start3A_50 = arith.constant 0 : i32
      %dma_start3A_51 = tpu.memref_slice %arg3[%add3A, %dma_start3A_49, %dma_start3A_50] : memref<32x120x128xi32, #tpu.memory_space<hbm>> -> memref<1x120x128xi32, #tpu.memory_space<hbm>>
      %dma_start3A_52 = tpu.memref_squeeze %dma_start3A_51 : memref<1x120x128xi32, #tpu.memory_space<hbm>> -> memref<120x128xi32, #tpu.memory_space<hbm>>
      %dma_start3A_53 = arith.constant 0 : i32
      %dma_start3A_54 = arith.constant 0 : i32
      %dma_start3A_55 = tpu.memref_slice %arg3[%add3A, %dma_start3A_53, %dma_start3A_54] : memref<32x120x128xi32, #tpu.memory_space<hbm>> -> memref<1x120x128xi32, #tpu.memory_space<hbm>>
      %dma_start3A_56 = tpu.memref_squeeze %dma_start3A_55 : memref<1x120x128xi32, #tpu.memory_space<hbm>> -> memref<120x128xi32, #tpu.memory_space<hbm>>
      tpu.enqueue_dma source(%dma_start3A_56 : memref<120x128xi32, #tpu.memory_space<hbm>>) target(%arg8 : memref<120x128xi32, #tpu.memory_space<vmem>>) target_semaphore(%run_scoped3A : memref<!tpu.dma_semaphore, #tpu.memory_space<semaphore_mem>>)
      %dma_wait3A = arith.constant 0 : i32
      %dma_wait3A_57 = arith.constant 0 : i32
      %dma_wait3A_58 = tpu.memref_slice %arg3[%add3A, %dma_wait3A, %dma_wait3A_57] : memref<32x120x128xi32, #tpu.memory_space<hbm>> -> memref<1x120x128xi32, #tpu.memory_space<hbm>>
      %dma_wait3A_59 = tpu.memref_squeeze %dma_wait3A_58 : memref<1x120x128xi32, #tpu.memory_space<hbm>> -> memref<120x128xi32, #tpu.memory_space<hbm>>
      %dma_wait3A_60 = arith.constant 0 : i32
      %dma_wait3A_61 = arith.constant 0 : i32
      %dma_wait3A_62 = tpu.memref_slice %arg3[%add3A, %dma_wait3A_60, %dma_wait3A_61] : memref<32x120x128xi32, #tpu.memory_space<hbm>> -> memref<1x120x128xi32, #tpu.memory_space<hbm>>
      %dma_wait3A_63 = tpu.memref_squeeze %dma_wait3A_62 : memref<1x120x128xi32, #tpu.memory_space<hbm>> -> memref<120x128xi32, #tpu.memory_space<hbm>>
      tpu.wait_dma2 semaphore(%run_scoped3A : memref<!tpu.dma_semaphore, #tpu.memory_space<semaphore_mem>>) src(%dma_wait3A_63 : memref<120x128xi32, #tpu.memory_space<hbm>>) dst(%arg8 : memref<120x128xi32, #tpu.memory_space<vmem>>)
      tpu.yield
    }) : () -> ()
    %barrier3A = arith.constant 0 : index
    tpu.barrier barrier_id(%barrier3A)
    %eq3A = arith.constant 0 : i32
    %eq3A_3 = arith.cmpi eq, %arg0, %eq3A : i32
    %jit3A = arith.constant 60 : i32
    %jit3A_4 = arith.constant 20 : i32
    %select_n3A = arith.select %eq3A_3, %jit3A, %jit3A_4 : i32
    %dma_start3A = arith.constant 0 : i32
    %dma_start3A_5 = arith.constant 0 : i32
    %dma_start3A_6 = tpu.memref_slice %arg8[%dma_start3A, %dma_start3A_5] : memref<120x128xi32, #tpu.memory_space<vmem>> -> memref<1x128xi32, #tpu.memory_space<vmem>>
    %dma_start3A_7 = tpu.memref_squeeze %dma_start3A_6 : memref<1x128xi32, #tpu.memory_space<vmem>> -> memref<128xi32, #tpu.memory_space<vmem>>
    %dma_start3A_8 = arith.constant 0 : i32
    %dma_start3A_9 = arith.constant 0 : i32
    %dma_start3A_10 = tpu.memref_slice %arg2[%dma_start3A_8, %dma_start3A_9] : memref<10000x128xf32, #tpu.memory_space<hbm>> -> memref<10000x128xf32, #tpu.memory_space<hbm>>
    tpu.enqueue_indirect_dma source(%dma_start3A_10 : memref<10000x128xf32, #tpu.memory_space<hbm>>) target(%arg11 : memref<128x128xf32, #tpu.memory_space<vmem>>) offsets(%dma_start3A_7 : memref<128xi32, #tpu.memory_space<vmem>>) semaphore(%arg13 : memref<!tpu.dma_semaphore, #tpu.memory_space<semaphore_mem>>)
    %dma_start3A_11 = arith.constant 1 : i32
    %dma_start3A_12 = arith.constant 0 : i32
    %dma_start3A_13 = tpu.memref_slice %arg8[%dma_start3A_11, %dma_start3A_12] : memref<120x128xi32, #tpu.memory_space<vmem>> -> memref<1x128xi32, #tpu.memory_space<vmem>>
    %dma_start3A_14 = tpu.memref_squeeze %dma_start3A_13 : memref<1x128xi32, #tpu.memory_space<vmem>> -> memref<128xi32, #tpu.memory_space<vmem>>
    %dma_start3A_15 = arith.constant 0 : i32
    %dma_start3A_16 = arith.constant 0 : i32
    %dma_start3A_17 = tpu.memref_slice %arg2[%dma_start3A_15, %dma_start3A_16] : memref<10000x128xf32, #tpu.memory_space<hbm>> -> memref<10000x128xf32, #tpu.memory_space<hbm>>
    tpu.enqueue_indirect_dma source(%dma_start3A_17 : memref<10000x128xf32, #tpu.memory_space<hbm>>) target(%arg12 : memref<128x128xf32, #tpu.memory_space<vmem>>) offsets(%dma_start3A_14 : memref<128xi32, #tpu.memory_space<vmem>>) semaphore(%arg14 : memref<!tpu.dma_semaphore, #tpu.memory_space<semaphore_mem>>)
    %dma_start3A_18 = arith.constant 0 : i32
    %dma_start3A_19 = arith.constant 0 : i32
    %dma_start3A_20 = tpu.memref_slice %arg4[%add3A, %dma_start3A_18, %dma_start3A_19] : memref<32x120x128xi32, #tpu.memory_space<hbm>> -> memref<1x1x128xi32, #tpu.memory_space<hbm>>
    %dma_start3A_21 = tpu.memref_squeeze %dma_start3A_20 : memref<1x1x128xi32, #tpu.memory_space<hbm>> -> memref<128xi32, #tpu.memory_space<hbm>>
    %dma_start3A_22 = arith.constant 0 : i32
    %dma_start3A_23 = tpu.memref_slice %arg4[%add3A, %dma_start3A_18, %dma_start3A_22] : memref<32x120x128xi32, #tpu.memory_space<hbm>> -> memref<1x1x128xi32, #tpu.memory_space<hbm>>
    %dma_start3A_24 = tpu.memref_squeeze %dma_start3A_23 : memref<1x1x128xi32, #tpu.memory_space<hbm>> -> memref<128xi32, #tpu.memory_space<hbm>>
    tpu.enqueue_dma source(%dma_start3A_24 : memref<128xi32, #tpu.memory_space<hbm>>) target(%arg9 : memref<128xi32, #tpu.memory_space<vmem>>) target_semaphore(%arg17 : memref<!tpu.dma_semaphore, #tpu.memory_space<semaphore_mem>>)
    %dma_start3A_25 = arith.constant 1 : i32
    %dma_start3A_26 = arith.constant 0 : i32
    %dma_start3A_27 = tpu.memref_slice %arg4[%add3A, %dma_start3A_25, %dma_start3A_26] : memref<32x120x128xi32, #tpu.memory_space<hbm>> -> memref<1x1x128xi32, #tpu.memory_space<hbm>>
    %dma_start3A_28 = tpu.memref_squeeze %dma_start3A_27 : memref<1x1x128xi32, #tpu.memory_space<hbm>> -> memref<128xi32, #tpu.memory_space<hbm>>
    %dma_start3A_29 = arith.constant 0 : i32
    %dma_start3A_30 = tpu.memref_slice %arg4[%add3A, %dma_start3A_25, %dma_start3A_29] : memref<32x120x128xi32, #tpu.memory_space<hbm>> -> memref<1x1x128xi32, #tpu.memory_space<hbm>>
    %dma_start3A_31 = tpu.memref_squeeze %dma_start3A_30 : memref<1x1x128xi32, #tpu.memory_space<hbm>> -> memref<128xi32, #tpu.memory_space<hbm>>
    tpu.enqueue_dma source(%dma_start3A_31 : memref<128xi32, #tpu.memory_space<hbm>>) target(%arg10 : memref<128xi32, #tpu.memory_space<vmem>>) target_semaphore(%arg18 : memref<!tpu.dma_semaphore, #tpu.memory_space<semaphore_mem>>)
    %sub3A = arith.constant 0 : i32
    %sub3A_32 = arith.subi %select_n3A, %sub3A : i32
    %sub3A_33 = arith.constant 1 : i32
    %sub3A_34 = arith.constant 1 : i32
    %sub3A_35 = arith.subi %sub3A_33, %sub3A_34 : i32
    %add3A_36 = arith.addi %sub3A_32, %sub3A_35 : i32
    %div3A = arith.constant 1 : i32
    %div3A_37 = arith.divsi %add3A_36, %div3A : i32
    %while3A = arith.constant 1 : i32
    %while3A_38 = arith.constant 0 : i32
    %while3A_39 = arith.constant 0 : i32
    %while3A_40 = arith.subi %div3A_37, %while3A_39 : i32
    %while3A_41 = arith.addi %while3A_39, %while3A_40 : i32
    %while3A_42 = arith.constant 1 : i32
    %while3A_43 = arith.divsi %while3A_40, %while3A_42 : i32
    %while3A_44 = arith.muli %while3A_43, %while3A_42 : i32
    %while3A_45 = arith.addi %while3A_39, %while3A_44 : i32
    %while3A_46 = arith.constant 1 : i32
    scf.for %while3A_49 = %while3A_39 to %while3A_45 step %while3A_46  : i32 {
      %mul3A_50 = arith.muli %while3A_49, %while3A : i32
      %add3A_51 = arith.addi %while3A_38, %mul3A_50 : i32
      %mul3A_52 = arith.constant 2 : i32
      %mul3A_53 = arith.muli %mul3A_52, %add3A_51 : i32
      %add3A_54 = arith.constant 1 : i32
      %add3A_55 = arith.addi %mul3A_53, %add3A_54 : i32
      %dma_wait3A = arith.constant 0 : i32
      %dma_wait3A_56 = tpu.memref_slice %arg8[%mul3A_53, %dma_wait3A] : memref<120x128xi32, #tpu.memory_space<vmem>> -> memref<1x128xi32, #tpu.memory_space<vmem>>
      %dma_wait3A_57 = tpu.memref_squeeze %dma_wait3A_56 : memref<1x128xi32, #tpu.memory_space<vmem>> -> memref<128xi32, #tpu.memory_space<vmem>>
      %dma_wait3A_58 = arith.constant 0 : i32
      %dma_wait3A_59 = arith.constant 0 : i32
      %dma_wait3A_60 = tpu.memref_slice %arg2[%dma_wait3A_58, %dma_wait3A_59] : memref<10000x128xf32, #tpu.memory_space<hbm>> -> memref<10000x128xf32, #tpu.memory_space<hbm>>
      tpu.wait_indirect_dma semaphore(%arg13 : memref<!tpu.dma_semaphore, #tpu.memory_space<semaphore_mem>>) src(%dma_wait3A_60 : memref<10000x128xf32, #tpu.memory_space<hbm>>) dst(%arg11 : memref<128x128xf32, #tpu.memory_space<vmem>>)
      %dma_wait3A_61 = arith.constant 0 : i32
      %dma_wait3A_62 = tpu.memref_slice %arg4[%add3A, %mul3A_53, %dma_wait3A_61] : memref<32x120x128xi32, #tpu.memory_space<hbm>> -> memref<1x1x128xi32, #tpu.memory_space<hbm>>
      %dma_wait3A_63 = tpu.memref_squeeze %dma_wait3A_62 : memref<1x1x128xi32, #tpu.memory_space<hbm>> -> memref<128xi32, #tpu.memory_space<hbm>>
      %dma_wait3A_64 = arith.constant 0 : i32
      %dma_wait3A_65 = tpu.memref_slice %arg4[%add3A, %mul3A_53, %dma_wait3A_64] : memref<32x120x128xi32, #tpu.memory_space<hbm>> -> memref<1x1x128xi32, #tpu.memory_space<hbm>>
      %dma_wait3A_66 = tpu.memref_squeeze %dma_wait3A_65 : memref<1x1x128xi32, #tpu.memory_space<hbm>> -> memref<128xi32, #tpu.memory_space<hbm>>
      tpu.wait_dma2 semaphore(%arg17 : memref<!tpu.dma_semaphore, #tpu.memory_space<semaphore_mem>>) src(%dma_wait3A_66 : memref<128xi32, #tpu.memory_space<hbm>>) dst(%arg9 : memref<128xi32, #tpu.memory_space<vmem>>)
      %dma_start3A_67 = arith.constant 0 : i32
      %dma_start3A_68 = arith.constant 0 : i32
      %dma_start3A_69 = tpu.memref_slice %arg7[%dma_start3A_67, %dma_start3A_68] : memref<10240x128xf32, #tpu.memory_space<vmem_shared>> -> memref<10240x128xf32, #tpu.memory_space<vmem_shared>>
      tpu.enqueue_indirect_dma source(%arg11 : memref<128x128xf32, #tpu.memory_space<vmem>>) target(%dma_start3A_69 : memref<10240x128xf32, #tpu.memory_space<vmem_shared>>) offsets(%arg9 : memref<128xi32, #tpu.memory_space<vmem>>) semaphore(%arg15 : memref<!tpu.dma_semaphore, #tpu.memory_space<semaphore_mem>>) {add = true}
      %dma_wait3A_70 = arith.constant 0 : i32
      %dma_wait3A_71 = tpu.memref_slice %arg8[%add3A_55, %dma_wait3A_70] : memref<120x128xi32, #tpu.memory_space<vmem>> -> memref<1x128xi32, #tpu.memory_space<vmem>>
      %dma_wait3A_72 = tpu.memref_squeeze %dma_wait3A_71 : memref<1x128xi32, #tpu.memory_space<vmem>> -> memref<128xi32, #tpu.memory_space<vmem>>
      %dma_wait3A_73 = arith.constant 0 : i32
      %dma_wait3A_74 = arith.constant 0 : i32
      %dma_wait3A_75 = tpu.memref_slice %arg2[%dma_wait3A_73, %dma_wait3A_74] : memref<10000x128xf32, #tpu.memory_space<hbm>> -> memref<10000x128xf32, #tpu.memory_space<hbm>>
      tpu.wait_indirect_dma semaphore(%arg14 : memref<!tpu.dma_semaphore, #tpu.memory_space<semaphore_mem>>) src(%dma_wait3A_75 : memref<10000x128xf32, #tpu.memory_space<hbm>>) dst(%arg12 : memref<128x128xf32, #tpu.memory_space<vmem>>)
      %dma_wait3A_76 = arith.constant 0 : i32
      %dma_wait3A_77 = tpu.memref_slice %arg4[%add3A, %add3A_55, %dma_wait3A_76] : memref<32x120x128xi32, #tpu.memory_space<hbm>> -> memref<1x1x128xi32, #tpu.memory_space<hbm>>
      %dma_wait3A_78 = tpu.memref_squeeze %dma_wait3A_77 : memref<1x1x128xi32, #tpu.memory_space<hbm>> -> memref<128xi32, #tpu.memory_space<hbm>>
      %dma_wait3A_79 = arith.constant 0 : i32
      %dma_wait3A_80 = tpu.memref_slice %arg4[%add3A, %add3A_55, %dma_wait3A_79] : memref<32x120x128xi32, #tpu.memory_space<hbm>> -> memref<1x1x128xi32, #tpu.memory_space<hbm>>
      %dma_wait3A_81 = tpu.memref_squeeze %dma_wait3A_80 : memref<1x1x128xi32, #tpu.memory_space<hbm>> -> memref<128xi32, #tpu.memory_space<hbm>>
      tpu.wait_dma2 semaphore(%arg18 : memref<!tpu.dma_semaphore, #tpu.memory_space<semaphore_mem>>) src(%dma_wait3A_81 : memref<128xi32, #tpu.memory_space<hbm>>) dst(%arg10 : memref<128xi32, #tpu.memory_space<vmem>>)
      %dma_start3A_82 = arith.constant 0 : i32
      %dma_start3A_83 = arith.constant 0 : i32
      %dma_start3A_84 = tpu.memref_slice %arg7[%dma_start3A_82, %dma_start3A_83] : memref<10240x128xf32, #tpu.memory_space<vmem_shared>> -> memref<10240x128xf32, #tpu.memory_space<vmem_shared>>
      tpu.enqueue_indirect_dma source(%arg12 : memref<128x128xf32, #tpu.memory_space<vmem>>) target(%dma_start3A_84 : memref<10240x128xf32, #tpu.memory_space<vmem_shared>>) offsets(%arg10 : memref<128xi32, #tpu.memory_space<vmem>>) semaphore(%arg16 : memref<!tpu.dma_semaphore, #tpu.memory_space<semaphore_mem>>) {add = true}
      %dma_wait3A_85 = arith.constant 0 : i32
      %dma_wait3A_86 = arith.constant 0 : i32
      %dma_wait3A_87 = tpu.memref_slice %arg7[%dma_wait3A_85, %dma_wait3A_86] : memref<10240x128xf32, #tpu.memory_space<vmem_shared>> -> memref<10240x128xf32, #tpu.memory_space<vmem_shared>>
      tpu.wait_indirect_dma semaphore(%arg15 : memref<!tpu.dma_semaphore, #tpu.memory_space<semaphore_mem>>) src(%arg11 : memref<128x128xf32, #tpu.memory_space<vmem>>) dst(%dma_wait3A_87 : memref<10240x128xf32, #tpu.memory_space<vmem_shared>>)
      %dma_wait3A_88 = arith.constant 0 : i32
      %dma_wait3A_89 = arith.constant 0 : i32
      %dma_wait3A_90 = tpu.memref_slice %arg7[%dma_wait3A_88, %dma_wait3A_89] : memref<10240x128xf32, #tpu.memory_space<vmem_shared>> -> memref<10240x128xf32, #tpu.memory_space<vmem_shared>>
      tpu.wait_indirect_dma semaphore(%arg16 : memref<!tpu.dma_semaphore, #tpu.memory_space<semaphore_mem>>) src(%arg12 : memref<128x128xf32, #tpu.memory_space<vmem>>) dst(%dma_wait3A_90 : memref<10240x128xf32, #tpu.memory_space<vmem_shared>>)
      %sub3A_91 = arith.constant 1 : i32
      %sub3A_92 = arith.subi %select_n3A, %sub3A_91 : i32
      %lt3A = arith.cmpi slt, %add3A_51, %sub3A_92 : i32
      %convert_element_type3A = arith.extui %lt3A : i1 to i32
      %cond3A = arith.constant 0 : i32
      %cond3A_93 = arith.cmpi ne, %convert_element_type3A, %cond3A : i32
      scf.if %cond3A_93 {
        %add3A_94 = arith.constant 2 : i32
        %add3A_95 = arith.addi %mul3A_53, %add3A_94 : i32
        %dma_start3A_96 = arith.constant 0 : i32
        %dma_start3A_97 = tpu.memref_slice %arg8[%add3A_95, %dma_start3A_96] : memref<120x128xi32, #tpu.memory_space<vmem>> -> memref<1x128xi32, #tpu.memory_space<vmem>>
        %dma_start3A_98 = tpu.memref_squeeze %dma_start3A_97 : memref<1x128xi32, #tpu.memory_space<vmem>> -> memref<128xi32, #tpu.memory_space<vmem>>
        %dma_start3A_99 = arith.constant 0 : i32
        %dma_start3A_100 = arith.constant 0 : i32
        %dma_start3A_101 = tpu.memref_slice %arg2[%dma_start3A_99, %dma_start3A_100] : memref<10000x128xf32, #tpu.memory_space<hbm>> -> memref<10000x128xf32, #tpu.memory_space<hbm>>
        tpu.enqueue_indirect_dma source(%dma_start3A_101 : memref<10000x128xf32, #tpu.memory_space<hbm>>) target(%arg11 : memref<128x128xf32, #tpu.memory_space<vmem>>) offsets(%dma_start3A_98 : memref<128xi32, #tpu.memory_space<vmem>>) semaphore(%arg13 : memref<!tpu.dma_semaphore, #tpu.memory_space<semaphore_mem>>)
        %add3A_102 = arith.constant 2 : i32
        %add3A_103 = arith.addi %add3A_55, %add3A_102 : i32
        %dma_start3A_104 = arith.constant 0 : i32
        %dma_start3A_105 = tpu.memref_slice %arg8[%add3A_103, %dma_start3A_104] : memref<120x128xi32, #tpu.memory_space<vmem>> -> memref<1x128xi32, #tpu.memory_space<vmem>>
        %dma_start3A_106 = tpu.memref_squeeze %dma_start3A_105 : memref<1x128xi32, #tpu.memory_space<vmem>> -> memref<128xi32, #tpu.memory_space<vmem>>
        %dma_start3A_107 = arith.constant 0 : i32
        %dma_start3A_108 = arith.constant 0 : i32
        %dma_start3A_109 = tpu.memref_slice %arg2[%dma_start3A_107, %dma_start3A_108] : memref<10000x128xf32, #tpu.memory_space<hbm>> -> memref<10000x128xf32, #tpu.memory_space<hbm>>
        tpu.enqueue_indirect_dma source(%dma_start3A_109 : memref<10000x128xf32, #tpu.memory_space<hbm>>) target(%arg12 : memref<128x128xf32, #tpu.memory_space<vmem>>) offsets(%dma_start3A_106 : memref<128xi32, #tpu.memory_space<vmem>>) semaphore(%arg14 : memref<!tpu.dma_semaphore, #tpu.memory_space<semaphore_mem>>)
        %add3A_110 = arith.constant 2 : i32
        %add3A_111 = arith.addi %mul3A_53, %add3A_110 : i32
        %dma_start3A_112 = arith.constant 0 : i32
        %dma_start3A_113 = tpu.memref_slice %arg4[%add3A, %add3A_111, %dma_start3A_112] : memref<32x120x128xi32, #tpu.memory_space<hbm>> -> memref<1x1x128xi32, #tpu.memory_space<hbm>>
        %dma_start3A_114 = tpu.memref_squeeze %dma_start3A_113 : memref<1x1x128xi32, #tpu.memory_space<hbm>> -> memref<128xi32, #tpu.memory_space<hbm>>
        %dma_start3A_115 = arith.constant 0 : i32
        %dma_start3A_116 = tpu.memref_slice %arg4[%add3A, %add3A_111, %dma_start3A_115] : memref<32x120x128xi32, #tpu.memory_space<hbm>> -> memref<1x1x128xi32, #tpu.memory_space<hbm>>
        %dma_start3A_117 = tpu.memref_squeeze %dma_start3A_116 : memref<1x1x128xi32, #tpu.memory_space<hbm>> -> memref<128xi32, #tpu.memory_space<hbm>>
        tpu.enqueue_dma source(%dma_start3A_117 : memref<128xi32, #tpu.memory_space<hbm>>) target(%arg9 : memref<128xi32, #tpu.memory_space<vmem>>) target_semaphore(%arg17 : memref<!tpu.dma_semaphore, #tpu.memory_space<semaphore_mem>>)
        %add3A_118 = arith.constant 2 : i32
        %add3A_119 = arith.addi %add3A_55, %add3A_118 : i32
        %dma_start3A_120 = arith.constant 0 : i32
        %dma_start3A_121 = tpu.memref_slice %arg4[%add3A, %add3A_119, %dma_start3A_120] : memref<32x120x128xi32, #tpu.memory_space<hbm>> -> memref<1x1x128xi32, #tpu.memory_space<hbm>>
        %dma_start3A_122 = tpu.memref_squeeze %dma_start3A_121 : memref<1x1x128xi32, #tpu.memory_space<hbm>> -> memref<128xi32, #tpu.memory_space<hbm>>
        %dma_start3A_123 = arith.constant 0 : i32
        %dma_start3A_124 = tpu.memref_slice %arg4[%add3A, %add3A_119, %dma_start3A_123] : memref<32x120x128xi32, #tpu.memory_space<hbm>> -> memref<1x1x128xi32, #tpu.memory_space<hbm>>
        %dma_start3A_125 = tpu.memref_squeeze %dma_start3A_124 : memref<1x1x128xi32, #tpu.memory_space<hbm>> -> memref<128xi32, #tpu.memory_space<hbm>>
        tpu.enqueue_dma source(%dma_start3A_125 : memref<128xi32, #tpu.memory_space<hbm>>) target(%arg10 : memref<128xi32, #tpu.memory_space<vmem>>) target_semaphore(%arg18 : memref<!tpu.dma_semaphore, #tpu.memory_space<semaphore_mem>>)
      } else {
      }
    }
    %while3A_47 = arith.constant 1 : i32
    scf.for %while3A_49 = %while3A_45 to %while3A_41 step %while3A_47  : i32 {
      %mul3A_50 = arith.muli %while3A_49, %while3A : i32
      %add3A_51 = arith.addi %while3A_38, %mul3A_50 : i32
      %mul3A_52 = arith.constant 2 : i32
      %mul3A_53 = arith.muli %mul3A_52, %add3A_51 : i32
      %add3A_54 = arith.constant 1 : i32
      %add3A_55 = arith.addi %mul3A_53, %add3A_54 : i32
      %dma_wait3A = arith.constant 0 : i32
      %dma_wait3A_56 = tpu.memref_slice %arg8[%mul3A_53, %dma_wait3A] : memref<120x128xi32, #tpu.memory_space<vmem>> -> memref<1x128xi32, #tpu.memory_space<vmem>>
      %dma_wait3A_57 = tpu.memref_squeeze %dma_wait3A_56 : memref<1x128xi32, #tpu.memory_space<vmem>> -> memref<128xi32, #tpu.memory_space<vmem>>
      %dma_wait3A_58 = arith.constant 0 : i32
      %dma_wait3A_59 = arith.constant 0 : i32
      %dma_wait3A_60 = tpu.memref_slice %arg2[%dma_wait3A_58, %dma_wait3A_59] : memref<10000x128xf32, #tpu.memory_space<hbm>> -> memref<10000x128xf32, #tpu.memory_space<hbm>>
      tpu.wait_indirect_dma semaphore(%arg13 : memref<!tpu.dma_semaphore, #tpu.memory_space<semaphore_mem>>) src(%dma_wait3A_60 : memref<10000x128xf32, #tpu.memory_space<hbm>>) dst(%arg11 : memref<128x128xf32, #tpu.memory_space<vmem>>)
      %dma_wait3A_61 = arith.constant 0 : i32
      %dma_wait3A_62 = tpu.memref_slice %arg4[%add3A, %mul3A_53, %dma_wait3A_61] : memref<32x120x128xi32, #tpu.memory_space<hbm>> -> memref<1x1x128xi32, #tpu.memory_space<hbm>>
      %dma_wait3A_63 = tpu.memref_squeeze %dma_wait3A_62 : memref<1x1x128xi32, #tpu.memory_space<hbm>> -> memref<128xi32, #tpu.memory_space<hbm>>
      %dma_wait3A_64 = arith.constant 0 : i32
      %dma_wait3A_65 = tpu.memref_slice %arg4[%add3A, %mul3A_53, %dma_wait3A_64] : memref<32x120x128xi32, #tpu.memory_space<hbm>> -> memref<1x1x128xi32, #tpu.memory_space<hbm>>
      %dma_wait3A_66 = tpu.memref_squeeze %dma_wait3A_65 : memref<1x1x128xi32, #tpu.memory_space<hbm>> -> memref<128xi32, #tpu.memory_space<hbm>>
      tpu.wait_dma2 semaphore(%arg17 : memref<!tpu.dma_semaphore, #tpu.memory_space<semaphore_mem>>) src(%dma_wait3A_66 : memref<128xi32, #tpu.memory_space<hbm>>) dst(%arg9 : memref<128xi32, #tpu.memory_space<vmem>>)
      %dma_start3A_67 = arith.constant 0 : i32
      %dma_start3A_68 = arith.constant 0 : i32
      %dma_start3A_69 = tpu.memref_slice %arg7[%dma_start3A_67, %dma_start3A_68] : memref<10240x128xf32, #tpu.memory_space<vmem_shared>> -> memref<10240x128xf32, #tpu.memory_space<vmem_shared>>
      tpu.enqueue_indirect_dma source(%arg11 : memref<128x128xf32, #tpu.memory_space<vmem>>) target(%dma_start3A_69 : memref<10240x128xf32, #tpu.memory_space<vmem_shared>>) offsets(%arg9 : memref<128xi32, #tpu.memory_space<vmem>>) semaphore(%arg15 : memref<!tpu.dma_semaphore, #tpu.memory_space<semaphore_mem>>) {add = true}
      %dma_wait3A_70 = arith.constant 0 : i32
      %dma_wait3A_71 = tpu.memref_slice %arg8[%add3A_55, %dma_wait3A_70] : memref<120x128xi32, #tpu.memory_space<vmem>> -> memref<1x128xi32, #tpu.memory_space<vmem>>
      %dma_wait3A_72 = tpu.memref_squeeze %dma_wait3A_71 : memref<1x128xi32, #tpu.memory_space<vmem>> -> memref<128xi32, #tpu.memory_space<vmem>>
      %dma_wait3A_73 = arith.constant 0 : i32
      %dma_wait3A_74 = arith.constant 0 : i32
      %dma_wait3A_75 = tpu.memref_slice %arg2[%dma_wait3A_73, %dma_wait3A_74] : memref<10000x128xf32, #tpu.memory_space<hbm>> -> memref<10000x128xf32, #tpu.memory_space<hbm>>
      tpu.wait_indirect_dma semaphore(%arg14 : memref<!tpu.dma_semaphore, #tpu.memory_space<semaphore_mem>>) src(%dma_wait3A_75 : memref<10000x128xf32, #tpu.memory_space<hbm>>) dst(%arg12 : memref<128x128xf32, #tpu.memory_space<vmem>>)
      %dma_wait3A_76 = arith.constant 0 : i32
      %dma_wait3A_77 = tpu.memref_slice %arg4[%add3A, %add3A_55, %dma_wait3A_76] : memref<32x120x128xi32, #tpu.memory_space<hbm>> -> memref<1x1x128xi32, #tpu.memory_space<hbm>>
      %dma_wait3A_78 = tpu.memref_squeeze %dma_wait3A_77 : memref<1x1x128xi32, #tpu.memory_space<hbm>> -> memref<128xi32, #tpu.memory_space<hbm>>
      %dma_wait3A_79 = arith.constant 0 : i32
      %dma_wait3A_80 = tpu.memref_slice %arg4[%add3A, %add3A_55, %dma_wait3A_79] : memref<32x120x128xi32, #tpu.memory_space<hbm>> -> memref<1x1x128xi32, #tpu.memory_space<hbm>>
      %dma_wait3A_81 = tpu.memref_squeeze %dma_wait3A_80 : memref<1x1x128xi32, #tpu.memory_space<hbm>> -> memref<128xi32, #tpu.memory_space<hbm>>
      tpu.wait_dma2 semaphore(%arg18 : memref<!tpu.dma_semaphore, #tpu.memory_space<semaphore_mem>>) src(%dma_wait3A_81 : memref<128xi32, #tpu.memory_space<hbm>>) dst(%arg10 : memref<128xi32, #tpu.memory_space<vmem>>)
      %dma_start3A_82 = arith.constant 0 : i32
      %dma_start3A_83 = arith.constant 0 : i32
      %dma_start3A_84 = tpu.memref_slice %arg7[%dma_start3A_82, %dma_start3A_83] : memref<10240x128xf32, #tpu.memory_space<vmem_shared>> -> memref<10240x128xf32, #tpu.memory_space<vmem_shared>>
      tpu.enqueue_indirect_dma source(%arg12 : memref<128x128xf32, #tpu.memory_space<vmem>>) target(%dma_start3A_84 : memref<10240x128xf32, #tpu.memory_space<vmem_shared>>) offsets(%arg10 : memref<128xi32, #tpu.memory_space<vmem>>) semaphore(%arg16 : memref<!tpu.dma_semaphore, #tpu.memory_space<semaphore_mem>>) {add = true}
      %dma_wait3A_85 = arith.constant 0 : i32
      %dma_wait3A_86 = arith.constant 0 : i32
      %dma_wait3A_87 = tpu.memref_slice %arg7[%dma_wait3A_85, %dma_wait3A_86] : memref<10240x128xf32, #tpu.memory_space<vmem_shared>> -> memref<10240x128xf32, #tpu.memory_space<vmem_shared>>
      tpu.wait_indirect_dma semaphore(%arg15 : memref<!tpu.dma_semaphore, #tpu.memory_space<semaphore_mem>>) src(%arg11 : memref<128x128xf32, #tpu.memory_space<vmem>>) dst(%dma_wait3A_87 : memref<10240x128xf32, #tpu.memory_space<vmem_shared>>)
      %dma_wait3A_88 = arith.constant 0 : i32
      %dma_wait3A_89 = arith.constant 0 : i32
      %dma_wait3A_90 = tpu.memref_slice %arg7[%dma_wait3A_88, %dma_wait3A_89] : memref<10240x128xf32, #tpu.memory_space<vmem_shared>> -> memref<10240x128xf32, #tpu.memory_space<vmem_shared>>
      tpu.wait_indirect_dma semaphore(%arg16 : memref<!tpu.dma_semaphore, #tpu.memory_space<semaphore_mem>>) src(%arg12 : memref<128x128xf32, #tpu.memory_space<vmem>>) dst(%dma_wait3A_90 : memref<10240x128xf32, #tpu.memory_space<vmem_shared>>)
      %sub3A_91 = arith.constant 1 : i32
      %sub3A_92 = arith.subi %select_n3A, %sub3A_91 : i32
      %lt3A = arith.cmpi slt, %add3A_51, %sub3A_92 : i32
      %convert_element_type3A = arith.extui %lt3A : i1 to i32
      %cond3A = arith.constant 0 : i32
      %cond3A_93 = arith.cmpi ne, %convert_element_type3A, %cond3A : i32
      scf.if %cond3A_93 {
        %add3A_94 = arith.constant 2 : i32
        %add3A_95 = arith.addi %mul3A_53, %add3A_94 : i32
        %dma_start3A_96 = arith.constant 0 : i32
        %dma_start3A_97 = tpu.memref_slice %arg8[%add3A_95, %dma_start3A_96] : memref<120x128xi32, #tpu.memory_space<vmem>> -> memref<1x128xi32, #tpu.memory_space<vmem>>
        %dma_start3A_98 = tpu.memref_squeeze %dma_start3A_97 : memref<1x128xi32, #tpu.memory_space<vmem>> -> memref<128xi32, #tpu.memory_space<vmem>>
        %dma_start3A_99 = arith.constant 0 : i32
        %dma_start3A_100 = arith.constant 0 : i32
        %dma_start3A_101 = tpu.memref_slice %arg2[%dma_start3A_99, %dma_start3A_100] : memref<10000x128xf32, #tpu.memory_space<hbm>> -> memref<10000x128xf32, #tpu.memory_space<hbm>>
        tpu.enqueue_indirect_dma source(%dma_start3A_101 : memref<10000x128xf32, #tpu.memory_space<hbm>>) target(%arg11 : memref<128x128xf32, #tpu.memory_space<vmem>>) offsets(%dma_start3A_98 : memref<128xi32, #tpu.memory_space<vmem>>) semaphore(%arg13 : memref<!tpu.dma_semaphore, #tpu.memory_space<semaphore_mem>>)
        %add3A_102 = arith.constant 2 : i32
        %add3A_103 = arith.addi %add3A_55, %add3A_102 : i32
        %dma_start3A_104 = arith.constant 0 : i32
        %dma_start3A_105 = tpu.memref_slice %arg8[%add3A_103, %dma_start3A_104] : memref<120x128xi32, #tpu.memory_space<vmem>> -> memref<1x128xi32, #tpu.memory_space<vmem>>
        %dma_start3A_106 = tpu.memref_squeeze %dma_start3A_105 : memref<1x128xi32, #tpu.memory_space<vmem>> -> memref<128xi32, #tpu.memory_space<vmem>>
        %dma_start3A_107 = arith.constant 0 : i32
        %dma_start3A_108 = arith.constant 0 : i32
        %dma_start3A_109 = tpu.memref_slice %arg2[%dma_start3A_107, %dma_start3A_108] : memref<10000x128xf32, #tpu.memory_space<hbm>> -> memref<10000x128xf32, #tpu.memory_space<hbm>>
        tpu.enqueue_indirect_dma source(%dma_start3A_109 : memref<10000x128xf32, #tpu.memory_space<hbm>>) target(%arg12 : memref<128x128xf32, #tpu.memory_space<vmem>>) offsets(%dma_start3A_106 : memref<128xi32, #tpu.memory_space<vmem>>) semaphore(%arg14 : memref<!tpu.dma_semaphore, #tpu.memory_space<semaphore_mem>>)
        %add3A_110 = arith.constant 2 : i32
        %add3A_111 = arith.addi %mul3A_53, %add3A_110 : i32
        %dma_start3A_112 = arith.constant 0 : i32
        %dma_start3A_113 = tpu.memref_slice %arg4[%add3A, %add3A_111, %dma_start3A_112] : memref<32x120x128xi32, #tpu.memory_space<hbm>> -> memref<1x1x128xi32, #tpu.memory_space<hbm>>
        %dma_start3A_114 = tpu.memref_squeeze %dma_start3A_113 : memref<1x1x128xi32, #tpu.memory_space<hbm>> -> memref<128xi32, #tpu.memory_space<hbm>>
        %dma_start3A_115 = arith.constant 0 : i32
        %dma_start3A_116 = tpu.memref_slice %arg4[%add3A, %add3A_111, %dma_start3A_115] : memref<32x120x128xi32, #tpu.memory_space<hbm>> -> memref<1x1x128xi32, #tpu.memory_space<hbm>>
        %dma_start3A_117 = tpu.memref_squeeze %dma_start3A_116 : memref<1x1x128xi32, #tpu.memory_space<hbm>> -> memref<128xi32, #tpu.memory_space<hbm>>
        tpu.enqueue_dma source(%dma_start3A_117 : memref<128xi32, #tpu.memory_space<hbm>>) target(%arg9 : memref<128xi32, #tpu.memory_space<vmem>>) target_semaphore(%arg17 : memref<!tpu.dma_semaphore, #tpu.memory_space<semaphore_mem>>)
        %add3A_118 = arith.constant 2 : i32
        %add3A_119 = arith.addi %add3A_55, %add3A_118 : i32
        %dma_start3A_120 = arith.constant 0 : i32
        %dma_start3A_121 = tpu.memref_slice %arg4[%add3A, %add3A_119, %dma_start3A_120] : memref<32x120x128xi32, #tpu.memory_space<hbm>> -> memref<1x1x128xi32, #tpu.memory_space<hbm>>
        %dma_start3A_122 = tpu.memref_squeeze %dma_start3A_121 : memref<1x1x128xi32, #tpu.memory_space<hbm>> -> memref<128xi32, #tpu.memory_space<hbm>>
        %dma_start3A_123 = arith.constant 0 : i32
        %dma_start3A_124 = tpu.memref_slice %arg4[%add3A, %add3A_119, %dma_start3A_123] : memref<32x120x128xi32, #tpu.memory_space<hbm>> -> memref<1x1x128xi32, #tpu.memory_space<hbm>>
        %dma_start3A_125 = tpu.memref_squeeze %dma_start3A_124 : memref<1x1x128xi32, #tpu.memory_space<hbm>> -> memref<128xi32, #tpu.memory_space<hbm>>
        tpu.enqueue_dma source(%dma_start3A_125 : memref<128xi32, #tpu.memory_space<hbm>>) target(%arg10 : memref<128xi32, #tpu.memory_space<vmem>>) target_semaphore(%arg18 : memref<!tpu.dma_semaphore, #tpu.memory_space<semaphore_mem>>)
      } else {
      }
    }
    %barrier3A_48 = arith.constant 0 : index
    tpu.barrier barrier_id(%barrier3A_48)
    "tpu.region"() ({
      %run_scoped3A = tpu.sem_alloc : memref<!tpu.dma_semaphore, #tpu.memory_space<semaphore_mem>>
      %dma_start3A_49 = arith.constant 0 : i32
      %dma_start3A_50 = tpu.memref_slice %arg6[%arg0, %mul3A_2, %dma_start3A_49] : memref<2x10240x128xf32, #tpu.memory_space<hbm>> -> memref<1x640x128xf32, #tpu.memory_space<hbm>>
      %dma_start3A_51 = tpu.memref_squeeze %dma_start3A_50 : memref<1x640x128xf32, #tpu.memory_space<hbm>> -> memref<640x128xf32, #tpu.memory_space<hbm>>
      %dma_start3A_52 = arith.constant 0 : i32
      %dma_start3A_53 = tpu.memref_slice %arg7[%mul3A_2, %dma_start3A_52] : memref<10240x128xf32, #tpu.memory_space<vmem_shared>> -> memref<640x128xf32, #tpu.memory_space<vmem_shared>>
      tpu.enqueue_dma source(%dma_start3A_53 : memref<640x128xf32, #tpu.memory_space<vmem_shared>>) target(%dma_start3A_51 : memref<640x128xf32, #tpu.memory_space<hbm>>) target_semaphore(%run_scoped3A : memref<!tpu.dma_semaphore, #tpu.memory_space<semaphore_mem>>)
      %dma_wait3A = arith.constant 0 : i32
      %dma_wait3A_54 = tpu.memref_slice %arg6[%arg0, %mul3A_2, %dma_wait3A] : memref<2x10240x128xf32, #tpu.memory_space<hbm>> -> memref<1x640x128xf32, #tpu.memory_space<hbm>>
      %dma_wait3A_55 = tpu.memref_squeeze %dma_wait3A_54 : memref<1x640x128xf32, #tpu.memory_space<hbm>> -> memref<640x128xf32, #tpu.memory_space<hbm>>
      %dma_wait3A_56 = arith.constant 0 : i32
      %dma_wait3A_57 = tpu.memref_slice %arg7[%mul3A_2, %dma_wait3A_56] : memref<10240x128xf32, #tpu.memory_space<vmem_shared>> -> memref<640x128xf32, #tpu.memory_space<vmem_shared>>
      tpu.wait_dma2 semaphore(%run_scoped3A : memref<!tpu.dma_semaphore, #tpu.memory_space<semaphore_mem>>) src(%dma_wait3A_57 : memref<640x128xf32, #tpu.memory_space<vmem_shared>>) dst(%dma_wait3A_55 : memref<640x128xf32, #tpu.memory_space<hbm>>)
      tpu.yield
    }) : () -> ()
    return
  }
}

#map = affine_map<(d0, d1) -> (0, 0, 0)>
#map1 = affine_map<(d0, d1) -> (0, 0)>
module attributes {stable_mosaic.version = 14 : i64} {
  func.func @_sc_degree(%arg0: i32, %arg1: i32, %arg2: memref<32x120x128xi32, #tpu.memory_space<hbm>>, %arg3: memref<10240x128xf32, #tpu.memory_space<hbm>>, %arg4: memref<128x128xf32, #tpu.memory_space<hbm>>, %arg5: memref<2x10240x128xf32, #tpu.memory_space<hbm>>, %arg6: memref<10240x128xf32, #tpu.memory_space<vmem_shared>>, %arg7: memref<120x128xi32, #tpu.memory_space<vmem>>, %arg8: memref<128x128xf32, #tpu.memory_space<vmem>>, %arg9: memref<!tpu.dma_semaphore, #tpu.memory_space<semaphore_mem>>, %arg10: memref<!tpu.dma_semaphore, #tpu.memory_space<semaphore_mem>>) attributes {dimension_semantics = [#tpu.dimension_semantics<core_parallel>, #tpu.dimension_semantics<subcore_parallel>], iteration_bounds = array<i64: 2, 16>, scalar_prefetch = 0 : i64, scratch_operands = 5 : i64, tpu.core_type = #tpu.core_type<sc_vector_subcore>, window_params = [{transform_indices = #map}, {transform_indices = #map1}, {transform_indices = #map1}, {transform_indices = #map}]} {
    %mul3A = arith.constant 16 : i32
    %mul3A_0 = arith.muli %arg0, %mul3A : i32
    %add3A = arith.addi %mul3A_0, %arg1 : i32
    %mul3A_1 = arith.constant 640 : i32
    %mul3A_2 = arith.muli %arg1, %mul3A_1 : i32
    "tpu.region"() ({
      %run_scoped3A = tpu.sem_alloc : memref<!tpu.dma_semaphore, #tpu.memory_space<semaphore_mem>>
      %dma_start3A = arith.constant 0 : i32
      %dma_start3A_22 = tpu.memref_slice %arg6[%mul3A_2, %dma_start3A] : memref<10240x128xf32, #tpu.memory_space<vmem_shared>> -> memref<640x128xf32, #tpu.memory_space<vmem_shared>>
      %dma_start3A_23 = arith.constant 0 : i32
      %dma_start3A_24 = tpu.memref_slice %arg3[%mul3A_2, %dma_start3A_23] : memref<10240x128xf32, #tpu.memory_space<hbm>> -> memref<640x128xf32, #tpu.memory_space<hbm>>
      tpu.enqueue_dma source(%dma_start3A_24 : memref<640x128xf32, #tpu.memory_space<hbm>>) target(%dma_start3A_22 : memref<640x128xf32, #tpu.memory_space<vmem_shared>>) target_semaphore(%run_scoped3A : memref<!tpu.dma_semaphore, #tpu.memory_space<semaphore_mem>>)
      %dma_wait3A = arith.constant 0 : i32
      %dma_wait3A_25 = tpu.memref_slice %arg6[%mul3A_2, %dma_wait3A] : memref<10240x128xf32, #tpu.memory_space<vmem_shared>> -> memref<640x128xf32, #tpu.memory_space<vmem_shared>>
      %dma_wait3A_26 = arith.constant 0 : i32
      %dma_wait3A_27 = tpu.memref_slice %arg3[%mul3A_2, %dma_wait3A_26] : memref<10240x128xf32, #tpu.memory_space<hbm>> -> memref<640x128xf32, #tpu.memory_space<hbm>>
      tpu.wait_dma2 semaphore(%run_scoped3A : memref<!tpu.dma_semaphore, #tpu.memory_space<semaphore_mem>>) src(%dma_wait3A_27 : memref<640x128xf32, #tpu.memory_space<hbm>>) dst(%dma_wait3A_25 : memref<640x128xf32, #tpu.memory_space<vmem_shared>>)
      tpu.yield
    }) : () -> ()
    "tpu.region"() ({
      %run_scoped3A = tpu.sem_alloc : memref<!tpu.dma_semaphore, #tpu.memory_space<semaphore_mem>>
      %dma_start3A = arith.constant 0 : i32
      %dma_start3A_22 = arith.constant 0 : i32
      %dma_start3A_23 = tpu.memref_slice %arg2[%add3A, %dma_start3A, %dma_start3A_22] : memref<32x120x128xi32, #tpu.memory_space<hbm>> -> memref<1x120x128xi32, #tpu.memory_space<hbm>>
      %dma_start3A_24 = tpu.memref_squeeze %dma_start3A_23 : memref<1x120x128xi32, #tpu.memory_space<hbm>> -> memref<120x128xi32, #tpu.memory_space<hbm>>
      %dma_start3A_25 = arith.constant 0 : i32
      %dma_start3A_26 = arith.constant 0 : i32
      %dma_start3A_27 = tpu.memref_slice %arg2[%add3A, %dma_start3A_25, %dma_start3A_26] : memref<32x120x128xi32, #tpu.memory_space<hbm>> -> memref<1x120x128xi32, #tpu.memory_space<hbm>>
      %dma_start3A_28 = tpu.memref_squeeze %dma_start3A_27 : memref<1x120x128xi32, #tpu.memory_space<hbm>> -> memref<120x128xi32, #tpu.memory_space<hbm>>
      tpu.enqueue_dma source(%dma_start3A_28 : memref<120x128xi32, #tpu.memory_space<hbm>>) target(%arg7 : memref<120x128xi32, #tpu.memory_space<vmem>>) target_semaphore(%run_scoped3A : memref<!tpu.dma_semaphore, #tpu.memory_space<semaphore_mem>>)
      %dma_wait3A = arith.constant 0 : i32
      %dma_wait3A_29 = arith.constant 0 : i32
      %dma_wait3A_30 = tpu.memref_slice %arg2[%add3A, %dma_wait3A, %dma_wait3A_29] : memref<32x120x128xi32, #tpu.memory_space<hbm>> -> memref<1x120x128xi32, #tpu.memory_space<hbm>>
      %dma_wait3A_31 = tpu.memref_squeeze %dma_wait3A_30 : memref<1x120x128xi32, #tpu.memory_space<hbm>> -> memref<120x128xi32, #tpu.memory_space<hbm>>
      %dma_wait3A_32 = arith.constant 0 : i32
      %dma_wait3A_33 = arith.constant 0 : i32
      %dma_wait3A_34 = tpu.memref_slice %arg2[%add3A, %dma_wait3A_32, %dma_wait3A_33] : memref<32x120x128xi32, #tpu.memory_space<hbm>> -> memref<1x120x128xi32, #tpu.memory_space<hbm>>
      %dma_wait3A_35 = tpu.memref_squeeze %dma_wait3A_34 : memref<1x120x128xi32, #tpu.memory_space<hbm>> -> memref<120x128xi32, #tpu.memory_space<hbm>>
      tpu.wait_dma2 semaphore(%run_scoped3A : memref<!tpu.dma_semaphore, #tpu.memory_space<semaphore_mem>>) src(%dma_wait3A_35 : memref<120x128xi32, #tpu.memory_space<hbm>>) dst(%arg7 : memref<120x128xi32, #tpu.memory_space<vmem>>)
      tpu.yield
    }) : () -> ()
    "tpu.region"() ({
      %run_scoped3A = tpu.sem_alloc : memref<!tpu.dma_semaphore, #tpu.memory_space<semaphore_mem>>
      tpu.enqueue_dma source(%arg4 : memref<128x128xf32, #tpu.memory_space<hbm>>) target(%arg8 : memref<128x128xf32, #tpu.memory_space<vmem>>) target_semaphore(%run_scoped3A : memref<!tpu.dma_semaphore, #tpu.memory_space<semaphore_mem>>)
      tpu.wait_dma2 semaphore(%run_scoped3A : memref<!tpu.dma_semaphore, #tpu.memory_space<semaphore_mem>>) src(%arg4 : memref<128x128xf32, #tpu.memory_space<hbm>>) dst(%arg8 : memref<128x128xf32, #tpu.memory_space<vmem>>)
      tpu.yield
    }) : () -> ()
    %barrier3A = arith.constant 0 : index
    tpu.barrier barrier_id(%barrier3A)
    %eq3A = arith.constant 0 : i32
    %eq3A_3 = arith.cmpi eq, %arg0, %eq3A : i32
    %jit3A = arith.constant 15 : i32
    %jit3A_4 = arith.constant 5 : i32
    %select_n3A = arith.select %eq3A_3, %jit3A, %jit3A_4 : i32
    %sub3A = arith.constant 0 : i32
    %sub3A_5 = arith.subi %select_n3A, %sub3A : i32
    %sub3A_6 = arith.constant 1 : i32
    %sub3A_7 = arith.constant 1 : i32
    %sub3A_8 = arith.subi %sub3A_6, %sub3A_7 : i32
    %add3A_9 = arith.addi %sub3A_5, %sub3A_8 : i32
    %div3A = arith.constant 1 : i32
    %div3A_10 = arith.divsi %add3A_9, %div3A : i32
    %while3A = arith.constant 1 : i32
    %while3A_11 = arith.constant 0 : i32
    %while3A_12 = arith.constant 0 : i32
    %while3A_13 = arith.subi %div3A_10, %while3A_12 : i32
    %while3A_14 = arith.addi %while3A_12, %while3A_13 : i32
    %while3A_15 = arith.constant 1 : i32
    %while3A_16 = arith.divsi %while3A_13, %while3A_15 : i32
    %while3A_17 = arith.muli %while3A_16, %while3A_15 : i32
    %while3A_18 = arith.addi %while3A_12, %while3A_17 : i32
    %while3A_19 = arith.constant 1 : i32
    scf.for %while3A_22 = %while3A_12 to %while3A_18 step %while3A_19  : i32 {
      %mul3A_23 = arith.muli %while3A_22, %while3A : i32
      %add3A_24 = arith.addi %while3A_11, %mul3A_23 : i32
      %mul3A_25 = arith.constant 8 : i32
      %mul3A_26 = arith.muli %mul3A_25, %add3A_24 : i32
      %add3A_27 = arith.constant 0 : i32
      %add3A_28 = arith.addi %mul3A_26, %add3A_27 : i32
      %dma_start3A = arith.constant 0 : i32
      %dma_start3A_29 = tpu.memref_slice %arg7[%add3A_28, %dma_start3A] : memref<120x128xi32, #tpu.memory_space<vmem>> -> memref<1x128xi32, #tpu.memory_space<vmem>>
      %dma_start3A_30 = tpu.memref_squeeze %dma_start3A_29 : memref<1x128xi32, #tpu.memory_space<vmem>> -> memref<128xi32, #tpu.memory_space<vmem>>
      %dma_start3A_31 = arith.constant 0 : i32
      %dma_start3A_32 = arith.constant 0 : i32
      %dma_start3A_33 = tpu.memref_slice %arg6[%dma_start3A_31, %dma_start3A_32] : memref<10240x128xf32, #tpu.memory_space<vmem_shared>> -> memref<10240x128xf32, #tpu.memory_space<vmem_shared>>
      tpu.enqueue_indirect_dma source(%arg8 : memref<128x128xf32, #tpu.memory_space<vmem>>) target(%dma_start3A_33 : memref<10240x128xf32, #tpu.memory_space<vmem_shared>>) offsets(%dma_start3A_30 : memref<128xi32, #tpu.memory_space<vmem>>) semaphore(%arg9 : memref<!tpu.dma_semaphore, #tpu.memory_space<semaphore_mem>>) {add = true}
      %mul3A_34 = arith.constant 8 : i32
      %mul3A_35 = arith.muli %mul3A_34, %add3A_24 : i32
      %add3A_36 = arith.constant 1 : i32
      %add3A_37 = arith.addi %mul3A_35, %add3A_36 : i32
      %dma_start3A_38 = arith.constant 0 : i32
      %dma_start3A_39 = tpu.memref_slice %arg7[%add3A_37, %dma_start3A_38] : memref<120x128xi32, #tpu.memory_space<vmem>> -> memref<1x128xi32, #tpu.memory_space<vmem>>
      %dma_start3A_40 = tpu.memref_squeeze %dma_start3A_39 : memref<1x128xi32, #tpu.memory_space<vmem>> -> memref<128xi32, #tpu.memory_space<vmem>>
      %dma_start3A_41 = arith.constant 0 : i32
      %dma_start3A_42 = arith.constant 0 : i32
      %dma_start3A_43 = tpu.memref_slice %arg6[%dma_start3A_41, %dma_start3A_42] : memref<10240x128xf32, #tpu.memory_space<vmem_shared>> -> memref<10240x128xf32, #tpu.memory_space<vmem_shared>>
      tpu.enqueue_indirect_dma source(%arg8 : memref<128x128xf32, #tpu.memory_space<vmem>>) target(%dma_start3A_43 : memref<10240x128xf32, #tpu.memory_space<vmem_shared>>) offsets(%dma_start3A_40 : memref<128xi32, #tpu.memory_space<vmem>>) semaphore(%arg10 : memref<!tpu.dma_semaphore, #tpu.memory_space<semaphore_mem>>) {add = true}
      %mul3A_44 = arith.constant 8 : i32
      %mul3A_45 = arith.muli %mul3A_44, %add3A_24 : i32
      %add3A_46 = arith.constant 2 : i32
      %add3A_47 = arith.addi %mul3A_45, %add3A_46 : i32
      %dma_start3A_48 = arith.constant 0 : i32
      %dma_start3A_49 = tpu.memref_slice %arg7[%add3A_47, %dma_start3A_48] : memref<120x128xi32, #tpu.memory_space<vmem>> -> memref<1x128xi32, #tpu.memory_space<vmem>>
      %dma_start3A_50 = tpu.memref_squeeze %dma_start3A_49 : memref<1x128xi32, #tpu.memory_space<vmem>> -> memref<128xi32, #tpu.memory_space<vmem>>
      %dma_start3A_51 = arith.constant 0 : i32
      %dma_start3A_52 = arith.constant 0 : i32
      %dma_start3A_53 = tpu.memref_slice %arg6[%dma_start3A_51, %dma_start3A_52] : memref<10240x128xf32, #tpu.memory_space<vmem_shared>> -> memref<10240x128xf32, #tpu.memory_space<vmem_shared>>
      tpu.enqueue_indirect_dma source(%arg8 : memref<128x128xf32, #tpu.memory_space<vmem>>) target(%dma_start3A_53 : memref<10240x128xf32, #tpu.memory_space<vmem_shared>>) offsets(%dma_start3A_50 : memref<128xi32, #tpu.memory_space<vmem>>) semaphore(%arg9 : memref<!tpu.dma_semaphore, #tpu.memory_space<semaphore_mem>>) {add = true}
      %mul3A_54 = arith.constant 8 : i32
      %mul3A_55 = arith.muli %mul3A_54, %add3A_24 : i32
      %add3A_56 = arith.constant 3 : i32
      %add3A_57 = arith.addi %mul3A_55, %add3A_56 : i32
      %dma_start3A_58 = arith.constant 0 : i32
      %dma_start3A_59 = tpu.memref_slice %arg7[%add3A_57, %dma_start3A_58] : memref<120x128xi32, #tpu.memory_space<vmem>> -> memref<1x128xi32, #tpu.memory_space<vmem>>
      %dma_start3A_60 = tpu.memref_squeeze %dma_start3A_59 : memref<1x128xi32, #tpu.memory_space<vmem>> -> memref<128xi32, #tpu.memory_space<vmem>>
      %dma_start3A_61 = arith.constant 0 : i32
      %dma_start3A_62 = arith.constant 0 : i32
      %dma_start3A_63 = tpu.memref_slice %arg6[%dma_start3A_61, %dma_start3A_62] : memref<10240x128xf32, #tpu.memory_space<vmem_shared>> -> memref<10240x128xf32, #tpu.memory_space<vmem_shared>>
      tpu.enqueue_indirect_dma source(%arg8 : memref<128x128xf32, #tpu.memory_space<vmem>>) target(%dma_start3A_63 : memref<10240x128xf32, #tpu.memory_space<vmem_shared>>) offsets(%dma_start3A_60 : memref<128xi32, #tpu.memory_space<vmem>>) semaphore(%arg10 : memref<!tpu.dma_semaphore, #tpu.memory_space<semaphore_mem>>) {add = true}
      %mul3A_64 = arith.constant 8 : i32
      %mul3A_65 = arith.muli %mul3A_64, %add3A_24 : i32
      %add3A_66 = arith.constant 4 : i32
      %add3A_67 = arith.addi %mul3A_65, %add3A_66 : i32
      %dma_start3A_68 = arith.constant 0 : i32
      %dma_start3A_69 = tpu.memref_slice %arg7[%add3A_67, %dma_start3A_68] : memref<120x128xi32, #tpu.memory_space<vmem>> -> memref<1x128xi32, #tpu.memory_space<vmem>>
      %dma_start3A_70 = tpu.memref_squeeze %dma_start3A_69 : memref<1x128xi32, #tpu.memory_space<vmem>> -> memref<128xi32, #tpu.memory_space<vmem>>
      %dma_start3A_71 = arith.constant 0 : i32
      %dma_start3A_72 = arith.constant 0 : i32
      %dma_start3A_73 = tpu.memref_slice %arg6[%dma_start3A_71, %dma_start3A_72] : memref<10240x128xf32, #tpu.memory_space<vmem_shared>> -> memref<10240x128xf32, #tpu.memory_space<vmem_shared>>
      tpu.enqueue_indirect_dma source(%arg8 : memref<128x128xf32, #tpu.memory_space<vmem>>) target(%dma_start3A_73 : memref<10240x128xf32, #tpu.memory_space<vmem_shared>>) offsets(%dma_start3A_70 : memref<128xi32, #tpu.memory_space<vmem>>) semaphore(%arg9 : memref<!tpu.dma_semaphore, #tpu.memory_space<semaphore_mem>>) {add = true}
      %mul3A_74 = arith.constant 8 : i32
      %mul3A_75 = arith.muli %mul3A_74, %add3A_24 : i32
      %add3A_76 = arith.constant 5 : i32
      %add3A_77 = arith.addi %mul3A_75, %add3A_76 : i32
      %dma_start3A_78 = arith.constant 0 : i32
      %dma_start3A_79 = tpu.memref_slice %arg7[%add3A_77, %dma_start3A_78] : memref<120x128xi32, #tpu.memory_space<vmem>> -> memref<1x128xi32, #tpu.memory_space<vmem>>
      %dma_start3A_80 = tpu.memref_squeeze %dma_start3A_79 : memref<1x128xi32, #tpu.memory_space<vmem>> -> memref<128xi32, #tpu.memory_space<vmem>>
      %dma_start3A_81 = arith.constant 0 : i32
      %dma_start3A_82 = arith.constant 0 : i32
      %dma_start3A_83 = tpu.memref_slice %arg6[%dma_start3A_81, %dma_start3A_82] : memref<10240x128xf32, #tpu.memory_space<vmem_shared>> -> memref<10240x128xf32, #tpu.memory_space<vmem_shared>>
      tpu.enqueue_indirect_dma source(%arg8 : memref<128x128xf32, #tpu.memory_space<vmem>>) target(%dma_start3A_83 : memref<10240x128xf32, #tpu.memory_space<vmem_shared>>) offsets(%dma_start3A_80 : memref<128xi32, #tpu.memory_space<vmem>>) semaphore(%arg10 : memref<!tpu.dma_semaphore, #tpu.memory_space<semaphore_mem>>) {add = true}
      %mul3A_84 = arith.constant 8 : i32
      %mul3A_85 = arith.muli %mul3A_84, %add3A_24 : i32
      %add3A_86 = arith.constant 6 : i32
      %add3A_87 = arith.addi %mul3A_85, %add3A_86 : i32
      %dma_start3A_88 = arith.constant 0 : i32
      %dma_start3A_89 = tpu.memref_slice %arg7[%add3A_87, %dma_start3A_88] : memref<120x128xi32, #tpu.memory_space<vmem>> -> memref<1x128xi32, #tpu.memory_space<vmem>>
      %dma_start3A_90 = tpu.memref_squeeze %dma_start3A_89 : memref<1x128xi32, #tpu.memory_space<vmem>> -> memref<128xi32, #tpu.memory_space<vmem>>
      %dma_start3A_91 = arith.constant 0 : i32
      %dma_start3A_92 = arith.constant 0 : i32
      %dma_start3A_93 = tpu.memref_slice %arg6[%dma_start3A_91, %dma_start3A_92] : memref<10240x128xf32, #tpu.memory_space<vmem_shared>> -> memref<10240x128xf32, #tpu.memory_space<vmem_shared>>
      tpu.enqueue_indirect_dma source(%arg8 : memref<128x128xf32, #tpu.memory_space<vmem>>) target(%dma_start3A_93 : memref<10240x128xf32, #tpu.memory_space<vmem_shared>>) offsets(%dma_start3A_90 : memref<128xi32, #tpu.memory_space<vmem>>) semaphore(%arg9 : memref<!tpu.dma_semaphore, #tpu.memory_space<semaphore_mem>>) {add = true}
      %mul3A_94 = arith.constant 8 : i32
      %mul3A_95 = arith.muli %mul3A_94, %add3A_24 : i32
      %add3A_96 = arith.constant 7 : i32
      %add3A_97 = arith.addi %mul3A_95, %add3A_96 : i32
      %dma_start3A_98 = arith.constant 0 : i32
      %dma_start3A_99 = tpu.memref_slice %arg7[%add3A_97, %dma_start3A_98] : memref<120x128xi32, #tpu.memory_space<vmem>> -> memref<1x128xi32, #tpu.memory_space<vmem>>
      %dma_start3A_100 = tpu.memref_squeeze %dma_start3A_99 : memref<1x128xi32, #tpu.memory_space<vmem>> -> memref<128xi32, #tpu.memory_space<vmem>>
      %dma_start3A_101 = arith.constant 0 : i32
      %dma_start3A_102 = arith.constant 0 : i32
      %dma_start3A_103 = tpu.memref_slice %arg6[%dma_start3A_101, %dma_start3A_102] : memref<10240x128xf32, #tpu.memory_space<vmem_shared>> -> memref<10240x128xf32, #tpu.memory_space<vmem_shared>>
      tpu.enqueue_indirect_dma source(%arg8 : memref<128x128xf32, #tpu.memory_space<vmem>>) target(%dma_start3A_103 : memref<10240x128xf32, #tpu.memory_space<vmem_shared>>) offsets(%dma_start3A_100 : memref<128xi32, #tpu.memory_space<vmem>>) semaphore(%arg10 : memref<!tpu.dma_semaphore, #tpu.memory_space<semaphore_mem>>) {add = true}
      %mul3A_104 = arith.constant 8 : i32
      %mul3A_105 = arith.muli %mul3A_104, %add3A_24 : i32
      %add3A_106 = arith.constant 0 : i32
      %add3A_107 = arith.addi %mul3A_105, %add3A_106 : i32
      %dma_wait3A = arith.constant 0 : i32
      %dma_wait3A_108 = tpu.memref_slice %arg7[%add3A_107, %dma_wait3A] : memref<120x128xi32, #tpu.memory_space<vmem>> -> memref<1x128xi32, #tpu.memory_space<vmem>>
      %dma_wait3A_109 = tpu.memref_squeeze %dma_wait3A_108 : memref<1x128xi32, #tpu.memory_space<vmem>> -> memref<128xi32, #tpu.memory_space<vmem>>
      %dma_wait3A_110 = arith.constant 0 : i32
      %dma_wait3A_111 = arith.constant 0 : i32
      %dma_wait3A_112 = tpu.memref_slice %arg6[%dma_wait3A_110, %dma_wait3A_111] : memref<10240x128xf32, #tpu.memory_space<vmem_shared>> -> memref<10240x128xf32, #tpu.memory_space<vmem_shared>>
      tpu.wait_indirect_dma semaphore(%arg9 : memref<!tpu.dma_semaphore, #tpu.memory_space<semaphore_mem>>) src(%arg8 : memref<128x128xf32, #tpu.memory_space<vmem>>) dst(%dma_wait3A_112 : memref<10240x128xf32, #tpu.memory_space<vmem_shared>>)
      %mul3A_113 = arith.constant 8 : i32
      %mul3A_114 = arith.muli %mul3A_113, %add3A_24 : i32
      %add3A_115 = arith.constant 1 : i32
      %add3A_116 = arith.addi %mul3A_114, %add3A_115 : i32
      %dma_wait3A_117 = arith.constant 0 : i32
      %dma_wait3A_118 = tpu.memref_slice %arg7[%add3A_116, %dma_wait3A_117] : memref<120x128xi32, #tpu.memory_space<vmem>> -> memref<1x128xi32, #tpu.memory_space<vmem>>
      %dma_wait3A_119 = tpu.memref_squeeze %dma_wait3A_118 : memref<1x128xi32, #tpu.memory_space<vmem>> -> memref<128xi32, #tpu.memory_space<vmem>>
      %dma_wait3A_120 = arith.constant 0 : i32
      %dma_wait3A_121 = arith.constant 0 : i32
      %dma_wait3A_122 = tpu.memref_slice %arg6[%dma_wait3A_120, %dma_wait3A_121] : memref<10240x128xf32, #tpu.memory_space<vmem_shared>> -> memref<10240x128xf32, #tpu.memory_space<vmem_shared>>
      tpu.wait_indirect_dma semaphore(%arg10 : memref<!tpu.dma_semaphore, #tpu.memory_space<semaphore_mem>>) src(%arg8 : memref<128x128xf32, #tpu.memory_space<vmem>>) dst(%dma_wait3A_122 : memref<10240x128xf32, #tpu.memory_space<vmem_shared>>)
      %mul3A_123 = arith.constant 8 : i32
      %mul3A_124 = arith.muli %mul3A_123, %add3A_24 : i32
      %add3A_125 = arith.constant 2 : i32
      %add3A_126 = arith.addi %mul3A_124, %add3A_125 : i32
      %dma_wait3A_127 = arith.constant 0 : i32
      %dma_wait3A_128 = tpu.memref_slice %arg7[%add3A_126, %dma_wait3A_127] : memref<120x128xi32, #tpu.memory_space<vmem>> -> memref<1x128xi32, #tpu.memory_space<vmem>>
      %dma_wait3A_129 = tpu.memref_squeeze %dma_wait3A_128 : memref<1x128xi32, #tpu.memory_space<vmem>> -> memref<128xi32, #tpu.memory_space<vmem>>
      %dma_wait3A_130 = arith.constant 0 : i32
      %dma_wait3A_131 = arith.constant 0 : i32
      %dma_wait3A_132 = tpu.memref_slice %arg6[%dma_wait3A_130, %dma_wait3A_131] : memref<10240x128xf32, #tpu.memory_space<vmem_shared>> -> memref<10240x128xf32, #tpu.memory_space<vmem_shared>>
      tpu.wait_indirect_dma semaphore(%arg9 : memref<!tpu.dma_semaphore, #tpu.memory_space<semaphore_mem>>) src(%arg8 : memref<128x128xf32, #tpu.memory_space<vmem>>) dst(%dma_wait3A_132 : memref<10240x128xf32, #tpu.memory_space<vmem_shared>>)
      %mul3A_133 = arith.constant 8 : i32
      %mul3A_134 = arith.muli %mul3A_133, %add3A_24 : i32
      %add3A_135 = arith.constant 3 : i32
      %add3A_136 = arith.addi %mul3A_134, %add3A_135 : i32
      %dma_wait3A_137 = arith.constant 0 : i32
      %dma_wait3A_138 = tpu.memref_slice %arg7[%add3A_136, %dma_wait3A_137] : memref<120x128xi32, #tpu.memory_space<vmem>> -> memref<1x128xi32, #tpu.memory_space<vmem>>
      %dma_wait3A_139 = tpu.memref_squeeze %dma_wait3A_138 : memref<1x128xi32, #tpu.memory_space<vmem>> -> memref<128xi32, #tpu.memory_space<vmem>>
      %dma_wait3A_140 = arith.constant 0 : i32
      %dma_wait3A_141 = arith.constant 0 : i32
      %dma_wait3A_142 = tpu.memref_slice %arg6[%dma_wait3A_140, %dma_wait3A_141] : memref<10240x128xf32, #tpu.memory_space<vmem_shared>> -> memref<10240x128xf32, #tpu.memory_space<vmem_shared>>
      tpu.wait_indirect_dma semaphore(%arg10 : memref<!tpu.dma_semaphore, #tpu.memory_space<semaphore_mem>>) src(%arg8 : memref<128x128xf32, #tpu.memory_space<vmem>>) dst(%dma_wait3A_142 : memref<10240x128xf32, #tpu.memory_space<vmem_shared>>)
      %mul3A_143 = arith.constant 8 : i32
      %mul3A_144 = arith.muli %mul3A_143, %add3A_24 : i32
      %add3A_145 = arith.constant 4 : i32
      %add3A_146 = arith.addi %mul3A_144, %add3A_145 : i32
      %dma_wait3A_147 = arith.constant 0 : i32
      %dma_wait3A_148 = tpu.memref_slice %arg7[%add3A_146, %dma_wait3A_147] : memref<120x128xi32, #tpu.memory_space<vmem>> -> memref<1x128xi32, #tpu.memory_space<vmem>>
      %dma_wait3A_149 = tpu.memref_squeeze %dma_wait3A_148 : memref<1x128xi32, #tpu.memory_space<vmem>> -> memref<128xi32, #tpu.memory_space<vmem>>
      %dma_wait3A_150 = arith.constant 0 : i32
      %dma_wait3A_151 = arith.constant 0 : i32
      %dma_wait3A_152 = tpu.memref_slice %arg6[%dma_wait3A_150, %dma_wait3A_151] : memref<10240x128xf32, #tpu.memory_space<vmem_shared>> -> memref<10240x128xf32, #tpu.memory_space<vmem_shared>>
      tpu.wait_indirect_dma semaphore(%arg9 : memref<!tpu.dma_semaphore, #tpu.memory_space<semaphore_mem>>) src(%arg8 : memref<128x128xf32, #tpu.memory_space<vmem>>) dst(%dma_wait3A_152 : memref<10240x128xf32, #tpu.memory_space<vmem_shared>>)
      %mul3A_153 = arith.constant 8 : i32
      %mul3A_154 = arith.muli %mul3A_153, %add3A_24 : i32
      %add3A_155 = arith.constant 5 : i32
      %add3A_156 = arith.addi %mul3A_154, %add3A_155 : i32
      %dma_wait3A_157 = arith.constant 0 : i32
      %dma_wait3A_158 = tpu.memref_slice %arg7[%add3A_156, %dma_wait3A_157] : memref<120x128xi32, #tpu.memory_space<vmem>> -> memref<1x128xi32, #tpu.memory_space<vmem>>
      %dma_wait3A_159 = tpu.memref_squeeze %dma_wait3A_158 : memref<1x128xi32, #tpu.memory_space<vmem>> -> memref<128xi32, #tpu.memory_space<vmem>>
      %dma_wait3A_160 = arith.constant 0 : i32
      %dma_wait3A_161 = arith.constant 0 : i32
      %dma_wait3A_162 = tpu.memref_slice %arg6[%dma_wait3A_160, %dma_wait3A_161] : memref<10240x128xf32, #tpu.memory_space<vmem_shared>> -> memref<10240x128xf32, #tpu.memory_space<vmem_shared>>
      tpu.wait_indirect_dma semaphore(%arg10 : memref<!tpu.dma_semaphore, #tpu.memory_space<semaphore_mem>>) src(%arg8 : memref<128x128xf32, #tpu.memory_space<vmem>>) dst(%dma_wait3A_162 : memref<10240x128xf32, #tpu.memory_space<vmem_shared>>)
      %mul3A_163 = arith.constant 8 : i32
      %mul3A_164 = arith.muli %mul3A_163, %add3A_24 : i32
      %add3A_165 = arith.constant 6 : i32
      %add3A_166 = arith.addi %mul3A_164, %add3A_165 : i32
      %dma_wait3A_167 = arith.constant 0 : i32
      %dma_wait3A_168 = tpu.memref_slice %arg7[%add3A_166, %dma_wait3A_167] : memref<120x128xi32, #tpu.memory_space<vmem>> -> memref<1x128xi32, #tpu.memory_space<vmem>>
      %dma_wait3A_169 = tpu.memref_squeeze %dma_wait3A_168 : memref<1x128xi32, #tpu.memory_space<vmem>> -> memref<128xi32, #tpu.memory_space<vmem>>
      %dma_wait3A_170 = arith.constant 0 : i32
      %dma_wait3A_171 = arith.constant 0 : i32
      %dma_wait3A_172 = tpu.memref_slice %arg6[%dma_wait3A_170, %dma_wait3A_171] : memref<10240x128xf32, #tpu.memory_space<vmem_shared>> -> memref<10240x128xf32, #tpu.memory_space<vmem_shared>>
      tpu.wait_indirect_dma semaphore(%arg9 : memref<!tpu.dma_semaphore, #tpu.memory_space<semaphore_mem>>) src(%arg8 : memref<128x128xf32, #tpu.memory_space<vmem>>) dst(%dma_wait3A_172 : memref<10240x128xf32, #tpu.memory_space<vmem_shared>>)
      %mul3A_173 = arith.constant 8 : i32
      %mul3A_174 = arith.muli %mul3A_173, %add3A_24 : i32
      %add3A_175 = arith.constant 7 : i32
      %add3A_176 = arith.addi %mul3A_174, %add3A_175 : i32
      %dma_wait3A_177 = arith.constant 0 : i32
      %dma_wait3A_178 = tpu.memref_slice %arg7[%add3A_176, %dma_wait3A_177] : memref<120x128xi32, #tpu.memory_space<vmem>> -> memref<1x128xi32, #tpu.memory_space<vmem>>
      %dma_wait3A_179 = tpu.memref_squeeze %dma_wait3A_178 : memref<1x128xi32, #tpu.memory_space<vmem>> -> memref<128xi32, #tpu.memory_space<vmem>>
      %dma_wait3A_180 = arith.constant 0 : i32
      %dma_wait3A_181 = arith.constant 0 : i32
      %dma_wait3A_182 = tpu.memref_slice %arg6[%dma_wait3A_180, %dma_wait3A_181] : memref<10240x128xf32, #tpu.memory_space<vmem_shared>> -> memref<10240x128xf32, #tpu.memory_space<vmem_shared>>
      tpu.wait_indirect_dma semaphore(%arg10 : memref<!tpu.dma_semaphore, #tpu.memory_space<semaphore_mem>>) src(%arg8 : memref<128x128xf32, #tpu.memory_space<vmem>>) dst(%dma_wait3A_182 : memref<10240x128xf32, #tpu.memory_space<vmem_shared>>)
    }
    %while3A_20 = arith.constant 1 : i32
    scf.for %while3A_22 = %while3A_18 to %while3A_14 step %while3A_20  : i32 {
      %mul3A_23 = arith.muli %while3A_22, %while3A : i32
      %add3A_24 = arith.addi %while3A_11, %mul3A_23 : i32
      %mul3A_25 = arith.constant 8 : i32
      %mul3A_26 = arith.muli %mul3A_25, %add3A_24 : i32
      %add3A_27 = arith.constant 0 : i32
      %add3A_28 = arith.addi %mul3A_26, %add3A_27 : i32
      %dma_start3A = arith.constant 0 : i32
      %dma_start3A_29 = tpu.memref_slice %arg7[%add3A_28, %dma_start3A] : memref<120x128xi32, #tpu.memory_space<vmem>> -> memref<1x128xi32, #tpu.memory_space<vmem>>
      %dma_start3A_30 = tpu.memref_squeeze %dma_start3A_29 : memref<1x128xi32, #tpu.memory_space<vmem>> -> memref<128xi32, #tpu.memory_space<vmem>>
      %dma_start3A_31 = arith.constant 0 : i32
      %dma_start3A_32 = arith.constant 0 : i32
      %dma_start3A_33 = tpu.memref_slice %arg6[%dma_start3A_31, %dma_start3A_32] : memref<10240x128xf32, #tpu.memory_space<vmem_shared>> -> memref<10240x128xf32, #tpu.memory_space<vmem_shared>>
      tpu.enqueue_indirect_dma source(%arg8 : memref<128x128xf32, #tpu.memory_space<vmem>>) target(%dma_start3A_33 : memref<10240x128xf32, #tpu.memory_space<vmem_shared>>) offsets(%dma_start3A_30 : memref<128xi32, #tpu.memory_space<vmem>>) semaphore(%arg9 : memref<!tpu.dma_semaphore, #tpu.memory_space<semaphore_mem>>) {add = true}
      %mul3A_34 = arith.constant 8 : i32
      %mul3A_35 = arith.muli %mul3A_34, %add3A_24 : i32
      %add3A_36 = arith.constant 1 : i32
      %add3A_37 = arith.addi %mul3A_35, %add3A_36 : i32
      %dma_start3A_38 = arith.constant 0 : i32
      %dma_start3A_39 = tpu.memref_slice %arg7[%add3A_37, %dma_start3A_38] : memref<120x128xi32, #tpu.memory_space<vmem>> -> memref<1x128xi32, #tpu.memory_space<vmem>>
      %dma_start3A_40 = tpu.memref_squeeze %dma_start3A_39 : memref<1x128xi32, #tpu.memory_space<vmem>> -> memref<128xi32, #tpu.memory_space<vmem>>
      %dma_start3A_41 = arith.constant 0 : i32
      %dma_start3A_42 = arith.constant 0 : i32
      %dma_start3A_43 = tpu.memref_slice %arg6[%dma_start3A_41, %dma_start3A_42] : memref<10240x128xf32, #tpu.memory_space<vmem_shared>> -> memref<10240x128xf32, #tpu.memory_space<vmem_shared>>
      tpu.enqueue_indirect_dma source(%arg8 : memref<128x128xf32, #tpu.memory_space<vmem>>) target(%dma_start3A_43 : memref<10240x128xf32, #tpu.memory_space<vmem_shared>>) offsets(%dma_start3A_40 : memref<128xi32, #tpu.memory_space<vmem>>) semaphore(%arg10 : memref<!tpu.dma_semaphore, #tpu.memory_space<semaphore_mem>>) {add = true}
      %mul3A_44 = arith.constant 8 : i32
      %mul3A_45 = arith.muli %mul3A_44, %add3A_24 : i32
      %add3A_46 = arith.constant 2 : i32
      %add3A_47 = arith.addi %mul3A_45, %add3A_46 : i32
      %dma_start3A_48 = arith.constant 0 : i32
      %dma_start3A_49 = tpu.memref_slice %arg7[%add3A_47, %dma_start3A_48] : memref<120x128xi32, #tpu.memory_space<vmem>> -> memref<1x128xi32, #tpu.memory_space<vmem>>
      %dma_start3A_50 = tpu.memref_squeeze %dma_start3A_49 : memref<1x128xi32, #tpu.memory_space<vmem>> -> memref<128xi32, #tpu.memory_space<vmem>>
      %dma_start3A_51 = arith.constant 0 : i32
      %dma_start3A_52 = arith.constant 0 : i32
      %dma_start3A_53 = tpu.memref_slice %arg6[%dma_start3A_51, %dma_start3A_52] : memref<10240x128xf32, #tpu.memory_space<vmem_shared>> -> memref<10240x128xf32, #tpu.memory_space<vmem_shared>>
      tpu.enqueue_indirect_dma source(%arg8 : memref<128x128xf32, #tpu.memory_space<vmem>>) target(%dma_start3A_53 : memref<10240x128xf32, #tpu.memory_space<vmem_shared>>) offsets(%dma_start3A_50 : memref<128xi32, #tpu.memory_space<vmem>>) semaphore(%arg9 : memref<!tpu.dma_semaphore, #tpu.memory_space<semaphore_mem>>) {add = true}
      %mul3A_54 = arith.constant 8 : i32
      %mul3A_55 = arith.muli %mul3A_54, %add3A_24 : i32
      %add3A_56 = arith.constant 3 : i32
      %add3A_57 = arith.addi %mul3A_55, %add3A_56 : i32
      %dma_start3A_58 = arith.constant 0 : i32
      %dma_start3A_59 = tpu.memref_slice %arg7[%add3A_57, %dma_start3A_58] : memref<120x128xi32, #tpu.memory_space<vmem>> -> memref<1x128xi32, #tpu.memory_space<vmem>>
      %dma_start3A_60 = tpu.memref_squeeze %dma_start3A_59 : memref<1x128xi32, #tpu.memory_space<vmem>> -> memref<128xi32, #tpu.memory_space<vmem>>
      %dma_start3A_61 = arith.constant 0 : i32
      %dma_start3A_62 = arith.constant 0 : i32
      %dma_start3A_63 = tpu.memref_slice %arg6[%dma_start3A_61, %dma_start3A_62] : memref<10240x128xf32, #tpu.memory_space<vmem_shared>> -> memref<10240x128xf32, #tpu.memory_space<vmem_shared>>
      tpu.enqueue_indirect_dma source(%arg8 : memref<128x128xf32, #tpu.memory_space<vmem>>) target(%dma_start3A_63 : memref<10240x128xf32, #tpu.memory_space<vmem_shared>>) offsets(%dma_start3A_60 : memref<128xi32, #tpu.memory_space<vmem>>) semaphore(%arg10 : memref<!tpu.dma_semaphore, #tpu.memory_space<semaphore_mem>>) {add = true}
      %mul3A_64 = arith.constant 8 : i32
      %mul3A_65 = arith.muli %mul3A_64, %add3A_24 : i32
      %add3A_66 = arith.constant 4 : i32
      %add3A_67 = arith.addi %mul3A_65, %add3A_66 : i32
      %dma_start3A_68 = arith.constant 0 : i32
      %dma_start3A_69 = tpu.memref_slice %arg7[%add3A_67, %dma_start3A_68] : memref<120x128xi32, #tpu.memory_space<vmem>> -> memref<1x128xi32, #tpu.memory_space<vmem>>
      %dma_start3A_70 = tpu.memref_squeeze %dma_start3A_69 : memref<1x128xi32, #tpu.memory_space<vmem>> -> memref<128xi32, #tpu.memory_space<vmem>>
      %dma_start3A_71 = arith.constant 0 : i32
      %dma_start3A_72 = arith.constant 0 : i32
      %dma_start3A_73 = tpu.memref_slice %arg6[%dma_start3A_71, %dma_start3A_72] : memref<10240x128xf32, #tpu.memory_space<vmem_shared>> -> memref<10240x128xf32, #tpu.memory_space<vmem_shared>>
      tpu.enqueue_indirect_dma source(%arg8 : memref<128x128xf32, #tpu.memory_space<vmem>>) target(%dma_start3A_73 : memref<10240x128xf32, #tpu.memory_space<vmem_shared>>) offsets(%dma_start3A_70 : memref<128xi32, #tpu.memory_space<vmem>>) semaphore(%arg9 : memref<!tpu.dma_semaphore, #tpu.memory_space<semaphore_mem>>) {add = true}
      %mul3A_74 = arith.constant 8 : i32
      %mul3A_75 = arith.muli %mul3A_74, %add3A_24 : i32
      %add3A_76 = arith.constant 5 : i32
      %add3A_77 = arith.addi %mul3A_75, %add3A_76 : i32
      %dma_start3A_78 = arith.constant 0 : i32
      %dma_start3A_79 = tpu.memref_slice %arg7[%add3A_77, %dma_start3A_78] : memref<120x128xi32, #tpu.memory_space<vmem>> -> memref<1x128xi32, #tpu.memory_space<vmem>>
      %dma_start3A_80 = tpu.memref_squeeze %dma_start3A_79 : memref<1x128xi32, #tpu.memory_space<vmem>> -> memref<128xi32, #tpu.memory_space<vmem>>
      %dma_start3A_81 = arith.constant 0 : i32
      %dma_start3A_82 = arith.constant 0 : i32
      %dma_start3A_83 = tpu.memref_slice %arg6[%dma_start3A_81, %dma_start3A_82] : memref<10240x128xf32, #tpu.memory_space<vmem_shared>> -> memref<10240x128xf32, #tpu.memory_space<vmem_shared>>
      tpu.enqueue_indirect_dma source(%arg8 : memref<128x128xf32, #tpu.memory_space<vmem>>) target(%dma_start3A_83 : memref<10240x128xf32, #tpu.memory_space<vmem_shared>>) offsets(%dma_start3A_80 : memref<128xi32, #tpu.memory_space<vmem>>) semaphore(%arg10 : memref<!tpu.dma_semaphore, #tpu.memory_space<semaphore_mem>>) {add = true}
      %mul3A_84 = arith.constant 8 : i32
      %mul3A_85 = arith.muli %mul3A_84, %add3A_24 : i32
      %add3A_86 = arith.constant 6 : i32
      %add3A_87 = arith.addi %mul3A_85, %add3A_86 : i32
      %dma_start3A_88 = arith.constant 0 : i32
      %dma_start3A_89 = tpu.memref_slice %arg7[%add3A_87, %dma_start3A_88] : memref<120x128xi32, #tpu.memory_space<vmem>> -> memref<1x128xi32, #tpu.memory_space<vmem>>
      %dma_start3A_90 = tpu.memref_squeeze %dma_start3A_89 : memref<1x128xi32, #tpu.memory_space<vmem>> -> memref<128xi32, #tpu.memory_space<vmem>>
      %dma_start3A_91 = arith.constant 0 : i32
      %dma_start3A_92 = arith.constant 0 : i32
      %dma_start3A_93 = tpu.memref_slice %arg6[%dma_start3A_91, %dma_start3A_92] : memref<10240x128xf32, #tpu.memory_space<vmem_shared>> -> memref<10240x128xf32, #tpu.memory_space<vmem_shared>>
      tpu.enqueue_indirect_dma source(%arg8 : memref<128x128xf32, #tpu.memory_space<vmem>>) target(%dma_start3A_93 : memref<10240x128xf32, #tpu.memory_space<vmem_shared>>) offsets(%dma_start3A_90 : memref<128xi32, #tpu.memory_space<vmem>>) semaphore(%arg9 : memref<!tpu.dma_semaphore, #tpu.memory_space<semaphore_mem>>) {add = true}
      %mul3A_94 = arith.constant 8 : i32
      %mul3A_95 = arith.muli %mul3A_94, %add3A_24 : i32
      %add3A_96 = arith.constant 7 : i32
      %add3A_97 = arith.addi %mul3A_95, %add3A_96 : i32
      %dma_start3A_98 = arith.constant 0 : i32
      %dma_start3A_99 = tpu.memref_slice %arg7[%add3A_97, %dma_start3A_98] : memref<120x128xi32, #tpu.memory_space<vmem>> -> memref<1x128xi32, #tpu.memory_space<vmem>>
      %dma_start3A_100 = tpu.memref_squeeze %dma_start3A_99 : memref<1x128xi32, #tpu.memory_space<vmem>> -> memref<128xi32, #tpu.memory_space<vmem>>
      %dma_start3A_101 = arith.constant 0 : i32
      %dma_start3A_102 = arith.constant 0 : i32
      %dma_start3A_103 = tpu.memref_slice %arg6[%dma_start3A_101, %dma_start3A_102] : memref<10240x128xf32, #tpu.memory_space<vmem_shared>> -> memref<10240x128xf32, #tpu.memory_space<vmem_shared>>
      tpu.enqueue_indirect_dma source(%arg8 : memref<128x128xf32, #tpu.memory_space<vmem>>) target(%dma_start3A_103 : memref<10240x128xf32, #tpu.memory_space<vmem_shared>>) offsets(%dma_start3A_100 : memref<128xi32, #tpu.memory_space<vmem>>) semaphore(%arg10 : memref<!tpu.dma_semaphore, #tpu.memory_space<semaphore_mem>>) {add = true}
      %mul3A_104 = arith.constant 8 : i32
      %mul3A_105 = arith.muli %mul3A_104, %add3A_24 : i32
      %add3A_106 = arith.constant 0 : i32
      %add3A_107 = arith.addi %mul3A_105, %add3A_106 : i32
      %dma_wait3A = arith.constant 0 : i32
      %dma_wait3A_108 = tpu.memref_slice %arg7[%add3A_107, %dma_wait3A] : memref<120x128xi32, #tpu.memory_space<vmem>> -> memref<1x128xi32, #tpu.memory_space<vmem>>
      %dma_wait3A_109 = tpu.memref_squeeze %dma_wait3A_108 : memref<1x128xi32, #tpu.memory_space<vmem>> -> memref<128xi32, #tpu.memory_space<vmem>>
      %dma_wait3A_110 = arith.constant 0 : i32
      %dma_wait3A_111 = arith.constant 0 : i32
      %dma_wait3A_112 = tpu.memref_slice %arg6[%dma_wait3A_110, %dma_wait3A_111] : memref<10240x128xf32, #tpu.memory_space<vmem_shared>> -> memref<10240x128xf32, #tpu.memory_space<vmem_shared>>
      tpu.wait_indirect_dma semaphore(%arg9 : memref<!tpu.dma_semaphore, #tpu.memory_space<semaphore_mem>>) src(%arg8 : memref<128x128xf32, #tpu.memory_space<vmem>>) dst(%dma_wait3A_112 : memref<10240x128xf32, #tpu.memory_space<vmem_shared>>)
      %mul3A_113 = arith.constant 8 : i32
      %mul3A_114 = arith.muli %mul3A_113, %add3A_24 : i32
      %add3A_115 = arith.constant 1 : i32
      %add3A_116 = arith.addi %mul3A_114, %add3A_115 : i32
      %dma_wait3A_117 = arith.constant 0 : i32
      %dma_wait3A_118 = tpu.memref_slice %arg7[%add3A_116, %dma_wait3A_117] : memref<120x128xi32, #tpu.memory_space<vmem>> -> memref<1x128xi32, #tpu.memory_space<vmem>>
      %dma_wait3A_119 = tpu.memref_squeeze %dma_wait3A_118 : memref<1x128xi32, #tpu.memory_space<vmem>> -> memref<128xi32, #tpu.memory_space<vmem>>
      %dma_wait3A_120 = arith.constant 0 : i32
      %dma_wait3A_121 = arith.constant 0 : i32
      %dma_wait3A_122 = tpu.memref_slice %arg6[%dma_wait3A_120, %dma_wait3A_121] : memref<10240x128xf32, #tpu.memory_space<vmem_shared>> -> memref<10240x128xf32, #tpu.memory_space<vmem_shared>>
      tpu.wait_indirect_dma semaphore(%arg10 : memref<!tpu.dma_semaphore, #tpu.memory_space<semaphore_mem>>) src(%arg8 : memref<128x128xf32, #tpu.memory_space<vmem>>) dst(%dma_wait3A_122 : memref<10240x128xf32, #tpu.memory_space<vmem_shared>>)
      %mul3A_123 = arith.constant 8 : i32
      %mul3A_124 = arith.muli %mul3A_123, %add3A_24 : i32
      %add3A_125 = arith.constant 2 : i32
      %add3A_126 = arith.addi %mul3A_124, %add3A_125 : i32
      %dma_wait3A_127 = arith.constant 0 : i32
      %dma_wait3A_128 = tpu.memref_slice %arg7[%add3A_126, %dma_wait3A_127] : memref<120x128xi32, #tpu.memory_space<vmem>> -> memref<1x128xi32, #tpu.memory_space<vmem>>
      %dma_wait3A_129 = tpu.memref_squeeze %dma_wait3A_128 : memref<1x128xi32, #tpu.memory_space<vmem>> -> memref<128xi32, #tpu.memory_space<vmem>>
      %dma_wait3A_130 = arith.constant 0 : i32
      %dma_wait3A_131 = arith.constant 0 : i32
      %dma_wait3A_132 = tpu.memref_slice %arg6[%dma_wait3A_130, %dma_wait3A_131] : memref<10240x128xf32, #tpu.memory_space<vmem_shared>> -> memref<10240x128xf32, #tpu.memory_space<vmem_shared>>
      tpu.wait_indirect_dma semaphore(%arg9 : memref<!tpu.dma_semaphore, #tpu.memory_space<semaphore_mem>>) src(%arg8 : memref<128x128xf32, #tpu.memory_space<vmem>>) dst(%dma_wait3A_132 : memref<10240x128xf32, #tpu.memory_space<vmem_shared>>)
      %mul3A_133 = arith.constant 8 : i32
      %mul3A_134 = arith.muli %mul3A_133, %add3A_24 : i32
      %add3A_135 = arith.constant 3 : i32
      %add3A_136 = arith.addi %mul3A_134, %add3A_135 : i32
      %dma_wait3A_137 = arith.constant 0 : i32
      %dma_wait3A_138 = tpu.memref_slice %arg7[%add3A_136, %dma_wait3A_137] : memref<120x128xi32, #tpu.memory_space<vmem>> -> memref<1x128xi32, #tpu.memory_space<vmem>>
      %dma_wait3A_139 = tpu.memref_squeeze %dma_wait3A_138 : memref<1x128xi32, #tpu.memory_space<vmem>> -> memref<128xi32, #tpu.memory_space<vmem>>
      %dma_wait3A_140 = arith.constant 0 : i32
      %dma_wait3A_141 = arith.constant 0 : i32
      %dma_wait3A_142 = tpu.memref_slice %arg6[%dma_wait3A_140, %dma_wait3A_141] : memref<10240x128xf32, #tpu.memory_space<vmem_shared>> -> memref<10240x128xf32, #tpu.memory_space<vmem_shared>>
      tpu.wait_indirect_dma semaphore(%arg10 : memref<!tpu.dma_semaphore, #tpu.memory_space<semaphore_mem>>) src(%arg8 : memref<128x128xf32, #tpu.memory_space<vmem>>) dst(%dma_wait3A_142 : memref<10240x128xf32, #tpu.memory_space<vmem_shared>>)
      %mul3A_143 = arith.constant 8 : i32
      %mul3A_144 = arith.muli %mul3A_143, %add3A_24 : i32
      %add3A_145 = arith.constant 4 : i32
      %add3A_146 = arith.addi %mul3A_144, %add3A_145 : i32
      %dma_wait3A_147 = arith.constant 0 : i32
      %dma_wait3A_148 = tpu.memref_slice %arg7[%add3A_146, %dma_wait3A_147] : memref<120x128xi32, #tpu.memory_space<vmem>> -> memref<1x128xi32, #tpu.memory_space<vmem>>
      %dma_wait3A_149 = tpu.memref_squeeze %dma_wait3A_148 : memref<1x128xi32, #tpu.memory_space<vmem>> -> memref<128xi32, #tpu.memory_space<vmem>>
      %dma_wait3A_150 = arith.constant 0 : i32
      %dma_wait3A_151 = arith.constant 0 : i32
      %dma_wait3A_152 = tpu.memref_slice %arg6[%dma_wait3A_150, %dma_wait3A_151] : memref<10240x128xf32, #tpu.memory_space<vmem_shared>> -> memref<10240x128xf32, #tpu.memory_space<vmem_shared>>
      tpu.wait_indirect_dma semaphore(%arg9 : memref<!tpu.dma_semaphore, #tpu.memory_space<semaphore_mem>>) src(%arg8 : memref<128x128xf32, #tpu.memory_space<vmem>>) dst(%dma_wait3A_152 : memref<10240x128xf32, #tpu.memory_space<vmem_shared>>)
      %mul3A_153 = arith.constant 8 : i32
      %mul3A_154 = arith.muli %mul3A_153, %add3A_24 : i32
      %add3A_155 = arith.constant 5 : i32
      %add3A_156 = arith.addi %mul3A_154, %add3A_155 : i32
      %dma_wait3A_157 = arith.constant 0 : i32
      %dma_wait3A_158 = tpu.memref_slice %arg7[%add3A_156, %dma_wait3A_157] : memref<120x128xi32, #tpu.memory_space<vmem>> -> memref<1x128xi32, #tpu.memory_space<vmem>>
      %dma_wait3A_159 = tpu.memref_squeeze %dma_wait3A_158 : memref<1x128xi32, #tpu.memory_space<vmem>> -> memref<128xi32, #tpu.memory_space<vmem>>
      %dma_wait3A_160 = arith.constant 0 : i32
      %dma_wait3A_161 = arith.constant 0 : i32
      %dma_wait3A_162 = tpu.memref_slice %arg6[%dma_wait3A_160, %dma_wait3A_161] : memref<10240x128xf32, #tpu.memory_space<vmem_shared>> -> memref<10240x128xf32, #tpu.memory_space<vmem_shared>>
      tpu.wait_indirect_dma semaphore(%arg10 : memref<!tpu.dma_semaphore, #tpu.memory_space<semaphore_mem>>) src(%arg8 : memref<128x128xf32, #tpu.memory_space<vmem>>) dst(%dma_wait3A_162 : memref<10240x128xf32, #tpu.memory_space<vmem_shared>>)
      %mul3A_163 = arith.constant 8 : i32
      %mul3A_164 = arith.muli %mul3A_163, %add3A_24 : i32
      %add3A_165 = arith.constant 6 : i32
      %add3A_166 = arith.addi %mul3A_164, %add3A_165 : i32
      %dma_wait3A_167 = arith.constant 0 : i32
      %dma_wait3A_168 = tpu.memref_slice %arg7[%add3A_166, %dma_wait3A_167] : memref<120x128xi32, #tpu.memory_space<vmem>> -> memref<1x128xi32, #tpu.memory_space<vmem>>
      %dma_wait3A_169 = tpu.memref_squeeze %dma_wait3A_168 : memref<1x128xi32, #tpu.memory_space<vmem>> -> memref<128xi32, #tpu.memory_space<vmem>>
      %dma_wait3A_170 = arith.constant 0 : i32
      %dma_wait3A_171 = arith.constant 0 : i32
      %dma_wait3A_172 = tpu.memref_slice %arg6[%dma_wait3A_170, %dma_wait3A_171] : memref<10240x128xf32, #tpu.memory_space<vmem_shared>> -> memref<10240x128xf32, #tpu.memory_space<vmem_shared>>
      tpu.wait_indirect_dma semaphore(%arg9 : memref<!tpu.dma_semaphore, #tpu.memory_space<semaphore_mem>>) src(%arg8 : memref<128x128xf32, #tpu.memory_space<vmem>>) dst(%dma_wait3A_172 : memref<10240x128xf32, #tpu.memory_space<vmem_shared>>)
      %mul3A_173 = arith.constant 8 : i32
      %mul3A_174 = arith.muli %mul3A_173, %add3A_24 : i32
      %add3A_175 = arith.constant 7 : i32
      %add3A_176 = arith.addi %mul3A_174, %add3A_175 : i32
      %dma_wait3A_177 = arith.constant 0 : i32
      %dma_wait3A_178 = tpu.memref_slice %arg7[%add3A_176, %dma_wait3A_177] : memref<120x128xi32, #tpu.memory_space<vmem>> -> memref<1x128xi32, #tpu.memory_space<vmem>>
      %dma_wait3A_179 = tpu.memref_squeeze %dma_wait3A_178 : memref<1x128xi32, #tpu.memory_space<vmem>> -> memref<128xi32, #tpu.memory_space<vmem>>
      %dma_wait3A_180 = arith.constant 0 : i32
      %dma_wait3A_181 = arith.constant 0 : i32
      %dma_wait3A_182 = tpu.memref_slice %arg6[%dma_wait3A_180, %dma_wait3A_181] : memref<10240x128xf32, #tpu.memory_space<vmem_shared>> -> memref<10240x128xf32, #tpu.memory_space<vmem_shared>>
      tpu.wait_indirect_dma semaphore(%arg10 : memref<!tpu.dma_semaphore, #tpu.memory_space<semaphore_mem>>) src(%arg8 : memref<128x128xf32, #tpu.memory_space<vmem>>) dst(%dma_wait3A_182 : memref<10240x128xf32, #tpu.memory_space<vmem_shared>>)
    }
    %barrier3A_21 = arith.constant 0 : index
    tpu.barrier barrier_id(%barrier3A_21)
    "tpu.region"() ({
      %run_scoped3A = tpu.sem_alloc : memref<!tpu.dma_semaphore, #tpu.memory_space<semaphore_mem>>
      %dma_start3A = arith.constant 0 : i32
      %dma_start3A_22 = tpu.memref_slice %arg5[%arg0, %mul3A_2, %dma_start3A] : memref<2x10240x128xf32, #tpu.memory_space<hbm>> -> memref<1x640x128xf32, #tpu.memory_space<hbm>>
      %dma_start3A_23 = tpu.memref_squeeze %dma_start3A_22 : memref<1x640x128xf32, #tpu.memory_space<hbm>> -> memref<640x128xf32, #tpu.memory_space<hbm>>
      %dma_start3A_24 = arith.constant 0 : i32
      %dma_start3A_25 = tpu.memref_slice %arg6[%mul3A_2, %dma_start3A_24] : memref<10240x128xf32, #tpu.memory_space<vmem_shared>> -> memref<640x128xf32, #tpu.memory_space<vmem_shared>>
      tpu.enqueue_dma source(%dma_start3A_25 : memref<640x128xf32, #tpu.memory_space<vmem_shared>>) target(%dma_start3A_23 : memref<640x128xf32, #tpu.memory_space<hbm>>) target_semaphore(%run_scoped3A : memref<!tpu.dma_semaphore, #tpu.memory_space<semaphore_mem>>)
      %dma_wait3A = arith.constant 0 : i32
      %dma_wait3A_26 = tpu.memref_slice %arg5[%arg0, %mul3A_2, %dma_wait3A] : memref<2x10240x128xf32, #tpu.memory_space<hbm>> -> memref<1x640x128xf32, #tpu.memory_space<hbm>>
      %dma_wait3A_27 = tpu.memref_squeeze %dma_wait3A_26 : memref<1x640x128xf32, #tpu.memory_space<hbm>> -> memref<640x128xf32, #tpu.memory_space<hbm>>
      %dma_wait3A_28 = arith.constant 0 : i32
      %dma_wait3A_29 = tpu.memref_slice %arg6[%mul3A_2, %dma_wait3A_28] : memref<10240x128xf32, #tpu.memory_space<vmem_shared>> -> memref<640x128xf32, #tpu.memory_space<vmem_shared>>
      tpu.wait_dma2 semaphore(%run_scoped3A : memref<!tpu.dma_semaphore, #tpu.memory_space<semaphore_mem>>) src(%dma_wait3A_29 : memref<640x128xf32, #tpu.memory_space<vmem_shared>>) dst(%dma_wait3A_27 : memref<640x128xf32, #tpu.memory_space<hbm>>)
      tpu.yield
    }) : () -> ()
    return
  }
}

#map = affine_map<(d0, d1) -> (0, 0)>
#map1 = affine_map<(d0, d1) -> (0, 0, 0)>
module attributes {stable_mosaic.version = 14 : i64} {
  func.func @_sc_scatter(%arg0: i32, %arg1: i32, %arg2: memref<10000x128xf32, #tpu.memory_space<hbm>>, %arg3: memref<32x120x128xi32, #tpu.memory_space<hbm>>, %arg4: memref<32x120x128xi32, #tpu.memory_space<hbm>>, %arg5: memref<10240x128xf32, #tpu.memory_space<hbm>>, %arg6: memref<2x10240x128xf32, #tpu.memory_space<hbm>>, %arg7: memref<10240x128xf32, #tpu.memory_space<vmem_shared>>, %arg8: memref<120x128xi32, #tpu.memory_space<vmem>>, %arg9: memref<128xi32, #tpu.memory_space<vmem>>, %arg10: memref<128xi32, #tpu.memory_space<vmem>>, %arg11: memref<128x128xf32, #tpu.memory_space<vmem>>, %arg12: memref<128x128xf32, #tpu.memory_space<vmem>>, %arg13: memref<!tpu.dma_semaphore, #tpu.memory_space<semaphore_mem>>, %arg14: memref<!tpu.dma_semaphore, #tpu.memory_space<semaphore_mem>>, %arg15: memref<!tpu.dma_semaphore, #tpu.memory_space<semaphore_mem>>, %arg16: memref<!tpu.dma_semaphore, #tpu.memory_space<semaphore_mem>>, %arg17: memref<!tpu.dma_semaphore, #tpu.memory_space<semaphore_mem>>, %arg18: memref<!tpu.dma_semaphore, #tpu.memory_space<semaphore_mem>>) attributes {dimension_semantics = [#tpu.dimension_semantics<core_parallel>, #tpu.dimension_semantics<subcore_parallel>], iteration_bounds = array<i64: 2, 16>, scalar_prefetch = 0 : i64, scratch_operands = 12 : i64, tpu.core_type = #tpu.core_type<sc_vector_subcore>, window_params = [{transform_indices = #map}, {transform_indices = #map1}, {transform_indices = #map1}, {transform_indices = #map}, {transform_indices = #map1}]} {
    %mul3A = arith.constant 16 : i32
    %mul3A_0 = arith.muli %arg0, %mul3A : i32
    %add3A = arith.addi %mul3A_0, %arg1 : i32
    %mul3A_1 = arith.constant 640 : i32
    %mul3A_2 = arith.muli %arg1, %mul3A_1 : i32
    "tpu.region"() ({
      %run_scoped3A = tpu.sem_alloc : memref<!tpu.dma_semaphore, #tpu.memory_space<semaphore_mem>>
      %dma_start3A_49 = arith.constant 0 : i32
      %dma_start3A_50 = tpu.memref_slice %arg7[%mul3A_2, %dma_start3A_49] : memref<10240x128xf32, #tpu.memory_space<vmem_shared>> -> memref<640x128xf32, #tpu.memory_space<vmem_shared>>
      %dma_start3A_51 = arith.constant 0 : i32
      %dma_start3A_52 = tpu.memref_slice %arg5[%mul3A_2, %dma_start3A_51] : memref<10240x128xf32, #tpu.memory_space<hbm>> -> memref<640x128xf32, #tpu.memory_space<hbm>>
      tpu.enqueue_dma source(%dma_start3A_52 : memref<640x128xf32, #tpu.memory_space<hbm>>) target(%dma_start3A_50 : memref<640x128xf32, #tpu.memory_space<vmem_shared>>) target_semaphore(%run_scoped3A : memref<!tpu.dma_semaphore, #tpu.memory_space<semaphore_mem>>)
      %dma_wait3A = arith.constant 0 : i32
      %dma_wait3A_53 = tpu.memref_slice %arg7[%mul3A_2, %dma_wait3A] : memref<10240x128xf32, #tpu.memory_space<vmem_shared>> -> memref<640x128xf32, #tpu.memory_space<vmem_shared>>
      %dma_wait3A_54 = arith.constant 0 : i32
      %dma_wait3A_55 = tpu.memref_slice %arg5[%mul3A_2, %dma_wait3A_54] : memref<10240x128xf32, #tpu.memory_space<hbm>> -> memref<640x128xf32, #tpu.memory_space<hbm>>
      tpu.wait_dma2 semaphore(%run_scoped3A : memref<!tpu.dma_semaphore, #tpu.memory_space<semaphore_mem>>) src(%dma_wait3A_55 : memref<640x128xf32, #tpu.memory_space<hbm>>) dst(%dma_wait3A_53 : memref<640x128xf32, #tpu.memory_space<vmem_shared>>)
      tpu.yield
    }) : () -> ()
    "tpu.region"() ({
      %run_scoped3A = tpu.sem_alloc : memref<!tpu.dma_semaphore, #tpu.memory_space<semaphore_mem>>
      %dma_start3A_49 = arith.constant 0 : i32
      %dma_start3A_50 = arith.constant 0 : i32
      %dma_start3A_51 = tpu.memref_slice %arg3[%add3A, %dma_start3A_49, %dma_start3A_50] : memref<32x120x128xi32, #tpu.memory_space<hbm>> -> memref<1x120x128xi32, #tpu.memory_space<hbm>>
      %dma_start3A_52 = tpu.memref_squeeze %dma_start3A_51 : memref<1x120x128xi32, #tpu.memory_space<hbm>> -> memref<120x128xi32, #tpu.memory_space<hbm>>
      %dma_start3A_53 = arith.constant 0 : i32
      %dma_start3A_54 = arith.constant 0 : i32
      %dma_start3A_55 = tpu.memref_slice %arg3[%add3A, %dma_start3A_53, %dma_start3A_54] : memref<32x120x128xi32, #tpu.memory_space<hbm>> -> memref<1x120x128xi32, #tpu.memory_space<hbm>>
      %dma_start3A_56 = tpu.memref_squeeze %dma_start3A_55 : memref<1x120x128xi32, #tpu.memory_space<hbm>> -> memref<120x128xi32, #tpu.memory_space<hbm>>
      tpu.enqueue_dma source(%dma_start3A_56 : memref<120x128xi32, #tpu.memory_space<hbm>>) target(%arg8 : memref<120x128xi32, #tpu.memory_space<vmem>>) target_semaphore(%run_scoped3A : memref<!tpu.dma_semaphore, #tpu.memory_space<semaphore_mem>>)
      %dma_wait3A = arith.constant 0 : i32
      %dma_wait3A_57 = arith.constant 0 : i32
      %dma_wait3A_58 = tpu.memref_slice %arg3[%add3A, %dma_wait3A, %dma_wait3A_57] : memref<32x120x128xi32, #tpu.memory_space<hbm>> -> memref<1x120x128xi32, #tpu.memory_space<hbm>>
      %dma_wait3A_59 = tpu.memref_squeeze %dma_wait3A_58 : memref<1x120x128xi32, #tpu.memory_space<hbm>> -> memref<120x128xi32, #tpu.memory_space<hbm>>
      %dma_wait3A_60 = arith.constant 0 : i32
      %dma_wait3A_61 = arith.constant 0 : i32
      %dma_wait3A_62 = tpu.memref_slice %arg3[%add3A, %dma_wait3A_60, %dma_wait3A_61] : memref<32x120x128xi32, #tpu.memory_space<hbm>> -> memref<1x120x128xi32, #tpu.memory_space<hbm>>
      %dma_wait3A_63 = tpu.memref_squeeze %dma_wait3A_62 : memref<1x120x128xi32, #tpu.memory_space<hbm>> -> memref<120x128xi32, #tpu.memory_space<hbm>>
      tpu.wait_dma2 semaphore(%run_scoped3A : memref<!tpu.dma_semaphore, #tpu.memory_space<semaphore_mem>>) src(%dma_wait3A_63 : memref<120x128xi32, #tpu.memory_space<hbm>>) dst(%arg8 : memref<120x128xi32, #tpu.memory_space<vmem>>)
      tpu.yield
    }) : () -> ()
    %barrier3A = arith.constant 0 : index
    tpu.barrier barrier_id(%barrier3A)
    %eq3A = arith.constant 0 : i32
    %eq3A_3 = arith.cmpi eq, %arg0, %eq3A : i32
    %jit3A = arith.constant 60 : i32
    %jit3A_4 = arith.constant 20 : i32
    %select_n3A = arith.select %eq3A_3, %jit3A, %jit3A_4 : i32
    %dma_start3A = arith.constant 0 : i32
    %dma_start3A_5 = arith.constant 0 : i32
    %dma_start3A_6 = tpu.memref_slice %arg8[%dma_start3A, %dma_start3A_5] : memref<120x128xi32, #tpu.memory_space<vmem>> -> memref<1x128xi32, #tpu.memory_space<vmem>>
    %dma_start3A_7 = tpu.memref_squeeze %dma_start3A_6 : memref<1x128xi32, #tpu.memory_space<vmem>> -> memref<128xi32, #tpu.memory_space<vmem>>
    %dma_start3A_8 = arith.constant 0 : i32
    %dma_start3A_9 = arith.constant 0 : i32
    %dma_start3A_10 = tpu.memref_slice %arg2[%dma_start3A_8, %dma_start3A_9] : memref<10000x128xf32, #tpu.memory_space<hbm>> -> memref<10000x128xf32, #tpu.memory_space<hbm>>
    tpu.enqueue_indirect_dma source(%dma_start3A_10 : memref<10000x128xf32, #tpu.memory_space<hbm>>) target(%arg11 : memref<128x128xf32, #tpu.memory_space<vmem>>) offsets(%dma_start3A_7 : memref<128xi32, #tpu.memory_space<vmem>>) semaphore(%arg13 : memref<!tpu.dma_semaphore, #tpu.memory_space<semaphore_mem>>)
    %dma_start3A_11 = arith.constant 1 : i32
    %dma_start3A_12 = arith.constant 0 : i32
    %dma_start3A_13 = tpu.memref_slice %arg8[%dma_start3A_11, %dma_start3A_12] : memref<120x128xi32, #tpu.memory_space<vmem>> -> memref<1x128xi32, #tpu.memory_space<vmem>>
    %dma_start3A_14 = tpu.memref_squeeze %dma_start3A_13 : memref<1x128xi32, #tpu.memory_space<vmem>> -> memref<128xi32, #tpu.memory_space<vmem>>
    %dma_start3A_15 = arith.constant 0 : i32
    %dma_start3A_16 = arith.constant 0 : i32
    %dma_start3A_17 = tpu.memref_slice %arg2[%dma_start3A_15, %dma_start3A_16] : memref<10000x128xf32, #tpu.memory_space<hbm>> -> memref<10000x128xf32, #tpu.memory_space<hbm>>
    tpu.enqueue_indirect_dma source(%dma_start3A_17 : memref<10000x128xf32, #tpu.memory_space<hbm>>) target(%arg12 : memref<128x128xf32, #tpu.memory_space<vmem>>) offsets(%dma_start3A_14 : memref<128xi32, #tpu.memory_space<vmem>>) semaphore(%arg14 : memref<!tpu.dma_semaphore, #tpu.memory_space<semaphore_mem>>)
    %dma_start3A_18 = arith.constant 0 : i32
    %dma_start3A_19 = arith.constant 0 : i32
    %dma_start3A_20 = tpu.memref_slice %arg4[%add3A, %dma_start3A_18, %dma_start3A_19] : memref<32x120x128xi32, #tpu.memory_space<hbm>> -> memref<1x1x128xi32, #tpu.memory_space<hbm>>
    %dma_start3A_21 = tpu.memref_squeeze %dma_start3A_20 : memref<1x1x128xi32, #tpu.memory_space<hbm>> -> memref<128xi32, #tpu.memory_space<hbm>>
    %dma_start3A_22 = arith.constant 0 : i32
    %dma_start3A_23 = tpu.memref_slice %arg4[%add3A, %dma_start3A_18, %dma_start3A_22] : memref<32x120x128xi32, #tpu.memory_space<hbm>> -> memref<1x1x128xi32, #tpu.memory_space<hbm>>
    %dma_start3A_24 = tpu.memref_squeeze %dma_start3A_23 : memref<1x1x128xi32, #tpu.memory_space<hbm>> -> memref<128xi32, #tpu.memory_space<hbm>>
    tpu.enqueue_dma source(%dma_start3A_24 : memref<128xi32, #tpu.memory_space<hbm>>) target(%arg9 : memref<128xi32, #tpu.memory_space<vmem>>) target_semaphore(%arg17 : memref<!tpu.dma_semaphore, #tpu.memory_space<semaphore_mem>>)
    %dma_start3A_25 = arith.constant 1 : i32
    %dma_start3A_26 = arith.constant 0 : i32
    %dma_start3A_27 = tpu.memref_slice %arg4[%add3A, %dma_start3A_25, %dma_start3A_26] : memref<32x120x128xi32, #tpu.memory_space<hbm>> -> memref<1x1x128xi32, #tpu.memory_space<hbm>>
    %dma_start3A_28 = tpu.memref_squeeze %dma_start3A_27 : memref<1x1x128xi32, #tpu.memory_space<hbm>> -> memref<128xi32, #tpu.memory_space<hbm>>
    %dma_start3A_29 = arith.constant 0 : i32
    %dma_start3A_30 = tpu.memref_slice %arg4[%add3A, %dma_start3A_25, %dma_start3A_29] : memref<32x120x128xi32, #tpu.memory_space<hbm>> -> memref<1x1x128xi32, #tpu.memory_space<hbm>>
    %dma_start3A_31 = tpu.memref_squeeze %dma_start3A_30 : memref<1x1x128xi32, #tpu.memory_space<hbm>> -> memref<128xi32, #tpu.memory_space<hbm>>
    tpu.enqueue_dma source(%dma_start3A_31 : memref<128xi32, #tpu.memory_space<hbm>>) target(%arg10 : memref<128xi32, #tpu.memory_space<vmem>>) target_semaphore(%arg18 : memref<!tpu.dma_semaphore, #tpu.memory_space<semaphore_mem>>)
    %sub3A = arith.constant 0 : i32
    %sub3A_32 = arith.subi %select_n3A, %sub3A : i32
    %sub3A_33 = arith.constant 1 : i32
    %sub3A_34 = arith.constant 1 : i32
    %sub3A_35 = arith.subi %sub3A_33, %sub3A_34 : i32
    %add3A_36 = arith.addi %sub3A_32, %sub3A_35 : i32
    %div3A = arith.constant 1 : i32
    %div3A_37 = arith.divsi %add3A_36, %div3A : i32
    %while3A = arith.constant 1 : i32
    %while3A_38 = arith.constant 0 : i32
    %while3A_39 = arith.constant 0 : i32
    %while3A_40 = arith.subi %div3A_37, %while3A_39 : i32
    %while3A_41 = arith.addi %while3A_39, %while3A_40 : i32
    %while3A_42 = arith.constant 1 : i32
    %while3A_43 = arith.divsi %while3A_40, %while3A_42 : i32
    %while3A_44 = arith.muli %while3A_43, %while3A_42 : i32
    %while3A_45 = arith.addi %while3A_39, %while3A_44 : i32
    %while3A_46 = arith.constant 1 : i32
    scf.for %while3A_49 = %while3A_39 to %while3A_45 step %while3A_46  : i32 {
      %mul3A_50 = arith.muli %while3A_49, %while3A : i32
      %add3A_51 = arith.addi %while3A_38, %mul3A_50 : i32
      %mul3A_52 = arith.constant 2 : i32
      %mul3A_53 = arith.muli %mul3A_52, %add3A_51 : i32
      %add3A_54 = arith.constant 1 : i32
      %add3A_55 = arith.addi %mul3A_53, %add3A_54 : i32
      %dma_wait3A = arith.constant 0 : i32
      %dma_wait3A_56 = tpu.memref_slice %arg8[%mul3A_53, %dma_wait3A] : memref<120x128xi32, #tpu.memory_space<vmem>> -> memref<1x128xi32, #tpu.memory_space<vmem>>
      %dma_wait3A_57 = tpu.memref_squeeze %dma_wait3A_56 : memref<1x128xi32, #tpu.memory_space<vmem>> -> memref<128xi32, #tpu.memory_space<vmem>>
      %dma_wait3A_58 = arith.constant 0 : i32
      %dma_wait3A_59 = arith.constant 0 : i32
      %dma_wait3A_60 = tpu.memref_slice %arg2[%dma_wait3A_58, %dma_wait3A_59] : memref<10000x128xf32, #tpu.memory_space<hbm>> -> memref<10000x128xf32, #tpu.memory_space<hbm>>
      tpu.wait_indirect_dma semaphore(%arg13 : memref<!tpu.dma_semaphore, #tpu.memory_space<semaphore_mem>>) src(%dma_wait3A_60 : memref<10000x128xf32, #tpu.memory_space<hbm>>) dst(%arg11 : memref<128x128xf32, #tpu.memory_space<vmem>>)
      %dma_wait3A_61 = arith.constant 0 : i32
      %dma_wait3A_62 = tpu.memref_slice %arg4[%add3A, %mul3A_53, %dma_wait3A_61] : memref<32x120x128xi32, #tpu.memory_space<hbm>> -> memref<1x1x128xi32, #tpu.memory_space<hbm>>
      %dma_wait3A_63 = tpu.memref_squeeze %dma_wait3A_62 : memref<1x1x128xi32, #tpu.memory_space<hbm>> -> memref<128xi32, #tpu.memory_space<hbm>>
      %dma_wait3A_64 = arith.constant 0 : i32
      %dma_wait3A_65 = tpu.memref_slice %arg4[%add3A, %mul3A_53, %dma_wait3A_64] : memref<32x120x128xi32, #tpu.memory_space<hbm>> -> memref<1x1x128xi32, #tpu.memory_space<hbm>>
      %dma_wait3A_66 = tpu.memref_squeeze %dma_wait3A_65 : memref<1x1x128xi32, #tpu.memory_space<hbm>> -> memref<128xi32, #tpu.memory_space<hbm>>
      tpu.wait_dma2 semaphore(%arg17 : memref<!tpu.dma_semaphore, #tpu.memory_space<semaphore_mem>>) src(%dma_wait3A_66 : memref<128xi32, #tpu.memory_space<hbm>>) dst(%arg9 : memref<128xi32, #tpu.memory_space<vmem>>)
      %dma_start3A_67 = arith.constant 0 : i32
      %dma_start3A_68 = arith.constant 0 : i32
      %dma_start3A_69 = tpu.memref_slice %arg7[%dma_start3A_67, %dma_start3A_68] : memref<10240x128xf32, #tpu.memory_space<vmem_shared>> -> memref<10240x128xf32, #tpu.memory_space<vmem_shared>>
      tpu.enqueue_indirect_dma source(%arg11 : memref<128x128xf32, #tpu.memory_space<vmem>>) target(%dma_start3A_69 : memref<10240x128xf32, #tpu.memory_space<vmem_shared>>) offsets(%arg9 : memref<128xi32, #tpu.memory_space<vmem>>) semaphore(%arg15 : memref<!tpu.dma_semaphore, #tpu.memory_space<semaphore_mem>>) {add = true}
      %dma_wait3A_70 = arith.constant 0 : i32
      %dma_wait3A_71 = tpu.memref_slice %arg8[%add3A_55, %dma_wait3A_70] : memref<120x128xi32, #tpu.memory_space<vmem>> -> memref<1x128xi32, #tpu.memory_space<vmem>>
      %dma_wait3A_72 = tpu.memref_squeeze %dma_wait3A_71 : memref<1x128xi32, #tpu.memory_space<vmem>> -> memref<128xi32, #tpu.memory_space<vmem>>
      %dma_wait3A_73 = arith.constant 0 : i32
      %dma_wait3A_74 = arith.constant 0 : i32
      %dma_wait3A_75 = tpu.memref_slice %arg2[%dma_wait3A_73, %dma_wait3A_74] : memref<10000x128xf32, #tpu.memory_space<hbm>> -> memref<10000x128xf32, #tpu.memory_space<hbm>>
      tpu.wait_indirect_dma semaphore(%arg14 : memref<!tpu.dma_semaphore, #tpu.memory_space<semaphore_mem>>) src(%dma_wait3A_75 : memref<10000x128xf32, #tpu.memory_space<hbm>>) dst(%arg12 : memref<128x128xf32, #tpu.memory_space<vmem>>)
      %dma_wait3A_76 = arith.constant 0 : i32
      %dma_wait3A_77 = tpu.memref_slice %arg4[%add3A, %add3A_55, %dma_wait3A_76] : memref<32x120x128xi32, #tpu.memory_space<hbm>> -> memref<1x1x128xi32, #tpu.memory_space<hbm>>
      %dma_wait3A_78 = tpu.memref_squeeze %dma_wait3A_77 : memref<1x1x128xi32, #tpu.memory_space<hbm>> -> memref<128xi32, #tpu.memory_space<hbm>>
      %dma_wait3A_79 = arith.constant 0 : i32
      %dma_wait3A_80 = tpu.memref_slice %arg4[%add3A, %add3A_55, %dma_wait3A_79] : memref<32x120x128xi32, #tpu.memory_space<hbm>> -> memref<1x1x128xi32, #tpu.memory_space<hbm>>
      %dma_wait3A_81 = tpu.memref_squeeze %dma_wait3A_80 : memref<1x1x128xi32, #tpu.memory_space<hbm>> -> memref<128xi32, #tpu.memory_space<hbm>>
      tpu.wait_dma2 semaphore(%arg18 : memref<!tpu.dma_semaphore, #tpu.memory_space<semaphore_mem>>) src(%dma_wait3A_81 : memref<128xi32, #tpu.memory_space<hbm>>) dst(%arg10 : memref<128xi32, #tpu.memory_space<vmem>>)
      %dma_start3A_82 = arith.constant 0 : i32
      %dma_start3A_83 = arith.constant 0 : i32
      %dma_start3A_84 = tpu.memref_slice %arg7[%dma_start3A_82, %dma_start3A_83] : memref<10240x128xf32, #tpu.memory_space<vmem_shared>> -> memref<10240x128xf32, #tpu.memory_space<vmem_shared>>
      tpu.enqueue_indirect_dma source(%arg12 : memref<128x128xf32, #tpu.memory_space<vmem>>) target(%dma_start3A_84 : memref<10240x128xf32, #tpu.memory_space<vmem_shared>>) offsets(%arg10 : memref<128xi32, #tpu.memory_space<vmem>>) semaphore(%arg16 : memref<!tpu.dma_semaphore, #tpu.memory_space<semaphore_mem>>) {add = true}
      %dma_wait3A_85 = arith.constant 0 : i32
      %dma_wait3A_86 = arith.constant 0 : i32
      %dma_wait3A_87 = tpu.memref_slice %arg7[%dma_wait3A_85, %dma_wait3A_86] : memref<10240x128xf32, #tpu.memory_space<vmem_shared>> -> memref<10240x128xf32, #tpu.memory_space<vmem_shared>>
      tpu.wait_indirect_dma semaphore(%arg15 : memref<!tpu.dma_semaphore, #tpu.memory_space<semaphore_mem>>) src(%arg11 : memref<128x128xf32, #tpu.memory_space<vmem>>) dst(%dma_wait3A_87 : memref<10240x128xf32, #tpu.memory_space<vmem_shared>>)
      %dma_wait3A_88 = arith.constant 0 : i32
      %dma_wait3A_89 = arith.constant 0 : i32
      %dma_wait3A_90 = tpu.memref_slice %arg7[%dma_wait3A_88, %dma_wait3A_89] : memref<10240x128xf32, #tpu.memory_space<vmem_shared>> -> memref<10240x128xf32, #tpu.memory_space<vmem_shared>>
      tpu.wait_indirect_dma semaphore(%arg16 : memref<!tpu.dma_semaphore, #tpu.memory_space<semaphore_mem>>) src(%arg12 : memref<128x128xf32, #tpu.memory_space<vmem>>) dst(%dma_wait3A_90 : memref<10240x128xf32, #tpu.memory_space<vmem_shared>>)
      %sub3A_91 = arith.constant 1 : i32
      %sub3A_92 = arith.subi %select_n3A, %sub3A_91 : i32
      %lt3A = arith.cmpi slt, %add3A_51, %sub3A_92 : i32
      %convert_element_type3A = arith.extui %lt3A : i1 to i32
      %cond3A = arith.constant 0 : i32
      %cond3A_93 = arith.cmpi ne, %convert_element_type3A, %cond3A : i32
      scf.if %cond3A_93 {
        %add3A_94 = arith.constant 2 : i32
        %add3A_95 = arith.addi %mul3A_53, %add3A_94 : i32
        %dma_start3A_96 = arith.constant 0 : i32
        %dma_start3A_97 = tpu.memref_slice %arg8[%add3A_95, %dma_start3A_96] : memref<120x128xi32, #tpu.memory_space<vmem>> -> memref<1x128xi32, #tpu.memory_space<vmem>>
        %dma_start3A_98 = tpu.memref_squeeze %dma_start3A_97 : memref<1x128xi32, #tpu.memory_space<vmem>> -> memref<128xi32, #tpu.memory_space<vmem>>
        %dma_start3A_99 = arith.constant 0 : i32
        %dma_start3A_100 = arith.constant 0 : i32
        %dma_start3A_101 = tpu.memref_slice %arg2[%dma_start3A_99, %dma_start3A_100] : memref<10000x128xf32, #tpu.memory_space<hbm>> -> memref<10000x128xf32, #tpu.memory_space<hbm>>
        tpu.enqueue_indirect_dma source(%dma_start3A_101 : memref<10000x128xf32, #tpu.memory_space<hbm>>) target(%arg11 : memref<128x128xf32, #tpu.memory_space<vmem>>) offsets(%dma_start3A_98 : memref<128xi32, #tpu.memory_space<vmem>>) semaphore(%arg13 : memref<!tpu.dma_semaphore, #tpu.memory_space<semaphore_mem>>)
        %add3A_102 = arith.constant 2 : i32
        %add3A_103 = arith.addi %add3A_55, %add3A_102 : i32
        %dma_start3A_104 = arith.constant 0 : i32
        %dma_start3A_105 = tpu.memref_slice %arg8[%add3A_103, %dma_start3A_104] : memref<120x128xi32, #tpu.memory_space<vmem>> -> memref<1x128xi32, #tpu.memory_space<vmem>>
        %dma_start3A_106 = tpu.memref_squeeze %dma_start3A_105 : memref<1x128xi32, #tpu.memory_space<vmem>> -> memref<128xi32, #tpu.memory_space<vmem>>
        %dma_start3A_107 = arith.constant 0 : i32
        %dma_start3A_108 = arith.constant 0 : i32
        %dma_start3A_109 = tpu.memref_slice %arg2[%dma_start3A_107, %dma_start3A_108] : memref<10000x128xf32, #tpu.memory_space<hbm>> -> memref<10000x128xf32, #tpu.memory_space<hbm>>
        tpu.enqueue_indirect_dma source(%dma_start3A_109 : memref<10000x128xf32, #tpu.memory_space<hbm>>) target(%arg12 : memref<128x128xf32, #tpu.memory_space<vmem>>) offsets(%dma_start3A_106 : memref<128xi32, #tpu.memory_space<vmem>>) semaphore(%arg14 : memref<!tpu.dma_semaphore, #tpu.memory_space<semaphore_mem>>)
        %add3A_110 = arith.constant 2 : i32
        %add3A_111 = arith.addi %mul3A_53, %add3A_110 : i32
        %dma_start3A_112 = arith.constant 0 : i32
        %dma_start3A_113 = tpu.memref_slice %arg4[%add3A, %add3A_111, %dma_start3A_112] : memref<32x120x128xi32, #tpu.memory_space<hbm>> -> memref<1x1x128xi32, #tpu.memory_space<hbm>>
        %dma_start3A_114 = tpu.memref_squeeze %dma_start3A_113 : memref<1x1x128xi32, #tpu.memory_space<hbm>> -> memref<128xi32, #tpu.memory_space<hbm>>
        %dma_start3A_115 = arith.constant 0 : i32
        %dma_start3A_116 = tpu.memref_slice %arg4[%add3A, %add3A_111, %dma_start3A_115] : memref<32x120x128xi32, #tpu.memory_space<hbm>> -> memref<1x1x128xi32, #tpu.memory_space<hbm>>
        %dma_start3A_117 = tpu.memref_squeeze %dma_start3A_116 : memref<1x1x128xi32, #tpu.memory_space<hbm>> -> memref<128xi32, #tpu.memory_space<hbm>>
        tpu.enqueue_dma source(%dma_start3A_117 : memref<128xi32, #tpu.memory_space<hbm>>) target(%arg9 : memref<128xi32, #tpu.memory_space<vmem>>) target_semaphore(%arg17 : memref<!tpu.dma_semaphore, #tpu.memory_space<semaphore_mem>>)
        %add3A_118 = arith.constant 2 : i32
        %add3A_119 = arith.addi %add3A_55, %add3A_118 : i32
        %dma_start3A_120 = arith.constant 0 : i32
        %dma_start3A_121 = tpu.memref_slice %arg4[%add3A, %add3A_119, %dma_start3A_120] : memref<32x120x128xi32, #tpu.memory_space<hbm>> -> memref<1x1x128xi32, #tpu.memory_space<hbm>>
        %dma_start3A_122 = tpu.memref_squeeze %dma_start3A_121 : memref<1x1x128xi32, #tpu.memory_space<hbm>> -> memref<128xi32, #tpu.memory_space<hbm>>
        %dma_start3A_123 = arith.constant 0 : i32
        %dma_start3A_124 = tpu.memref_slice %arg4[%add3A, %add3A_119, %dma_start3A_123] : memref<32x120x128xi32, #tpu.memory_space<hbm>> -> memref<1x1x128xi32, #tpu.memory_space<hbm>>
        %dma_start3A_125 = tpu.memref_squeeze %dma_start3A_124 : memref<1x1x128xi32, #tpu.memory_space<hbm>> -> memref<128xi32, #tpu.memory_space<hbm>>
        tpu.enqueue_dma source(%dma_start3A_125 : memref<128xi32, #tpu.memory_space<hbm>>) target(%arg10 : memref<128xi32, #tpu.memory_space<vmem>>) target_semaphore(%arg18 : memref<!tpu.dma_semaphore, #tpu.memory_space<semaphore_mem>>)
      } else {
      }
    }
    %while3A_47 = arith.constant 1 : i32
    scf.for %while3A_49 = %while3A_45 to %while3A_41 step %while3A_47  : i32 {
      %mul3A_50 = arith.muli %while3A_49, %while3A : i32
      %add3A_51 = arith.addi %while3A_38, %mul3A_50 : i32
      %mul3A_52 = arith.constant 2 : i32
      %mul3A_53 = arith.muli %mul3A_52, %add3A_51 : i32
      %add3A_54 = arith.constant 1 : i32
      %add3A_55 = arith.addi %mul3A_53, %add3A_54 : i32
      %dma_wait3A = arith.constant 0 : i32
      %dma_wait3A_56 = tpu.memref_slice %arg8[%mul3A_53, %dma_wait3A] : memref<120x128xi32, #tpu.memory_space<vmem>> -> memref<1x128xi32, #tpu.memory_space<vmem>>
      %dma_wait3A_57 = tpu.memref_squeeze %dma_wait3A_56 : memref<1x128xi32, #tpu.memory_space<vmem>> -> memref<128xi32, #tpu.memory_space<vmem>>
      %dma_wait3A_58 = arith.constant 0 : i32
      %dma_wait3A_59 = arith.constant 0 : i32
      %dma_wait3A_60 = tpu.memref_slice %arg2[%dma_wait3A_58, %dma_wait3A_59] : memref<10000x128xf32, #tpu.memory_space<hbm>> -> memref<10000x128xf32, #tpu.memory_space<hbm>>
      tpu.wait_indirect_dma semaphore(%arg13 : memref<!tpu.dma_semaphore, #tpu.memory_space<semaphore_mem>>) src(%dma_wait3A_60 : memref<10000x128xf32, #tpu.memory_space<hbm>>) dst(%arg11 : memref<128x128xf32, #tpu.memory_space<vmem>>)
      %dma_wait3A_61 = arith.constant 0 : i32
      %dma_wait3A_62 = tpu.memref_slice %arg4[%add3A, %mul3A_53, %dma_wait3A_61] : memref<32x120x128xi32, #tpu.memory_space<hbm>> -> memref<1x1x128xi32, #tpu.memory_space<hbm>>
      %dma_wait3A_63 = tpu.memref_squeeze %dma_wait3A_62 : memref<1x1x128xi32, #tpu.memory_space<hbm>> -> memref<128xi32, #tpu.memory_space<hbm>>
      %dma_wait3A_64 = arith.constant 0 : i32
      %dma_wait3A_65 = tpu.memref_slice %arg4[%add3A, %mul3A_53, %dma_wait3A_64] : memref<32x120x128xi32, #tpu.memory_space<hbm>> -> memref<1x1x128xi32, #tpu.memory_space<hbm>>
      %dma_wait3A_66 = tpu.memref_squeeze %dma_wait3A_65 : memref<1x1x128xi32, #tpu.memory_space<hbm>> -> memref<128xi32, #tpu.memory_space<hbm>>
      tpu.wait_dma2 semaphore(%arg17 : memref<!tpu.dma_semaphore, #tpu.memory_space<semaphore_mem>>) src(%dma_wait3A_66 : memref<128xi32, #tpu.memory_space<hbm>>) dst(%arg9 : memref<128xi32, #tpu.memory_space<vmem>>)
      %dma_start3A_67 = arith.constant 0 : i32
      %dma_start3A_68 = arith.constant 0 : i32
      %dma_start3A_69 = tpu.memref_slice %arg7[%dma_start3A_67, %dma_start3A_68] : memref<10240x128xf32, #tpu.memory_space<vmem_shared>> -> memref<10240x128xf32, #tpu.memory_space<vmem_shared>>
      tpu.enqueue_indirect_dma source(%arg11 : memref<128x128xf32, #tpu.memory_space<vmem>>) target(%dma_start3A_69 : memref<10240x128xf32, #tpu.memory_space<vmem_shared>>) offsets(%arg9 : memref<128xi32, #tpu.memory_space<vmem>>) semaphore(%arg15 : memref<!tpu.dma_semaphore, #tpu.memory_space<semaphore_mem>>) {add = true}
      %dma_wait3A_70 = arith.constant 0 : i32
      %dma_wait3A_71 = tpu.memref_slice %arg8[%add3A_55, %dma_wait3A_70] : memref<120x128xi32, #tpu.memory_space<vmem>> -> memref<1x128xi32, #tpu.memory_space<vmem>>
      %dma_wait3A_72 = tpu.memref_squeeze %dma_wait3A_71 : memref<1x128xi32, #tpu.memory_space<vmem>> -> memref<128xi32, #tpu.memory_space<vmem>>
      %dma_wait3A_73 = arith.constant 0 : i32
      %dma_wait3A_74 = arith.constant 0 : i32
      %dma_wait3A_75 = tpu.memref_slice %arg2[%dma_wait3A_73, %dma_wait3A_74] : memref<10000x128xf32, #tpu.memory_space<hbm>> -> memref<10000x128xf32, #tpu.memory_space<hbm>>
      tpu.wait_indirect_dma semaphore(%arg14 : memref<!tpu.dma_semaphore, #tpu.memory_space<semaphore_mem>>) src(%dma_wait3A_75 : memref<10000x128xf32, #tpu.memory_space<hbm>>) dst(%arg12 : memref<128x128xf32, #tpu.memory_space<vmem>>)
      %dma_wait3A_76 = arith.constant 0 : i32
      %dma_wait3A_77 = tpu.memref_slice %arg4[%add3A, %add3A_55, %dma_wait3A_76] : memref<32x120x128xi32, #tpu.memory_space<hbm>> -> memref<1x1x128xi32, #tpu.memory_space<hbm>>
      %dma_wait3A_78 = tpu.memref_squeeze %dma_wait3A_77 : memref<1x1x128xi32, #tpu.memory_space<hbm>> -> memref<128xi32, #tpu.memory_space<hbm>>
      %dma_wait3A_79 = arith.constant 0 : i32
      %dma_wait3A_80 = tpu.memref_slice %arg4[%add3A, %add3A_55, %dma_wait3A_79] : memref<32x120x128xi32, #tpu.memory_space<hbm>> -> memref<1x1x128xi32, #tpu.memory_space<hbm>>
      %dma_wait3A_81 = tpu.memref_squeeze %dma_wait3A_80 : memref<1x1x128xi32, #tpu.memory_space<hbm>> -> memref<128xi32, #tpu.memory_space<hbm>>
      tpu.wait_dma2 semaphore(%arg18 : memref<!tpu.dma_semaphore, #tpu.memory_space<semaphore_mem>>) src(%dma_wait3A_81 : memref<128xi32, #tpu.memory_space<hbm>>) dst(%arg10 : memref<128xi32, #tpu.memory_space<vmem>>)
      %dma_start3A_82 = arith.constant 0 : i32
      %dma_start3A_83 = arith.constant 0 : i32
      %dma_start3A_84 = tpu.memref_slice %arg7[%dma_start3A_82, %dma_start3A_83] : memref<10240x128xf32, #tpu.memory_space<vmem_shared>> -> memref<10240x128xf32, #tpu.memory_space<vmem_shared>>
      tpu.enqueue_indirect_dma source(%arg12 : memref<128x128xf32, #tpu.memory_space<vmem>>) target(%dma_start3A_84 : memref<10240x128xf32, #tpu.memory_space<vmem_shared>>) offsets(%arg10 : memref<128xi32, #tpu.memory_space<vmem>>) semaphore(%arg16 : memref<!tpu.dma_semaphore, #tpu.memory_space<semaphore_mem>>) {add = true}
      %dma_wait3A_85 = arith.constant 0 : i32
      %dma_wait3A_86 = arith.constant 0 : i32
      %dma_wait3A_87 = tpu.memref_slice %arg7[%dma_wait3A_85, %dma_wait3A_86] : memref<10240x128xf32, #tpu.memory_space<vmem_shared>> -> memref<10240x128xf32, #tpu.memory_space<vmem_shared>>
      tpu.wait_indirect_dma semaphore(%arg15 : memref<!tpu.dma_semaphore, #tpu.memory_space<semaphore_mem>>) src(%arg11 : memref<128x128xf32, #tpu.memory_space<vmem>>) dst(%dma_wait3A_87 : memref<10240x128xf32, #tpu.memory_space<vmem_shared>>)
      %dma_wait3A_88 = arith.constant 0 : i32
      %dma_wait3A_89 = arith.constant 0 : i32
      %dma_wait3A_90 = tpu.memref_slice %arg7[%dma_wait3A_88, %dma_wait3A_89] : memref<10240x128xf32, #tpu.memory_space<vmem_shared>> -> memref<10240x128xf32, #tpu.memory_space<vmem_shared>>
      tpu.wait_indirect_dma semaphore(%arg16 : memref<!tpu.dma_semaphore, #tpu.memory_space<semaphore_mem>>) src(%arg12 : memref<128x128xf32, #tpu.memory_space<vmem>>) dst(%dma_wait3A_90 : memref<10240x128xf32, #tpu.memory_space<vmem_shared>>)
      %sub3A_91 = arith.constant 1 : i32
      %sub3A_92 = arith.subi %select_n3A, %sub3A_91 : i32
      %lt3A = arith.cmpi slt, %add3A_51, %sub3A_92 : i32
      %convert_element_type3A = arith.extui %lt3A : i1 to i32
      %cond3A = arith.constant 0 : i32
      %cond3A_93 = arith.cmpi ne, %convert_element_type3A, %cond3A : i32
      scf.if %cond3A_93 {
        %add3A_94 = arith.constant 2 : i32
        %add3A_95 = arith.addi %mul3A_53, %add3A_94 : i32
        %dma_start3A_96 = arith.constant 0 : i32
        %dma_start3A_97 = tpu.memref_slice %arg8[%add3A_95, %dma_start3A_96] : memref<120x128xi32, #tpu.memory_space<vmem>> -> memref<1x128xi32, #tpu.memory_space<vmem>>
        %dma_start3A_98 = tpu.memref_squeeze %dma_start3A_97 : memref<1x128xi32, #tpu.memory_space<vmem>> -> memref<128xi32, #tpu.memory_space<vmem>>
        %dma_start3A_99 = arith.constant 0 : i32
        %dma_start3A_100 = arith.constant 0 : i32
        %dma_start3A_101 = tpu.memref_slice %arg2[%dma_start3A_99, %dma_start3A_100] : memref<10000x128xf32, #tpu.memory_space<hbm>> -> memref<10000x128xf32, #tpu.memory_space<hbm>>
        tpu.enqueue_indirect_dma source(%dma_start3A_101 : memref<10000x128xf32, #tpu.memory_space<hbm>>) target(%arg11 : memref<128x128xf32, #tpu.memory_space<vmem>>) offsets(%dma_start3A_98 : memref<128xi32, #tpu.memory_space<vmem>>) semaphore(%arg13 : memref<!tpu.dma_semaphore, #tpu.memory_space<semaphore_mem>>)
        %add3A_102 = arith.constant 2 : i32
        %add3A_103 = arith.addi %add3A_55, %add3A_102 : i32
        %dma_start3A_104 = arith.constant 0 : i32
        %dma_start3A_105 = tpu.memref_slice %arg8[%add3A_103, %dma_start3A_104] : memref<120x128xi32, #tpu.memory_space<vmem>> -> memref<1x128xi32, #tpu.memory_space<vmem>>
        %dma_start3A_106 = tpu.memref_squeeze %dma_start3A_105 : memref<1x128xi32, #tpu.memory_space<vmem>> -> memref<128xi32, #tpu.memory_space<vmem>>
        %dma_start3A_107 = arith.constant 0 : i32
        %dma_start3A_108 = arith.constant 0 : i32
        %dma_start3A_109 = tpu.memref_slice %arg2[%dma_start3A_107, %dma_start3A_108] : memref<10000x128xf32, #tpu.memory_space<hbm>> -> memref<10000x128xf32, #tpu.memory_space<hbm>>
        tpu.enqueue_indirect_dma source(%dma_start3A_109 : memref<10000x128xf32, #tpu.memory_space<hbm>>) target(%arg12 : memref<128x128xf32, #tpu.memory_space<vmem>>) offsets(%dma_start3A_106 : memref<128xi32, #tpu.memory_space<vmem>>) semaphore(%arg14 : memref<!tpu.dma_semaphore, #tpu.memory_space<semaphore_mem>>)
        %add3A_110 = arith.constant 2 : i32
        %add3A_111 = arith.addi %mul3A_53, %add3A_110 : i32
        %dma_start3A_112 = arith.constant 0 : i32
        %dma_start3A_113 = tpu.memref_slice %arg4[%add3A, %add3A_111, %dma_start3A_112] : memref<32x120x128xi32, #tpu.memory_space<hbm>> -> memref<1x1x128xi32, #tpu.memory_space<hbm>>
        %dma_start3A_114 = tpu.memref_squeeze %dma_start3A_113 : memref<1x1x128xi32, #tpu.memory_space<hbm>> -> memref<128xi32, #tpu.memory_space<hbm>>
        %dma_start3A_115 = arith.constant 0 : i32
        %dma_start3A_116 = tpu.memref_slice %arg4[%add3A, %add3A_111, %dma_start3A_115] : memref<32x120x128xi32, #tpu.memory_space<hbm>> -> memref<1x1x128xi32, #tpu.memory_space<hbm>>
        %dma_start3A_117 = tpu.memref_squeeze %dma_start3A_116 : memref<1x1x128xi32, #tpu.memory_space<hbm>> -> memref<128xi32, #tpu.memory_space<hbm>>
        tpu.enqueue_dma source(%dma_start3A_117 : memref<128xi32, #tpu.memory_space<hbm>>) target(%arg9 : memref<128xi32, #tpu.memory_space<vmem>>) target_semaphore(%arg17 : memref<!tpu.dma_semaphore, #tpu.memory_space<semaphore_mem>>)
        %add3A_118 = arith.constant 2 : i32
        %add3A_119 = arith.addi %add3A_55, %add3A_118 : i32
        %dma_start3A_120 = arith.constant 0 : i32
        %dma_start3A_121 = tpu.memref_slice %arg4[%add3A, %add3A_119, %dma_start3A_120] : memref<32x120x128xi32, #tpu.memory_space<hbm>> -> memref<1x1x128xi32, #tpu.memory_space<hbm>>
        %dma_start3A_122 = tpu.memref_squeeze %dma_start3A_121 : memref<1x1x128xi32, #tpu.memory_space<hbm>> -> memref<128xi32, #tpu.memory_space<hbm>>
        %dma_start3A_123 = arith.constant 0 : i32
        %dma_start3A_124 = tpu.memref_slice %arg4[%add3A, %add3A_119, %dma_start3A_123] : memref<32x120x128xi32, #tpu.memory_space<hbm>> -> memref<1x1x128xi32, #tpu.memory_space<hbm>>
        %dma_start3A_125 = tpu.memref_squeeze %dma_start3A_124 : memref<1x1x128xi32, #tpu.memory_space<hbm>> -> memref<128xi32, #tpu.memory_space<hbm>>
        tpu.enqueue_dma source(%dma_start3A_125 : memref<128xi32, #tpu.memory_space<hbm>>) target(%arg10 : memref<128xi32, #tpu.memory_space<vmem>>) target_semaphore(%arg18 : memref<!tpu.dma_semaphore, #tpu.memory_space<semaphore_mem>>)
      } else {
      }
    }
    %barrier3A_48 = arith.constant 0 : index
    tpu.barrier barrier_id(%barrier3A_48)
    "tpu.region"() ({
      %run_scoped3A = tpu.sem_alloc : memref<!tpu.dma_semaphore, #tpu.memory_space<semaphore_mem>>
      %dma_start3A_49 = arith.constant 0 : i32
      %dma_start3A_50 = tpu.memref_slice %arg6[%arg0, %mul3A_2, %dma_start3A_49] : memref<2x10240x128xf32, #tpu.memory_space<hbm>> -> memref<1x640x128xf32, #tpu.memory_space<hbm>>
      %dma_start3A_51 = tpu.memref_squeeze %dma_start3A_50 : memref<1x640x128xf32, #tpu.memory_space<hbm>> -> memref<640x128xf32, #tpu.memory_space<hbm>>
      %dma_start3A_52 = arith.constant 0 : i32
      %dma_start3A_53 = tpu.memref_slice %arg7[%mul3A_2, %dma_start3A_52] : memref<10240x128xf32, #tpu.memory_space<vmem_shared>> -> memref<640x128xf32, #tpu.memory_space<vmem_shared>>
      tpu.enqueue_dma source(%dma_start3A_53 : memref<640x128xf32, #tpu.memory_space<vmem_shared>>) target(%dma_start3A_51 : memref<640x128xf32, #tpu.memory_space<hbm>>) target_semaphore(%run_scoped3A : memref<!tpu.dma_semaphore, #tpu.memory_space<semaphore_mem>>)
      %dma_wait3A = arith.constant 0 : i32
      %dma_wait3A_54 = tpu.memref_slice %arg6[%arg0, %mul3A_2, %dma_wait3A] : memref<2x10240x128xf32, #tpu.memory_space<hbm>> -> memref<1x640x128xf32, #tpu.memory_space<hbm>>
      %dma_wait3A_55 = tpu.memref_squeeze %dma_wait3A_54 : memref<1x640x128xf32, #tpu.memory_space<hbm>> -> memref<640x128xf32, #tpu.memory_space<hbm>>
      %dma_wait3A_56 = arith.constant 0 : i32
      %dma_wait3A_57 = tpu.memref_slice %arg7[%mul3A_2, %dma_wait3A_56] : memref<10240x128xf32, #tpu.memory_space<vmem_shared>> -> memref<640x128xf32, #tpu.memory_space<vmem_shared>>
      tpu.wait_dma2 semaphore(%run_scoped3A : memref<!tpu.dma_semaphore, #tpu.memory_space<semaphore_mem>>) src(%dma_wait3A_57 : memref<640x128xf32, #tpu.memory_space<vmem_shared>>) dst(%dma_wait3A_55 : memref<640x128xf32, #tpu.memory_space<hbm>>)
      tpu.yield
    }) : () -> ()
    return
  }
}

module attributes {stable_mosaic.version = 14 : i64} {
  func.func @_tc_scale_body(%arg0: memref<2x10240x128xf32, #tpu.memory_space<vmem>>, %arg1: memref<10000x128xf32, #tpu.memory_space<vmem>>, %arg2: memref<10000x128xf32, #tpu.memory_space<vmem>>, %arg3: memref<10000x1xf32, #tpu.memory_space<vmem>>) attributes {dimension_semantics = [], scalar_prefetch = 0 : i64, scratch_operands = 0 : i64, tpu.core_type = #tpu.core_type<tc>} {
    %get3A = arith.constant 0 : index
    %get3A_0 = arith.constant 0 : index
    %get3A_1 = arith.constant 0 : index
    %get3A_2 = vector.load %arg0[%get3A, %get3A_0, %get3A_1] : memref<2x10240x128xf32, #tpu.memory_space<vmem>>, vector<1x10000x1xf32>
    %get3A_3 = vector.shape_cast %get3A_2 : vector<1x10000x1xf32> to vector<10000x1xf32>
    %get3A_4 = arith.constant 1 : index
    %get3A_5 = arith.constant 0 : index
    %get3A_6 = arith.constant 0 : index
    %get3A_7 = vector.load %arg0[%get3A_4, %get3A_5, %get3A_6] : memref<2x10240x128xf32, #tpu.memory_space<vmem>>, vector<1x10000x1xf32>
    %get3A_8 = vector.shape_cast %get3A_7 : vector<1x10000x1xf32> to vector<10000x1xf32>
    %add3A = arith.addf %get3A_3, %get3A_8 : vector<10000x1xf32>
    %add3A_9 = arith.constant 1.000000e+00 : f32
    %add3A_10 = vector.broadcast %add3A_9 : f32 to vector<10000x1xf32>
    %add3A_11 = arith.addf %add3A, %add3A_10 : vector<10000x1xf32>
    %rsqrt3A = math.rsqrt %add3A_11 : vector<10000x1xf32>
    %swap3A = arith.constant 0 : index
    %swap3A_12 = arith.constant 0 : index
    %swap3A_13 = vector.load %arg3[%swap3A, %swap3A_12] : memref<10000x1xf32, #tpu.memory_space<vmem>>, vector<10000x1xf32>
    tpu.vector_store %arg3[%swap3A, %swap3A_12], %rsqrt3A {strides = array<i32>} : memref<10000x1xf32, #tpu.memory_space<vmem>>, vector<10000x1xf32>,
    %get3A_14 = arith.constant 0 : index
    %get3A_15 = arith.constant 0 : index
    %get3A_16 = vector.load %arg1[%get3A_14, %get3A_15] : memref<10000x128xf32, #tpu.memory_space<vmem>>, vector<10000x128xf32>
    %mul3A = vector.broadcast %rsqrt3A : vector<10000x1xf32> to vector<10000x128xf32>
    %mul3A_17 = arith.mulf %get3A_16, %mul3A : vector<10000x128xf32>
    %swap3A_18 = arith.constant 0 : index
    %swap3A_19 = arith.constant 0 : index
    %swap3A_20 = vector.load %arg2[%swap3A_18, %swap3A_19] : memref<10000x128xf32, #tpu.memory_space<vmem>>, vector<10000x128xf32>
    tpu.vector_store %arg2[%swap3A_18, %swap3A_19], %mul3A_17 {strides = array<i32>} : memref<10000x128xf32, #tpu.memory_space<vmem>>, vector<10000x128xf32>,
    return
  }
}

module attributes {stable_mosaic.version = 14 : i64} {
  func.func @_tc_matmul_body(%arg0: memref<10000x128xf32, #tpu.memory_space<vmem>>, %arg1: memref<128x128xf32, #tpu.memory_space<vmem>>, %arg2: memref<10000x128xf32, #tpu.memory_space<vmem>>) attributes {dimension_semantics = [], scalar_prefetch = 0 : i64, scratch_operands = 0 : i64, tpu.core_type = #tpu.core_type<tc>} {
    %get3A = arith.constant 0 : index
    %get3A_0 = arith.constant 0 : index
    %get3A_1 = vector.load %arg0[%get3A, %get3A_0] : memref<10000x128xf32, #tpu.memory_space<vmem>>, vector<10000x128xf32>
    %get3A_2 = arith.constant 0 : index
    %get3A_3 = arith.constant 0 : index
    %get3A_4 = vector.load %arg1[%get3A_2, %get3A_3] : memref<128x128xf32, #tpu.memory_space<vmem>>, vector<128x128xf32>
    %dot_general3A = arith.constant dense<0.000000e+00> : vector<10000x128xf32>
    %dot_general3A_5 = tpu.matmul %get3A_1, %get3A_4, %dot_general3A {dimension_numbers = #tpu.dot_dimension_numbers<[1], [0], [0], [1], [0, 0, 1, 1], [], []>, transpose_lhs_hint = false} : vector<10000x128xf32>, vector<128x128xf32>, vector<10000x128xf32> -> vector<10000x128xf32>
    %swap3A = arith.constant 0 : index
    %swap3A_6 = arith.constant 0 : index
    %swap3A_7 = vector.load %arg2[%swap3A, %swap3A_6] : memref<10000x128xf32, #tpu.memory_space<vmem>>, vector<10000x128xf32>
    tpu.vector_store %arg2[%swap3A, %swap3A_6], %dot_general3A_5 {strides = array<i32>} : memref<10000x128xf32, #tpu.memory_space<vmem>>, vector<10000x128xf32>,
    return
  }
}

module attributes {stable_mosaic.version = 14 : i64} {
  func.func @_tc_mid_body(%arg0: memref<2x10240x128xf32, #tpu.memory_space<vmem>>, %arg1: memref<10000x128xf32, #tpu.memory_space<vmem>>, %arg2: memref<10000x1xf32, #tpu.memory_space<vmem>>, %arg3: memref<1x128xf32, #tpu.memory_space<vmem>>, %arg4: memref<128x128xf32, #tpu.memory_space<vmem>>, %arg5: memref<10000x128xf32, #tpu.memory_space<vmem>>) attributes {dimension_semantics = [], scalar_prefetch = 0 : i64, scratch_operands = 0 : i64, tpu.core_type = #tpu.core_type<tc>} {
    %get3A = arith.constant 0 : index
    %get3A_0 = arith.constant 0 : index
    %get3A_1 = arith.constant 0 : index
    %get3A_2 = vector.load %arg0[%get3A, %get3A_0, %get3A_1] : memref<2x10240x128xf32, #tpu.memory_space<vmem>>, vector<1x10000x128xf32>
    %get3A_3 = vector.shape_cast %get3A_2 : vector<1x10000x128xf32> to vector<10000x128xf32>
    %get3A_4 = arith.constant 1 : index
    %get3A_5 = arith.constant 0 : index
    %get3A_6 = arith.constant 0 : index
    %get3A_7 = vector.load %arg0[%get3A_4, %get3A_5, %get3A_6] : memref<2x10240x128xf32, #tpu.memory_space<vmem>>, vector<1x10000x128xf32>
    %get3A_8 = vector.shape_cast %get3A_7 : vector<1x10000x128xf32> to vector<10000x128xf32>
    %add3A = arith.addf %get3A_3, %get3A_8 : vector<10000x128xf32>
    %get3A_9 = arith.constant 0 : index
    %get3A_10 = arith.constant 0 : index
    %get3A_11 = vector.load %arg1[%get3A_9, %get3A_10] : memref<10000x128xf32, #tpu.memory_space<vmem>>, vector<10000x128xf32>
    %add3A_12 = arith.addf %add3A, %get3A_11 : vector<10000x128xf32>
    %get3A_13 = arith.constant 0 : index
    %get3A_14 = arith.constant 0 : index
    %get3A_15 = vector.load %arg2[%get3A_13, %get3A_14] : memref<10000x1xf32, #tpu.memory_space<vmem>>, vector<10000x1xf32>
    %mul3A = vector.broadcast %get3A_15 : vector<10000x1xf32> to vector<10000x128xf32>
    %mul3A_16 = arith.mulf %add3A_12, %mul3A : vector<10000x128xf32>
    %get3A_17 = arith.constant 0 : index
    %get3A_18 = arith.constant 0 : index
    %get3A_19 = vector.load %arg3[%get3A_17, %get3A_18] : memref<1x128xf32, #tpu.memory_space<vmem>>, vector<1x128xf32>
    %add3A_20 = vector.broadcast %get3A_19 : vector<1x128xf32> to vector<10000x128xf32>
    %add3A_21 = arith.addf %mul3A_16, %add3A_20 : vector<10000x128xf32>
    %max3A = arith.constant 0.000000e+00 : f32
    %max3A_22 = vector.broadcast %max3A : f32 to vector<10000x128xf32>
    %max3A_23 = arith.maximumf %add3A_21, %max3A_22 : vector<10000x128xf32>
    %get3A_24 = arith.constant 0 : index
    %get3A_25 = arith.constant 0 : index
    %get3A_26 = vector.load %arg4[%get3A_24, %get3A_25] : memref<128x128xf32, #tpu.memory_space<vmem>>, vector<128x128xf32>
    %dot_general3A = arith.constant dense<0.000000e+00> : vector<10000x128xf32>
    %dot_general3A_27 = tpu.matmul %max3A_23, %get3A_26, %dot_general3A {dimension_numbers = #tpu.dot_dimension_numbers<[1], [0], [0], [1], [0, 0, 1, 1], [], []>, transpose_lhs_hint = false} : vector<10000x128xf32>, vector<128x128xf32>, vector<10000x128xf32> -> vector<10000x128xf32>
    %mul3A_28 = vector.broadcast %get3A_15 : vector<10000x1xf32> to vector<10000x128xf32>
    %mul3A_29 = arith.mulf %dot_general3A_27, %mul3A_28 : vector<10000x128xf32>
    %swap3A = arith.constant 0 : index
    %swap3A_30 = arith.constant 0 : index
    %swap3A_31 = vector.load %arg5[%swap3A, %swap3A_30] : memref<10000x128xf32, #tpu.memory_space<vmem>>, vector<10000x128xf32>
    tpu.vector_store %arg5[%swap3A, %swap3A_30], %mul3A_29 {strides = array<i32>} : memref<10000x128xf32, #tpu.memory_space<vmem>>, vector<10000x128xf32>,
    return
  }
}

module attributes {stable_mosaic.version = 14 : i64} {
  func.func @_tc_final_body(%arg0: memref<2x10240x128xf32, #tpu.memory_space<vmem>>, %arg1: memref<10000x128xf32, #tpu.memory_space<vmem>>, %arg2: memref<10000x1xf32, #tpu.memory_space<vmem>>, %arg3: memref<1x128xf32, #tpu.memory_space<vmem>>, %arg4: memref<1x10000xi32, #tpu.memory_space<vmem>>, %arg5: memref<128x16xf32, #tpu.memory_space<vmem>>, %arg6: memref<1x16xf32, #tpu.memory_space<vmem>>, %arg7: memref<128x16xf32, #tpu.memory_space<vmem>>) attributes {dimension_semantics = [], scalar_prefetch = 0 : i64, scratch_operands = 0 : i64, tpu.core_type = #tpu.core_type<tc>} {
    %get3A = arith.constant 0 : index
    %get3A_0 = arith.constant 0 : index
    %get3A_1 = arith.constant 0 : index
    %get3A_2 = vector.load %arg0[%get3A, %get3A_0, %get3A_1] : memref<2x10240x128xf32, #tpu.memory_space<vmem>>, vector<1x10000x128xf32>
    %get3A_3 = vector.shape_cast %get3A_2 : vector<1x10000x128xf32> to vector<10000x128xf32>
    %get3A_4 = arith.constant 1 : index
    %get3A_5 = arith.constant 0 : index
    %get3A_6 = arith.constant 0 : index
    %get3A_7 = vector.load %arg0[%get3A_4, %get3A_5, %get3A_6] : memref<2x10240x128xf32, #tpu.memory_space<vmem>>, vector<1x10000x128xf32>
    %get3A_8 = vector.shape_cast %get3A_7 : vector<1x10000x128xf32> to vector<10000x128xf32>
    %add3A = arith.addf %get3A_3, %get3A_8 : vector<10000x128xf32>
    %get3A_9 = arith.constant 0 : index
    %get3A_10 = arith.constant 0 : index
    %get3A_11 = vector.load %arg1[%get3A_9, %get3A_10] : memref<10000x128xf32, #tpu.memory_space<vmem>>, vector<10000x128xf32>
    %add3A_12 = arith.addf %add3A, %get3A_11 : vector<10000x128xf32>
    %get3A_13 = arith.constant 0 : index
    %get3A_14 = arith.constant 0 : index
    %get3A_15 = vector.load %arg2[%get3A_13, %get3A_14] : memref<10000x1xf32, #tpu.memory_space<vmem>>, vector<10000x1xf32>
    %mul3A = vector.broadcast %get3A_15 : vector<10000x1xf32> to vector<10000x128xf32>
    %mul3A_16 = arith.mulf %add3A_12, %mul3A : vector<10000x128xf32>
    %get3A_17 = arith.constant 0 : index
    %get3A_18 = arith.constant 0 : index
    %get3A_19 = vector.load %arg3[%get3A_17, %get3A_18] : memref<1x128xf32, #tpu.memory_space<vmem>>, vector<1x128xf32>
    %add3A_20 = vector.broadcast %get3A_19 : vector<1x128xf32> to vector<10000x128xf32>
    %add3A_21 = arith.addf %mul3A_16, %add3A_20 : vector<10000x128xf32>
    %max3A = arith.constant 0.000000e+00 : f32
    %max3A_22 = vector.broadcast %max3A : f32 to vector<10000x128xf32>
    %max3A_23 = arith.maximumf %add3A_21, %max3A_22 : vector<10000x128xf32>
    %iota3A = tpu.iota {dimensions = array<i32: 0>} : vector<128x10000xi32>
    %get3A_24 = arith.constant 0 : index
    %get3A_25 = arith.constant 0 : index
    %get3A_26 = vector.load %arg4[%get3A_24, %get3A_25] : memref<1x10000xi32, #tpu.memory_space<vmem>>, vector<1x10000xi32>
    %eq3A = vector.broadcast %get3A_26 : vector<1x10000xi32> to vector<128x10000xi32>
    %eq3A_27 = arith.cmpi eq, %eq3A, %iota3A : vector<128x10000xi32>
    %convert_element_type3A = arith.extui %eq3A_27 : vector<128x10000xi1> to vector<128x10000xi32>
    %convert_element_type3A_28 = arith.sitofp %convert_element_type3A : vector<128x10000xi32> to vector<128x10000xf32>
    %dot_general3A = arith.constant dense<0.000000e+00> : vector<128x128xf32>
    %dot_general3A_29 = tpu.matmul %convert_element_type3A_28, %max3A_23, %dot_general3A {dimension_numbers = #tpu.dot_dimension_numbers<[1], [0], [0], [1], [0, 0, 1, 1], [], []>, transpose_lhs_hint = false} : vector<128x10000xf32>, vector<10000x128xf32>, vector<128x128xf32> -> vector<128x128xf32>
    %get3A_30 = arith.constant 0 : index
    %get3A_31 = arith.constant 0 : index
    %get3A_32 = vector.load %arg5[%get3A_30, %get3A_31] : memref<128x16xf32, #tpu.memory_space<vmem>>, vector<128x16xf32>
    %dot_general3A_33 = arith.constant dense<0.000000e+00> : vector<128x16xf32>
    %dot_general3A_34 = tpu.matmul %dot_general3A_29, %get3A_32, %dot_general3A_33 {dimension_numbers = #tpu.dot_dimension_numbers<[1], [0], [0], [1], [0, 0, 1, 1], [], []>, transpose_lhs_hint = false} : vector<128x128xf32>, vector<128x16xf32>, vector<128x16xf32> -> vector<128x16xf32>
    %get3A_35 = arith.constant 0 : index
    %get3A_36 = arith.constant 0 : index
    %get3A_37 = vector.load %arg6[%get3A_35, %get3A_36] : memref<1x16xf32, #tpu.memory_space<vmem>>, vector<1x16xf32>
    %add3A_38 = vector.broadcast %get3A_37 : vector<1x16xf32> to vector<128x16xf32>
    %add3A_39 = arith.addf %dot_general3A_34, %add3A_38 : vector<128x16xf32>
    %swap3A = arith.constant 0 : index
    %swap3A_40 = arith.constant 0 : index
    %swap3A_41 = vector.load %arg7[%swap3A, %swap3A_40] : memref<128x16xf32, #tpu.memory_space<vmem>>, vector<128x16xf32>
    tpu.vector_store %arg7[%swap3A, %swap3A_40], %add3A_39 {strides = array<i32>} : memref<128x16xf32, #tpu.memory_space<vmem>>, vector<128x16xf32>,
    return
  }
}

</mosaic_0001>

<sc_bundles>
// kernel: kernel.11.cloned.1.call-start
scs
__scs_entry_jumppad:
0x0: {  	(pc) =	sbr.rel $0x88, $3  }
0x1: {  	(tag) =	ssettag $0x0;
	lr =	simm.s32 $0x1  }
0x2: {  	[smem:$0x3F96] =	sst lr;
	_ =	strace $0xD0000000  }
0x3: {  	_ = 	snop  }
0x4: {  	_ = 	snop  }
0x5: {  	_ = 	snop  }
0x6: {  	_ = 	snop  }
0x7: {  	_ = 	snop  }
__scs_overlays_trampoline_lowered:
0x8: {  	[smem:$0x3FA5] =	sst s0  }
0x9: {  	[smem:$0x3FA6] =	sst s1  }
0xa: {  	[smem:$0x3FA7] =	sst s2  }
0xb: {  	[smem:$0x3FA8] =	sst s3  }
0xc: {  	[smem:$0x3FA9] =	sst s4  }
0xd: {  	[smem:$0x3FAA] =	sst s5  }
0xe: {  	[smem:$0x3FAB] =	sst s6  }
0xf: {  	[smem:$0x3FAC] =	sst s7  }
0x10: {  	[smem:$0x3FAD] =	sst s8  }
0x11: {  	[smem:$0x3FAE] =	sst s9;
	s0 =	simm.s32 @!p0 $0x0  }
0x12: {  	s1 =	sld [smem:$0x3F94];
	s0 =	simm.s32 @p0 $0x1  }
0x13: {  	[smem:$0x3FAF] =	sst s0;
	s0 =	simm.s32 @!p1 $0x0  }
0x14: {  	s2 =	sld [smem:$0x3F93];
	s0 =	simm.s32 @p1 $0x1  }
0x15: {  	[smem:$0x3FB0] =	sst s0;
	s0 =	simm.s32 @!p2 $0x0  }
0x16: {  	s3 =	sld [smem:$0x3FDB];
	s0 =	simm.s32 @p2 $0x1  }
0x17: {  	s4 =	simm.s32 $0x1BF5;
	[smem:$0x3FB2] =	sst s0  }
0x18: {  	s0 =	sld [smem:$0x3F95];
	_ =	swait.ge [sflag:s4], $0x0  }
0x19: {  	s7 =	sld [smem:$0x3F96]  }
0x1a: {  	s8 =	sadd.s32 $0xFFFFE003, lr  }
0x1b: {  	s9 =	sadd.s32 $0xFFFFFEF7, lr;
	s5 =	simm.s32 $0xFFFFFFFF;
	p2 =	slt.u32 s8, $0xFFFFF086  }
0x1c: {  	p1 =	slt.u32 s9, $0xF7A;
	s5 =	simm.s32 @!p2 $0x0  }
0x1d: {  	s5 =	simm.s32 @p1 $0x1;
	p0 =	seq.s32 s7, s2  }
0x1e: {  	s7 =	smul.u32 @!p0 $0xF7A, s2;
	p2 =	seq.s32 @!p0 s5, $0x0  }
0x1f: {  	s9 =	smul.u32 $0xF7A, s1;
	s8 =	simm.s32 @!p0 $0x1BF5;
	p2 =	por !p2, p0  }
0x20: {  	[sflag:s8] =	ssyncset.s32 @!p0 $0xFFFFF086;
	s6 =	sadd.s32 @!p0 s3, s7;
	s7 =	simm.s32 @!p0 $0x108  }
0x21: {  	s3 =	sadd.s32 s3, s9;
	s6 =	sadd.s32 @!p0 $0x88, s6;
	s7 =	simm.s32 @p2 $0x1082  }
0x22: {  	[simem:s7], [sflag:s8] =	dma.local @!p0 [hbm:s6], $0xF7A  }
0x23: {  	s9 =	sor.u32 $0xD0000000, s2;
	s6 =	simm.s32 $0x108;
	_ =	swait.ge @!p0 [sflag:s8], $0x0  }
0x24: {  	s3 =	sadd.s32 $0x88, s3;
	s6 =	simm.s32 @!p1 $0x1082;
	[sflag:s4] =	ssyncset.s32 $0xFFFFF086  }
0x25: {  	[simem:s6], [sflag:s4] =	dma.local [hbm:s3], $0xF7A  }
0x26: {  	[smem:$0x3F96] =	sst s1;
	(tag) =	ssettag s2;
	_ =	strace s9  }
0x27: {  	s1 =	sld [smem:$0x3FA6]  }
0x28: {  	s2 =	sld [smem:$0x3FA7]  }
0x29: {  	s4 =	sld [smem:$0x3FA9]  }
0x2a: {  	p0 =	seq.s32 s5, $0x0;
	s5 =	sld [smem:$0x3FAA]  }
0x2b: {  	s6 =	sld [smem:$0x3FAB]  }
0x2c: {  	s7 =	sld [smem:$0x3FAC]  }
0x2d: {  	s3 =	simm.s32 $0x108;
	s8 =	sld [smem:$0x3FAD]  }
0x2e: {  	s3 =	simm.s32 @!p0 $0x1082;
	s9 =	sld [smem:$0x3FAE]  }
0x2f: {  	lr =	sadd.s32 s0, s3;
	s0 =	sld [smem:$0x3FA5]  }
0x30: {  	s3 =	sld [smem:$0x3FA8]  }
0x31: {  	[smem:$0x3FB1] =	sst s10  }
0x32: {  	s10 =	sld [smem:$0x3FAF];
	_ =	sdelay $0x3  }
0x33: {  	p0 =	seq.s32 s10, $0x1;
	s10 =	sld [smem:$0x3FB1];
	_ =	sdelay $0x3  }
0x34: {  	[smem:$0x3FB1] =	sst s10  }
0x35: {  	s10 =	sld [smem:$0x3FB0];
	_ =	sdelay $0x3  }
0x36: {  	p1 =	seq.s32 s10, $0x1;
	s10 =	sld [smem:$0x3FB1];
	_ =	sdelay $0x3  }
0x37: {  	[smem:$0x3FB1] =	sst s10  }
0x38: {  	s10 =	sld [smem:$0x3FB2]  }
0x39: {  	_ = 	snop;
	(pc) =	sbr.ind lr, $3  }
0x3a: {  	_ = 	snop  }
0x3b: {  	_ = 	snop  }
0x3c: {  	p2 =	seq.s32 s10, $0x1;
	s10 =	sld [smem:$0x3FB1]  }
0x3d: {  	_ =	shalt  }
0x3e: {  	_ =	shalt  }
0x3f: {  	_ =	shalt  }
0x40: {  	_ =	shalt  }
0x41: {  	_ =	shalt  }
0x42: {  	_ =	shalt  }
0x43: {  	_ =	shalt  }
0x44: {  	_ =	shalt  }
0x45: {  	_ =	shalt  }
0x46: {  	_ =	shalt  }
0x47: {  	_ =	shalt  }
0x48: {  	_ =	shalt  }
0x49: {  	_ =	shalt  }
0x4a: {  	_ =	shalt  }
0x4b: {  	_ =	shalt  }
0x4c: {  	_ =	shalt  }
0x4d: {  	_ =	shalt  }
0x4e: {  	_ =	shalt  }
0x4f: {  	_ =	shalt  }
0x50: {  	_ =	shalt  }
0x51: {  	_ =	shalt  }
0x52: {  	_ =	shalt  }
0x53: {  	_ =	shalt  }
0x54: {  	_ =	shalt  }
0x55: {  	_ =	shalt  }
0x56: {  	_ =	shalt  }
0x57: {  	_ =	shalt  }
0x58: {  	_ =	shalt  }
0x59: {  	_ =	shalt  }
0x5a: {  	_ =	shalt  }
0x5b: {  	_ =	shalt  }
0x5c: {  	_ =	shalt  }
0x5d: {  	_ =	shalt  }
0x5e: {  	_ =	shalt  }
0x5f: {  	_ =	shalt  }
0x60: {  	_ =	shalt  }
0x61: {  	_ =	shalt  }
0x62: {  	_ =	shalt  }
0x63: {  	_ =	shalt  }
0x64: {  	_ =	shalt  }
0x65: {  	_ =	shalt  }
0x66: {  	_ =	shalt  }
0x67: {  	_ =	shalt  }
0x68: {  	_ =	shalt  }
0x69: {  	_ =	shalt  }
0x6a: {  	_ =	shalt  }
0x6b: {  	_ =	shalt  }
0x6c: {  	_ =	shalt  }
0x6d: {  	_ =	shalt  }
0x6e: {  	_ =	shalt  }
0x6f: {  	_ =	shalt  }
0x70: {  	_ =	shalt  }
0x71: {  	_ =	shalt  }
0x72: {  	_ =	shalt  }
0x73: {  	_ =	shalt  }
0x74: {  	_ =	shalt  }
0x75: {  	_ =	shalt  }
0x76: {  	_ =	shalt  }
0x77: {  	_ =	shalt  }
0x78: {  	_ =	shalt  }
0x79: {  	_ =	shalt  }
0x7a: {  	_ =	shalt  }
0x7b: {  	_ =	shalt  }
0x7c: {  	_ =	shalt  }
0x7d: {  	_ =	shalt  }
0x7e: {  	_ =	shalt  }
0x7f: {  	_ =	shalt  }
0x80: {  	_ =	shalt  }
0x81: {  	_ =	shalt  }
0x82: {  	_ =	shalt  }
0x83: {  	_ =	shalt  }
0x84: {  	_ =	shalt  }
0x85: {  	_ =	shalt  }
0x86: {  	_ =	shalt  }
0x87: {  	_ =	shalt  }
.Lfunc_end0:
.L_simem_size_0:
called_computation_lowered:
.L_overlay_start_0:
0x88: {  	s2 =	sld [smem:$0x3FD9]  }
0x89: {  	s3 =	sld [smem:$0x3FFE];
	_ =	sdelay $0x1  }
0x8a: {  	s1 =	srdreg.scid  }
0x8b: {  	s0 =	sand.u32 $0x1, s1  }
0x8c: {  	s16 =	sshll.u32 s0, $0xA;
	s2 =	sadd.s32 s3, s2  }
0x8d: {  	s2 =	sadd.s32 s2, s16  }
0x8e: {  	[smem:$0x3FBD] =	sst s2  }
0x8f: {  	_ = 	snop  }
0x90: {  	(tm) =	ssettm $0x1  }
0x91: {  	s17 =	sld [smem:$0x3FFB];
	_ =	sdelay $0x3  }
0x92: {  	_ =	strace s17  }
0x93: {  	s2 =	sld [smem:$0x3FFC];
	_ =	sdelay $0x3  }
0x94: {  	_ =	strace s2  }
0x95: {  	s2 =	sld [smem:$0x3FFD];
	_ =	sdelay $0x3  }
0x96: {  	_ =	strace s2  }
0x97: {  	_ =	strace $0x8FFFFFFF  }
0x98: {  	s18 =	sld [smem:$0x3FDB];
	_ =	sdelay $0x1  }
0x99: {  	s19 =	simm.s32 $_scs_section_size  }
0x9a: {  	s4 =	simm.s32 $_size__tile_overlayer_lowered;
	s5 =	simm.s32 $_tile_overlayer_lowered  }
0x9b: {  	s22 =	simm.s32 $0x1BFF;
	s21 =	sshll.u32 s5, $0x1;
	s2 =	sadd.s32 s19, s18  }
0x9c: {  	s6 =	simm.s32 $0x0;
	s20 =	sshll.u32 s4, $0x1;
	s4 =	sadd.s32 s21, s2  }
0x9d: {  	[timem:s6], [sflag:s22] =	dma.local [hbm:s4], s20  }
0x9e: {  	_ =	swait.ge [sflag:s22], s20  }
0x9f: {  	s3 =	ssub.s32 $0x0, s20;
	[sflag:s22] =	ssyncset.done $0x0  }
0xa0: {  	[sflag:s22] =	ssyncadd.s32 s3;
	_ =	sdelay $0x1  }
0xa1: {  	s23 =	simm.s32 $0x1B8B  }
0xa2: {  	_ =	swait.ge [sflag:s23], $0x1  }
0xa3: {  	[sflag:s23] =	ssyncset.done $0x0  }
0xa4: {  	s25 =	simm.s32 $0x1B8E;
	s24 =	sld [smem:$0x3FFE];
	[sflag:s23] =	ssyncadd.s32 $0xFFFFFFFF  }
0xa5: {  	s26 =	simm.s32 $execute0_lowered;
	[smem:$0x3FD2] =	sst s25  }
0xa6: {  	s4 =	sshll.u32 s26, $0x1;
	_ =	strace $0x80000046;
	[dreg:$0x1] =	wrdreg $0xFFFFFFFF  }
0xa7: {  	s28 =	simm.s32 $_size_execute0_lowered;
	s2 =	sadd.s32 s2, s4;
	[dreg:$0x0] =	wrdreg $0x0  }
0xa8: {  	s4 =	sshll.u32 s28, $0x1;
	[dreg:$0x2] =	wrdreg s2  }
0xa9: {  	[dreg:$0x3] =	wrdreg s4  }
0xaa: {  	[dreg:$0x4] =	wrdreg $0xC0  }
0xab: {  	_ =	task [dreg:s6], $0x5FFFF  }
0xac: {  	[dreg:$0x1] =	wrdreg $0xFFFFFFFF  }
0xad: {  	[dreg:$0x0] =	wrdreg $0x60  }
0xae: {  	[dreg:$0x2] =	wrdreg s24  }
0xaf: {  	[dreg:$0x3] =	wrdreg $0x0  }
0xb0: {  	[dreg:$0x4] =	wrdreg $0x9  }
0xb1: {  	_ =	task.clear_ibuf [dreg:s6], $0x5FFFF;
	_ =	strace $0x90000046  }
0xb2: {  	s29 =	simm.s32 $0x9;
	_ =	strace $0x80000048  }
0xb3: {  	_ =	swait.ge [sflag:s29], $0x1  }
0xb4: {  	[sflag:s29] =	ssyncadd.s32 $0xFFFFFFFF  }
0xb5: {  	_ =	strace $0x90000048  }
0xb6: {  	_ =	sfence  }
0xb7: {  	s30 =	sld [smem:$0x0];
	_ =	sdelay $0x2  }
0xb8: {  	s31 =	sshll.u32 s1, $0xD;
	s1 =	sshrl.u32 s1, $0x2  }
0xb9: {  	s3 =	sand.u32 $0x4000, s31;
	s1 =	sadd.s32 s1, s30  }
0xba: {  	s0 =	sor.u32 s3, s0;
	s1 =	sshll.u32 s1, $0x11  }
0xbb: {  	s0 =	sor.u32 s1, s0  }
0xbc: {  	s0 =	sadd.s32 $0x8F2B, s0  }
0xbd: {  	[sflag:s0] =	ssyncadd.remote.s32 $0x1  }
0xbe: {  	_ =	sfence.sel $0xFFFF  }
0xbf: {  	[dreg:$0x0] =	wrdreg $0xFFFFFFFF;
	(pc) =	sbr.abs _section_cstart, $3  }
0xc0: {  	[dreg:$0x1] =	wrdreg $0xFFFFFFFF  }
0xc1: {  	_ =	task.clear_ibuf [dreg:s6], $0x2FFFF;
	_ =	strace $0x9FFFFFFF  }
0xc2: {  	(tm) =	ssettm $0x7FFFFFFF  }
0xc3: {  	_ =	shalt  }
tec
execute0_lowered:
.L_overlay_start_1:
0x0: {  	(tag) =	ssettag $0x1  }
0x1: {  	s0 =	srdreg.scid;
	s5 =	rddreg [dreg:$0x0]  }
0x2: {  	s2 =	rddreg [dreg:$0x1];
	s3 =	simm.s32 $0x0;
	s14 =	simm.s32 $0x17C00  }
0x3: {  	s15 =	simm.s32 $0x80;
	s7 =	sand.u32 $0x1, s0;
	s0 =	stileid.u32  }
0x4: {  	s16 =	simm.s32 $0x1;
	s17 =	simm.s32 $0x2;
	s6 =	smul.u32 $0x14000, s0  }
0x5: {  	s18 =	simm.s32 $0x0;
	[smem:$0x7FF] =	sst s3;
	s9 =	smul.u32 $0x140000, s7  }
0x6: {  	s1 =	sshll.u32 s7, $0x4;
	s29 =	ssub.s32 $0x2, s7;
	s11 =	smul.u32 $0x50000, s0  }
0x7: {  	s31 =	sshll.u32 s0, $0x6;
	p0 =	seq.s32 s7, $0x0;
	s7 =	simm.s32 $0xF000  }
0x8: {  	s4 =	sor.u32 s0, s1;
	s1 =	rddreg [dreg:$0x2];
	_ =	strace $0x80000047  }
0x9: {  	s12 =	sshrl.u32 s29, $0x1;
	s7 =	simm.s32 @!p0 $0x5000;
	s4 =	smul.u32 $0x780, s4  }
0xa: {  	s8 =	sshrl.u32 s6, $0x3;
	s6 =	sadd.s32 s6, s9;
	s12 =	ssub.s32 s29, s12  }
0xb: {  	s30 =	sshrl.u32 s11, $0x2;
	s8 =	sadd.s32 s8, s5;
	s6 =	sshrl.u32 s6, $0x3  }
0xc: {  	s11 =	sadd.s32 s30, s2;
	s10 =	sadd.s32 s4, s5;
	s4 =	sadd.s32 $0x49E00, s5  }
0xd: {  	s13 =	sadd.s32 s6, s5;
	s5 =	sadd.s32 $0x21E00, s8;
	s6 =	sor.u32 $0x1C03, s31  }
0xe: {  	s11 =	sshrl.u32 s11, $0x3;
	s8 =	sadd.s32 $0x12E00, s10;
	s9 =	sadd.s32 $0x4A600, s13  }
0xf: {  	s10 =	smax.u32 s12, $0x1;
	s12 =	simm.s32 $0x3;
	s13 =	simm.s32 $0x14000  }
.LBB2_1:
0x10: {  	[spmem:s11], [sflag:s6] =	dma.local [hbm:s5], $0x2800  }
0x11: {  	_ =	swait.ge [sflag:s12], $0x2800  }
0x12: {  	[sflag:s12] =	ssyncset.done $0x0  }
0x13: {  	[sflag:s12] =	ssyncadd.s32 $0xFFFFD800  }
0x14: {  	[tilespmem:s13], [sflag:$0x3] =	stream.linear.gather [hbm4b:s8+s3], $0x3C00, $0x38;
	[tilespmem:$0x1BC00] =	vst v63  }
0x15: {  	_ =	swait.ge [sflag:s12], $0x3C00  }
0x16: {  	[sflag:s12] =	ssyncset.done $0x0  }
0x17: {  	p1 =	sne.s32 s7, $0x1000;
	[sflag:s12] =	ssyncadd.s32 $0xFFFFC400  }
0x18: {  	[tilespmem:s14], [sflag:$0x3] =	stream.linear.gather [hbm4b:s4+s3], $0x4000, $0x38;
	[tilespmem:$0x1BC00] =	vst v63  }
.Ltmp0:
0x19: {  	_ =	swait.ge [sflag:s12], $0x4000;
	(pc) =	sbr.rel @!p1 .LBB2_4-.Ltmp0, $4  }
0x1a: {  	[sflag:s12] =	ssyncset.done $0x0  }
0x1b: {  	[sflag:s12] =	ssyncadd.s32 $0xFFFFC000  }
0x1c: {  	[bflag:$0x0] =	sbarrier.arrive $0xFFFF  }
0x1d: {  	s21 =	simm.s32 $0x0;
	p0 =	por $0x0, $0x0  }
0x1e: {  	s19 =	simm.s32 $0x14000  }
0x1f: {  	[spmem:s2] =	stream.indirect.scatter.add.f32 [tilespmem:s14], [sflag:$0x1], $0x80, s19, s15, $0xb8;
	[tilespmem:$0x1BC00] =	vst v63  }
0x20: {  	s24 =	simm.s32 $0x14080  }
0x21: {  	[spmem:s2] =	stream.indirect.scatter.add.f32 [tilespmem:s14], [sflag:$0x2], $0x80, s24, s15, $0xb8;
	[tilespmem:$0x1BC00] =	vst v63  }
0x22: {  	s25 =	simm.s32 $0x14100  }
0x23: {  	[spmem:s2] =	stream.indirect.scatter.add.f32 [tilespmem:s14], [sflag:$0x1], $0x80, s25, s15, $0xb8;
	[tilespmem:$0x1BC00] =	vst v63  }
0x24: {  	s26 =	simm.s32 $0x14180  }
0x25: {  	[spmem:s2] =	stream.indirect.scatter.add.f32 [tilespmem:s14], [sflag:$0x2], $0x80, s26, s15, $0xb8;
	[tilespmem:$0x1BC00] =	vst v63  }
0x26: {  	s28 =	simm.s32 $0x14200  }
0x27: {  	[spmem:s2] =	stream.indirect.scatter.add.f32 [tilespmem:s14], [sflag:$0x1], $0x80, s28, s15, $0xb8;
	[tilespmem:$0x1BC00] =	vst v63  }
0x28: {  	s29 =	simm.s32 $0x14280  }
0x29: {  	[spmem:s2] =	stream.indirect.scatter.add.f32 [tilespmem:s14], [sflag:$0x2], $0x80, s29, s15, $0xb8;
	[tilespmem:$0x1BC00] =	vst v63  }
0x2a: {  	s30 =	simm.s32 $0x14300  }
0x2b: {  	[spmem:s2] =	stream.indirect.scatter.add.f32 [tilespmem:s14], [sflag:$0x1], $0x80, s30, s15, $0xb8;
	[tilespmem:$0x1BC00] =	vst v63  }
0x2c: {  	s31 =	simm.s32 $0x14380  }
0x2d: {  	[spmem:s2] =	stream.indirect.scatter.add.f32 [tilespmem:s14], [sflag:$0x2], $0x80, s31, s15, $0xb8;
	[tilespmem:$0x1BC00] =	vst v63  }
0x2e: {  	_ =	swait.ge [sflag:s16], $0x4000  }
0x2f: {  	[sflag:s16] =	ssyncset.done $0x0  }
0x30: {  	[sflag:s16] =	ssyncadd.s32 $0xFFFFC000  }
0x31: {  	_ =	swait.ge [sflag:s17], $0x4000  }
0x32: {  	[sflag:s17] =	ssyncset.done $0x0  }
0x33: {  	[sflag:s17] =	ssyncadd.s32 $0xFFFFC000  }
0x34: {  	_ =	swait.ge [sflag:s16], $0x4000  }
0x35: {  	[sflag:s16] =	ssyncset.done $0x0  }
0x36: {  	[sflag:s16] =	ssyncadd.s32 $0xFFFFC000  }
0x37: {  	_ =	swait.ge [sflag:s17], $0x4000  }
0x38: {  	[sflag:s17] =	ssyncset.done $0x0  }
0x39: {  	[sflag:s17] =	ssyncadd.s32 $0xFFFFC000  }
0x3a: {  	_ =	swait.ge [sflag:s16], $0x4000  }
0x3b: {  	[sflag:s16] =	ssyncset.done $0x0  }
0x3c: {  	[sflag:s16] =	ssyncadd.s32 $0xFFFFC000  }
0x3d: {  	_ =	swait.ge [sflag:s17], $0x4000  }
0x3e: {  	[sflag:s17] =	ssyncset.done $0x0  }
0x3f: {  	p1 =	sne.s32 s7, $0x2000;
	[sflag:s17] =	ssyncadd.s32 $0xFFFFC000  }
.Ltmp1:
0x40: {  	_ =	swait.ge [sflag:s16], $0x4000;
	(pc) =	sbr.rel @!p1 .LBB2_4-.Ltmp1, $4  }
0x41: {  	[sflag:s16] =	ssyncset.done $0x0  }
0x42: {  	[sflag:s16] =	ssyncadd.s32 $0xFFFFC000  }
0x43: {  	s21 =	simm.s32 $0x400;
	_ =	swait.ge [sflag:s17], $0x4000  }
0x44: {  	p0 =	por $0x1, $0x1;
	s19 =	simm.s32 $0x2000;
	[sflag:s17] =	ssyncset.done $0x0  }
.LBB2_3:
0x45: {  	s22 =	sadd.s32 $0x14000, s21  }
0x46: {  	[sflag:s17] =	ssyncadd.s32 $0xFFFFC000;
	s20 =	smov.u32 s19;
	s19 =	sadd.s32 $0x1000, s19  }
0x47: {  	[spmem:s2] =	stream.indirect.scatter.add.f32 [tilespmem:s14], [sflag:$0x1], $0x80, s22, s15, $0xb8;
	[tilespmem:$0x1BC00] =	vst v63  }
0x48: {  	p1 =	sne.s32 s7, s19;
	s22 =	sadd.s32 $0x14080, s21  }
0x49: {  	[spmem:s2] =	stream.indirect.scatter.add.f32 [tilespmem:s14], [sflag:$0x2], $0x80, s22, s15, $0xb8;
	[tilespmem:$0x1BC00] =	vst v63  }
0x4a: {  	s22 =	sadd.s32 $0x14100, s21  }
0x4b: {  	[spmem:s2] =	stream.indirect.scatter.add.f32 [tilespmem:s14], [sflag:$0x1], $0x80, s22, s15, $0xb8;
	[tilespmem:$0x1BC00] =	vst v63  }
0x4c: {  	s22 =	sadd.s32 $0x14180, s21  }
0x4d: {  	[spmem:s2] =	stream.indirect.scatter.add.f32 [tilespmem:s14], [sflag:$0x2], $0x80, s22, s15, $0xb8;
	[tilespmem:$0x1BC00] =	vst v63  }
0x4e: {  	s22 =	sadd.s32 $0x14200, s21  }
0x4f: {  	[spmem:s2] =	stream.indirect.scatter.add.f32 [tilespmem:s14], [sflag:$0x1], $0x80, s22, s15, $0xb8;
	[tilespmem:$0x1BC00] =	vst v63  }
0x50: {  	s22 =	sadd.s32 $0x14280, s21  }
0x51: {  	[spmem:s2] =	stream.indirect.scatter.add.f32 [tilespmem:s14], [sflag:$0x2], $0x80, s22, s15, $0xb8;
	[tilespmem:$0x1BC00] =	vst v63  }
0x52: {  	s22 =	sadd.s32 $0x14300, s21  }
0x53: {  	[spmem:s2] =	stream.indirect.scatter.add.f32 [tilespmem:s14], [sflag:$0x1], $0x80, s22, s15, $0xb8;
	[tilespmem:$0x1BC00] =	vst v63  }
0x54: {  	s21 =	sadd.s32 $0x14380, s21  }
0x55: {  	[spmem:s2] =	stream.indirect.scatter.add.f32 [tilespmem:s14], [sflag:$0x2], $0x80, s21, s15, $0xb8;
	[tilespmem:$0x1BC00] =	vst v63  }
0x56: {  	_ =	swait.ge [sflag:s16], $0x4000  }
0x57: {  	[sflag:s16] =	ssyncset.done $0x0  }
0x58: {  	[sflag:s16] =	ssyncadd.s32 $0xFFFFC000  }
0x59: {  	_ =	swait.ge [sflag:s17], $0x4000  }
0x5a: {  	[sflag:s17] =	ssyncset.done $0x0  }
0x5b: {  	[sflag:s17] =	ssyncadd.s32 $0xFFFFC000  }
0x5c: {  	_ =	swait.ge [sflag:s16], $0x4000  }
0x5d: {  	[sflag:s16] =	ssyncset.done $0x0  }
0x5e: {  	[sflag:s16] =	ssyncadd.s32 $0xFFFFC000  }
0x5f: {  	_ =	swait.ge [sflag:s17], $0x4000  }
0x60: {  	[sflag:s17] =	ssyncset.done $0x0  }
0x61: {  	[sflag:s17] =	ssyncadd.s32 $0xFFFFC000  }
0x62: {  	_ =	swait.ge [sflag:s16], $0x4000  }
0x63: {  	[sflag:s16] =	ssyncset.done $0x0  }
0x64: {  	[sflag:s16] =	ssyncadd.s32 $0xFFFFC000  }
0x65: {  	_ =	swait.ge [sflag:s17], $0x4000  }
0x66: {  	[sflag:s17] =	ssyncset.done $0x0  }
0x67: {  	[sflag:s17] =	ssyncadd.s32 $0xFFFFC000  }
.Ltmp2:
0x68: {  	_ =	swait.ge [sflag:s16], $0x4000;
	(pc) =	sbr.rel @p1 .LBB2_3-.Ltmp2, $4  }
0x69: {  	[sflag:s16] =	ssyncset.done $0x0  }
0x6a: {  	[sflag:s16] =	ssyncadd.s32 $0xFFFFC000  }
0x6b: {  	_ =	swait.ge [sflag:s17], $0x4000  }
0x6c: {  	s21 =	sshra.s32 s20, $0x2;
	[sflag:s17] =	ssyncset.done $0x0  }
.LBB2_4:
0x6d: {  	s19 =	sadd.s32 $0x14000, s21;
	[sflag:s17] =	ssyncadd.s32 @p0 $0xFFFFC000  }
0x6e: {  	[spmem:s2] =	stream.indirect.scatter.add.f32 [tilespmem:s14], [sflag:$0x1], $0x80, s19, s15, $0xb8;
	[tilespmem:$0x1BC00] =	vst v63  }
0x6f: {  	s24 =	sadd.s32 $0x14080, s21  }
0x70: {  	[spmem:s2] =	stream.indirect.scatter.add.f32 [tilespmem:s14], [sflag:$0x2], $0x80, s24, s15, $0xb8;
	[tilespmem:$0x1BC00] =	vst v63  }
0x71: {  	s25 =	sadd.s32 $0x14100, s21  }
0x72: {  	[spmem:s2] =	stream.indirect.scatter.add.f32 [tilespmem:s14], [sflag:$0x1], $0x80, s25, s15, $0xb8;
	[tilespmem:$0x1BC00] =	vst v63  }
0x73: {  	s26 =	sadd.s32 $0x14180, s21  }
0x74: {  	[spmem:s2] =	stream.indirect.scatter.add.f32 [tilespmem:s14], [sflag:$0x2], $0x80, s26, s15, $0xb8;
	[tilespmem:$0x1BC00] =	vst v63  }
0x75: {  	s28 =	sadd.s32 $0x14200, s21  }
0x76: {  	[spmem:s2] =	stream.indirect.scatter.add.f32 [tilespmem:s14], [sflag:$0x1], $0x80, s28, s15, $0xb8;
	[tilespmem:$0x1BC00] =	vst v63  }
0x77: {  	s29 =	sadd.s32 $0x14280, s21  }
0x78: {  	[spmem:s2] =	stream.indirect.scatter.add.f32 [tilespmem:s14], [sflag:$0x2], $0x80, s29, s15, $0xb8;
	[tilespmem:$0x1BC00] =	vst v63  }
0x79: {  	s30 =	sadd.s32 $0x14300, s21  }
0x7a: {  	[spmem:s2] =	stream.indirect.scatter.add.f32 [tilespmem:s14], [sflag:$0x1], $0x80, s30, s15, $0xb8;
	[tilespmem:$0x1BC00] =	vst v63  }
0x7b: {  	s31 =	sadd.s32 $0x14380, s21  }
0x7c: {  	[spmem:s2] =	stream.indirect.scatter.add.f32 [tilespmem:s14], [sflag:$0x2], $0x80, s31, s15, $0xb8;
	[tilespmem:$0x1BC00] =	vst v63  }
0x7d: {  	_ =	swait.ge [sflag:s16], $0x4000  }
0x7e: {  	[sflag:s16] =	ssyncset.done $0x0  }
0x7f: {  	[sflag:s16] =	ssyncadd.s32 $0xFFFFC000  }
0x80: {  	_ =	swait.ge [sflag:s17], $0x4000  }
0x81: {  	[sflag:s17] =	ssyncset.done $0x0  }
0x82: {  	[sflag:s17] =	ssyncadd.s32 $0xFFFFC000  }
0x83: {  	_ =	swait.ge [sflag:s16], $0x4000  }
0x84: {  	[sflag:s16] =	ssyncset.done $0x0  }
0x85: {  	[sflag:s16] =	ssyncadd.s32 $0xFFFFC000  }
0x86: {  	_ =	swait.ge [sflag:s17], $0x4000  }
0x87: {  	[sflag:s17] =	ssyncset.done $0x0  }
0x88: {  	[sflag:s17] =	ssyncadd.s32 $0xFFFFC000  }
0x89: {  	_ =	swait.ge [sflag:s16], $0x4000  }
0x8a: {  	[sflag:s16] =	ssyncset.done $0x0  }
0x8b: {  	[sflag:s16] =	ssyncadd.s32 $0xFFFFC000  }
0x8c: {  	_ =	swait.ge [sflag:s17], $0x4000  }
0x8d: {  	[sflag:s17] =	ssyncset.done $0x0  }
0x8e: {  	[sflag:s17] =	ssyncadd.s32 $0xFFFFC000  }
0x8f: {  	_ =	swait.ge [sflag:s16], $0x4000  }
0x90: {  	[sflag:s16] =	ssyncset.done $0x0  }
0x91: {  	[sflag:s16] =	ssyncadd.s32 $0xFFFFC000  }
0x92: {  	_ =	swait.ge [sflag:s17], $0x4000  }
0x93: {  	s18 =	sadd.s32 $0x1, s18;
	[sflag:s17] =	ssyncset.done $0x0  }
0x94: {  	p0 =	sne.s32 s18, s10;
	[sflag:s17] =	ssyncadd.s32 $0xFFFFC000  }
.Ltmp3:
0x95: {  	[bflag:$0x0] =	sbarrier.arrive $0xFFFF;
	(pc) =	sbr.rel @p0 .LBB2_1-.Ltmp3, $4  }
0x96: {  	[hbm:s9], [sflag:s6] =	dma.local [spmem:s11], $0x2800  }
0x97: {  	_ =	swait.ge [sflag:s12], $0x2800  }
0x98: {  	[sflag:s12] =	ssyncset.done $0x0  }
0x99: {  	[sflag:s12] =	ssyncadd.s32 $0xFFFFD800  }
0x9a: {  	_ =	sfence.sel $0x180000  }
0x9b: {  	[bflag:$0x0] =	sbarrier.arrive $0xFFFF  }
0x9c: {  	p0 =	sne.s32 s0, $0x0;
	_ =	strace $0x90000047  }
0x9d: {  	s0 =	sadd.s32 @!p0 $0x100000, s1;
	[bflag:$0x2] =	sbarrier.arrive $0xFFFF  }
0x9e: {  	[sflag:s0] =	ssyncadd.tile.s32 @!p0 $0x1;
	_ =	shalt  }
.Lfunc_end2:
_tile_overlayer_lowered:
.L_overlay_start_2:
0x9f: {  	(tag) =	ssettag $0x2  }
0xa0: {  	s0 =	rddreg [dreg:$0x0];
	s2 =	stileid.u32  }
0xa1: {  	s1 =	rddreg [dreg:$0x1];
	p0 =	sne.s32 s2, $0x0  }
0xa2: {  	s3 =	rddreg [dreg:$0x2];
	[bflag:$0x3] =	sbarrier.arrive $0xFFFF;
	s2 =	simm.s32 @!p0 $0x1C03  }
0xa3: {  	[timem:s3], [sflag:s2] =	dma.local @!p0 [hbm:s0], s1  }
0xa4: {  	s0 =	simm.s32 @!p0 $0x3  }
0xa5: {  	_ =	swait.ge @!p0 [sflag:s0], s1  }
0xa6: {  	s1 =	ssub.s32 @!p0 $0x0, s1;
	[sflag:s0] =	ssyncset.done @!p0 $0x0  }
0xa7: {  	[sflag:s0] =	ssyncadd.s32 @!p0 s1  }
0xa8: {  	[bflag:$0x3] =	sbarrier.arrive $0xFFFF  }
0xa9: {  	_ =	shalt  }

// kernel: kernel.14.cloned.1.call-start
scs
__scs_entry_jumppad:
0x0: {  	(pc) =	sbr.rel $0x88, $3  }
0x1: {  	(tag) =	ssettag $0x0;
	lr =	simm.s32 $0x1  }
0x2: {  	[smem:$0x3F96] =	sst lr;
	_ =	strace $0xD0000000  }
0x3: {  	_ = 	snop  }
0x4: {  	_ = 	snop  }
0x5: {  	_ = 	snop  }
0x6: {  	_ = 	snop  }
0x7: {  	_ = 	snop  }
__scs_overlays_trampoline_lowered:
0x8: {  	[smem:$0x3FA5] =	sst s0  }
0x9: {  	[smem:$0x3FA6] =	sst s1  }
0xa: {  	[smem:$0x3FA7] =	sst s2  }
0xb: {  	[smem:$0x3FA8] =	sst s3  }
0xc: {  	[smem:$0x3FA9] =	sst s4  }
0xd: {  	[smem:$0x3FAA] =	sst s5  }
0xe: {  	[smem:$0x3FAB] =	sst s6  }
0xf: {  	[smem:$0x3FAC] =	sst s7  }
0x10: {  	[smem:$0x3FAD] =	sst s8  }
0x11: {  	[smem:$0x3FAE] =	sst s9;
	s0 =	simm.s32 @!p0 $0x0  }
0x12: {  	s1 =	sld [smem:$0x3F94];
	s0 =	simm.s32 @p0 $0x1  }
0x13: {  	[smem:$0x3FAF] =	sst s0;
	s0 =	simm.s32 @!p1 $0x0  }
0x14: {  	s2 =	sld [smem:$0x3F93];
	s0 =	simm.s32 @p1 $0x1  }
0x15: {  	[smem:$0x3FB0] =	sst s0;
	s0 =	simm.s32 @!p2 $0x0  }
0x16: {  	s3 =	sld [smem:$0x3FDB];
	s0 =	simm.s32 @p2 $0x1  }
0x17: {  	s4 =	simm.s32 $0x1BF5;
	[smem:$0x3FB2] =	sst s0  }
0x18: {  	s0 =	sld [smem:$0x3F95];
	_ =	swait.ge [sflag:s4], $0x0  }
0x19: {  	s7 =	sld [smem:$0x3F96]  }
0x1a: {  	s8 =	sadd.s32 $0xFFFFE003, lr  }
0x1b: {  	s9 =	sadd.s32 $0xFFFFFEF7, lr;
	s5 =	simm.s32 $0xFFFFFFFF;
	p2 =	slt.u32 s8, $0xFFFFF086  }
0x1c: {  	p1 =	slt.u32 s9, $0xF7A;
	s5 =	simm.s32 @!p2 $0x0  }
0x1d: {  	s5 =	simm.s32 @p1 $0x1;
	p0 =	seq.s32 s7, s2  }
0x1e: {  	s7 =	smul.u32 @!p0 $0xF7A, s2;
	p2 =	seq.s32 @!p0 s5, $0x0  }
0x1f: {  	s9 =	smul.u32 $0xF7A, s1;
	s8 =	simm.s32 @!p0 $0x1BF5;
	p2 =	por !p2, p0  }
0x20: {  	[sflag:s8] =	ssyncset.s32 @!p0 $0xFFFFF086;
	s6 =	sadd.s32 @!p0 s3, s7;
	s7 =	simm.s32 @!p0 $0x108  }
0x21: {  	s3 =	sadd.s32 s3, s9;
	s6 =	sadd.s32 @!p0 $0x88, s6;
	s7 =	simm.s32 @p2 $0x1082  }
0x22: {  	[simem:s7], [sflag:s8] =	dma.local @!p0 [hbm:s6], $0xF7A  }
0x23: {  	s9 =	sor.u32 $0xD0000000, s2;
	s6 =	simm.s32 $0x108;
	_ =	swait.ge @!p0 [sflag:s8], $0x0  }
0x24: {  	s3 =	sadd.s32 $0x88, s3;
	s6 =	simm.s32 @!p1 $0x1082;
	[sflag:s4] =	ssyncset.s32 $0xFFFFF086  }
0x25: {  	[simem:s6], [sflag:s4] =	dma.local [hbm:s3], $0xF7A  }
0x26: {  	[smem:$0x3F96] =	sst s1;
	(tag) =	ssettag s2;
	_ =	strace s9  }
0x27: {  	s1 =	sld [smem:$0x3FA6]  }
0x28: {  	s2 =	sld [smem:$0x3FA7]  }
0x29: {  	s4 =	sld [smem:$0x3FA9]  }
0x2a: {  	p0 =	seq.s32 s5, $0x0;
	s5 =	sld [smem:$0x3FAA]  }
0x2b: {  	s6 =	sld [smem:$0x3FAB]  }
0x2c: {  	s7 =	sld [smem:$0x3FAC]  }
0x2d: {  	s3 =	simm.s32 $0x108;
	s8 =	sld [smem:$0x3FAD]  }
0x2e: {  	s3 =	simm.s32 @!p0 $0x1082;
	s9 =	sld [smem:$0x3FAE]  }
0x2f: {  	lr =	sadd.s32 s0, s3;
	s0 =	sld [smem:$0x3FA5]  }
0x30: {  	s3 =	sld [smem:$0x3FA8]  }
0x31: {  	[smem:$0x3FB1] =	sst s10  }
0x32: {  	s10 =	sld [smem:$0x3FAF];
	_ =	sdelay $0x3  }
0x33: {  	p0 =	seq.s32 s10, $0x1;
	s10 =	sld [smem:$0x3FB1];
	_ =	sdelay $0x3  }
0x34: {  	[smem:$0x3FB1] =	sst s10  }
0x35: {  	s10 =	sld [smem:$0x3FB0];
	_ =	sdelay $0x3  }
0x36: {  	p1 =	seq.s32 s10, $0x1;
	s10 =	sld [smem:$0x3FB1];
	_ =	sdelay $0x3  }
0x37: {  	[smem:$0x3FB1] =	sst s10  }
0x38: {  	s10 =	sld [smem:$0x3FB2]  }
0x39: {  	_ = 	snop;
	(pc) =	sbr.ind lr, $3  }
0x3a: {  	_ = 	snop  }
0x3b: {  	_ = 	snop  }
0x3c: {  	p2 =	seq.s32 s10, $0x1;
	s10 =	sld [smem:$0x3FB1]  }
0x3d: {  	_ =	shalt  }
0x3e: {  	_ =	shalt  }
0x3f: {  	_ =	shalt  }
0x40: {  	_ =	shalt  }
0x41: {  	_ =	shalt  }
0x42: {  	_ =	shalt  }
0x43: {  	_ =	shalt  }
0x44: {  	_ =	shalt  }
0x45: {  	_ =	shalt  }
0x46: {  	_ =	shalt  }
0x47: {  	_ =	shalt  }
0x48: {  	_ =	shalt  }
0x49: {  	_ =	shalt  }
0x4a: {  	_ =	shalt  }
0x4b: {  	_ =	shalt  }
0x4c: {  	_ =	shalt  }
0x4d: {  	_ =	shalt  }
0x4e: {  	_ =	shalt  }
0x4f: {  	_ =	shalt  }
0x50: {  	_ =	shalt  }
0x51: {  	_ =	shalt  }
0x52: {  	_ =	shalt  }
0x53: {  	_ =	shalt  }
0x54: {  	_ =	shalt  }
0x55: {  	_ =	shalt  }
0x56: {  	_ =	shalt  }
0x57: {  	_ =	shalt  }
0x58: {  	_ =	shalt  }
0x59: {  	_ =	shalt  }
0x5a: {  	_ =	shalt  }
0x5b: {  	_ =	shalt  }
0x5c: {  	_ =	shalt  }
0x5d: {  	_ =	shalt  }
0x5e: {  	_ =	shalt  }
0x5f: {  	_ =	shalt  }
0x60: {  	_ =	shalt  }
0x61: {  	_ =	shalt  }
0x62: {  	_ =	shalt  }
0x63: {  	_ =	shalt  }
0x64: {  	_ =	shalt  }
0x65: {  	_ =	shalt  }
0x66: {  	_ =	shalt  }
0x67: {  	_ =	shalt  }
0x68: {  	_ =	shalt  }
0x69: {  	_ =	shalt  }
0x6a: {  	_ =	shalt  }
0x6b: {  	_ =	shalt  }
0x6c: {  	_ =	shalt  }
0x6d: {  	_ =	shalt  }
0x6e: {  	_ =	shalt  }
0x6f: {  	_ =	shalt  }
0x70: {  	_ =	shalt  }
0x71: {  	_ =	shalt  }
0x72: {  	_ =	shalt  }
0x73: {  	_ =	shalt  }
0x74: {  	_ =	shalt  }
0x75: {  	_ =	shalt  }
0x76: {  	_ =	shalt  }
0x77: {  	_ =	shalt  }
0x78: {  	_ =	shalt  }
0x79: {  	_ =	shalt  }
0x7a: {  	_ =	shalt  }
0x7b: {  	_ =	shalt  }
0x7c: {  	_ =	shalt  }
0x7d: {  	_ =	shalt  }
0x7e: {  	_ =	shalt  }
0x7f: {  	_ =	shalt  }
0x80: {  	_ =	shalt  }
0x81: {  	_ =	shalt  }
0x82: {  	_ =	shalt  }
0x83: {  	_ =	shalt  }
0x84: {  	_ =	shalt  }
0x85: {  	_ =	shalt  }
0x86: {  	_ =	shalt  }
0x87: {  	_ =	shalt  }
.Lfunc_end0:
.L_simem_size_0:
called_computation.1_lowered:
.L_overlay_start_0:
0x88: {  	s2 =	sld [smem:$0x3FD9]  }
0x89: {  	s3 =	sld [smem:$0x3FFE];
	_ =	sdelay $0x1  }
0x8a: {  	s1 =	srdreg.scid  }
0x8b: {  	s0 =	sand.u32 $0x1, s1  }
0x8c: {  	s16 =	sshll.u32 s0, $0xA;
	s2 =	sadd.s32 s3, s2  }
0x8d: {  	s2 =	sadd.s32 s2, s16  }
0x8e: {  	[smem:$0x3FBD] =	sst s2  }
0x8f: {  	_ = 	snop  }
0x90: {  	(tm) =	ssettm $0x1  }
0x91: {  	s17 =	sld [smem:$0x3FFB];
	_ =	sdelay $0x3  }
0x92: {  	_ =	strace s17  }
0x93: {  	s2 =	sld [smem:$0x3FFC];
	_ =	sdelay $0x3  }
0x94: {  	_ =	strace s2  }
0x95: {  	s2 =	sld [smem:$0x3FFD];
	_ =	sdelay $0x3  }
0x96: {  	_ =	strace s2  }
0x97: {  	_ =	strace $0x8FFFFFFF  }
0x98: {  	s18 =	sld [smem:$0x3FDB];
	_ =	sdelay $0x1  }
0x99: {  	s19 =	simm.s32 $_scs_section_size  }
0x9a: {  	s4 =	simm.s32 $_size__tile_overlayer_lowered;
	s5 =	simm.s32 $_tile_overlayer_lowered  }
0x9b: {  	s22 =	simm.s32 $0x1BFF;
	s21 =	sshll.u32 s5, $0x1;
	s2 =	sadd.s32 s19, s18  }
0x9c: {  	s6 =	simm.s32 $0x0;
	s20 =	sshll.u32 s4, $0x1;
	s4 =	sadd.s32 s21, s2  }
0x9d: {  	[timem:s6], [sflag:s22] =	dma.local [hbm:s4], s20  }
0x9e: {  	_ =	swait.ge [sflag:s22], s20  }
0x9f: {  	s3 =	ssub.s32 $0x0, s20;
	[sflag:s22] =	ssyncset.done $0x0  }
0xa0: {  	[sflag:s22] =	ssyncadd.s32 s3;
	_ =	sdelay $0x1  }
0xa1: {  	s23 =	simm.s32 $0x1B8B  }
0xa2: {  	_ =	swait.ge [sflag:s23], $0x1  }
0xa3: {  	[sflag:s23] =	ssyncset.done $0x0  }
0xa4: {  	s25 =	simm.s32 $0x1B8E;
	s24 =	sld [smem:$0x3FFE];
	[sflag:s23] =	ssyncadd.s32 $0xFFFFFFFF  }
0xa5: {  	s26 =	simm.s32 $execute0_lowered;
	[smem:$0x3FD2] =	sst s25  }
0xa6: {  	s4 =	sshll.u32 s26, $0x1;
	_ =	strace $0x80000049;
	[dreg:$0x1] =	wrdreg $0xFFFFFFFF  }
0xa7: {  	s28 =	simm.s32 $_size_execute0_lowered;
	s2 =	sadd.s32 s2, s4;
	[dreg:$0x0] =	wrdreg $0x0  }
0xa8: {  	s4 =	sshll.u32 s28, $0x1;
	[dreg:$0x2] =	wrdreg s2  }
0xa9: {  	[dreg:$0x3] =	wrdreg s4  }
0xaa: {  	[dreg:$0x4] =	wrdreg $0xC0  }
0xab: {  	_ =	task [dreg:s6], $0x5FFFF  }
0xac: {  	[dreg:$0x1] =	wrdreg $0xFFFFFFFF  }
0xad: {  	[dreg:$0x0] =	wrdreg $0x60  }
0xae: {  	[dreg:$0x2] =	wrdreg s24  }
0xaf: {  	[dreg:$0x3] =	wrdreg $0x0  }
0xb0: {  	[dreg:$0x4] =	wrdreg $0x9  }
0xb1: {  	_ =	task.clear_ibuf [dreg:s6], $0x5FFFF;
	_ =	strace $0x90000049  }
0xb2: {  	s29 =	simm.s32 $0x9;
	_ =	strace $0x8000004B  }
0xb3: {  	_ =	swait.ge [sflag:s29], $0x1  }
0xb4: {  	[sflag:s29] =	ssyncadd.s32 $0xFFFFFFFF  }
0xb5: {  	_ =	strace $0x9000004B  }
0xb6: {  	_ =	sfence  }
0xb7: {  	s30 =	sld [smem:$0x0];
	_ =	sdelay $0x2  }
0xb8: {  	s31 =	sshll.u32 s1, $0xD;
	s1 =	sshrl.u32 s1, $0x2  }
0xb9: {  	s3 =	sand.u32 $0x4000, s31;
	s1 =	sadd.s32 s1, s30  }
0xba: {  	s0 =	sor.u32 s3, s0;
	s1 =	sshll.u32 s1, $0x11  }
0xbb: {  	s0 =	sor.u32 s1, s0  }
0xbc: {  	s0 =	sadd.s32 $0x8F2B, s0  }
0xbd: {  	[sflag:s0] =	ssyncadd.remote.s32 $0x1  }
0xbe: {  	_ =	sfence.sel $0xFFFF  }
0xbf: {  	[dreg:$0x0] =	wrdreg $0xFFFFFFFF;
	(pc) =	sbr.abs _section_cstart, $3  }
0xc0: {  	[dreg:$0x1] =	wrdreg $0xFFFFFFFF  }
0xc1: {  	_ =	task.clear_ibuf [dreg:s6], $0x2FFFF;
	_ =	strace $0x9FFFFFFF  }
0xc2: {  	(tm) =	ssettm $0x7FFFFFFF  }
0xc3: {  	_ =	shalt  }
tec
execute0_lowered:
.L_overlay_start_1:
0x0: {  	(tag) =	ssettag $0x1  }
0x1: {  	s0 =	srdreg.scid;
	s7 =	rddreg [dreg:$0x0]  }
0x2: {  	s13 =	stileid.u32;
	s2 =	rddreg [dreg:$0x1]  }
0x3: {  	s4 =	simm.s32 $0x0;
	s28 =	simm.s32 $0x6;
	s29 =	simm.s32 $0x3  }
0x4: {  	s30 =	simm.s32 $0x4;
	s31 =	simm.s32 $0x0;
	s0 =	sand.u32 $0x1, s0  }
0x5: {  	s16 =	smul.u32 $0x14000, s13;
	[smem:$0x7FF] =	sst s4;
	s5 =	sadd.s32 $0x49E00, s7  }
0x6: {  	s6 =	sadd.s32 $0x12E00, s7;
	s12 =	smul.u32 $0x50000, s13;
	s20 =	sshll.u32 s13, $0x6  }
0x7: {  	s1 =	sshll.u32 s0, $0x4;
	s8 =	smul.u32 $0x140000, s0;
	_ =	strace $0x8000004A  }
0x8: {  	s17 =	ssub.s32 $0x2, s0;
	p0 =	seq.s32 s0, $0x0;
	s1 =	sor.u32 s13, s1  }
0x9: {  	s9 =	sshrl.u32 s16, $0x3;
	s18 =	sshrl.u32 s17, $0x1;
	s19 =	sshrl.u32 s12, $0x2  }
0xa: {  	s3 =	smul.u32 $0x3C00, s1;
	s1 =	sadd.s32 s16, s8;
	s9 =	sadd.s32 s9, s7  }
0xb: {  	s21 =	sadd.s32 s19, s2;
	s8 =	sor.u32 $0x1C07, s20;
	s16 =	simm.s32 $0x7  }
0xc: {  	s19 =	simm.s32 $0x17D00;
	s1 =	sshrl.u32 s1, $0x3;
	s22 =	sadd.s32 $0x21E00, s9  }
0xd: {  	s9 =	simm.s32 $0x3B;
	s15 =	sshrl.u32 s21, $0x3;
	s21 =	simm.s32 $0x1BD00  }
0xe: {  	s10 =	sshrl.u32 s3, $0x3;
	s1 =	sadd.s32 s1, s7;
	[dreg:$0x3] =	wrdreg s22  }
0xf: {  	s9 =	simm.s32 @!p0 $0x13;
	s11 =	sadd.s32 s10, s7;
	s25 =	sadd.s32 $0x71000, s1  }
0x10: {  	s10 =	sadd.s32 s6, s10;
	s23 =	sadd.s32 $0x3E00, s11;
	[dreg:$0x6] =	wrdreg s25  }
0x11: {  	s7 =	ssub.s32 s17, s18;
	s24 =	sadd.s32 $0x10, s10;
	[dreg:$0x4] =	wrdreg s23  }
0x12: {  	s22 =	simm.s32 $0x17C00;
	s26 =	smax.u32 s7, $0x1;
	[dreg:$0x5] =	wrdreg s24  }
0x13: {  	s18 =	simm.s32 $0x80;
	s25 =	simm.s32 $0x5;
	[dreg:$0x7] =	wrdreg s26  }
0x14: {  	s23 =	simm.s32 $0x17C80;
	s24 =	simm.s32 $0x1;
	s26 =	simm.s32 $0x2  }
.LBB2_1:
0x15: {  	s0 =	rddreg [dreg:$0x3]  }
0x16: {  	[spmem:s15], [sflag:s8] =	dma.local [hbm:s0], $0x2800  }
0x17: {  	_ =	swait.ge [sflag:s16], $0x2800  }
0x18: {  	[sflag:s16] =	ssyncset.done $0x0  }
0x19: {  	s1 =	simm.s32 $0x14000;
	s12 =	rddreg [dreg:$0x4];
	[sflag:s16] =	ssyncadd.s32 $0xFFFFD800  }
0x1a: {  	[tilespmem:s1], [sflag:$0x7] =	stream.linear.gather [hbm4b:s12+s4], $0x3C00, $0x38;
	[tilespmem:$0x1FD00] =	vst v63  }
0x1b: {  	_ =	swait.ge [sflag:s16], $0x3C00  }
0x1c: {  	[sflag:s16] =	ssyncset.done $0x0  }
0x1d: {  	[sflag:s16] =	ssyncadd.s32 $0xFFFFC400  }
0x1e: {  	[bflag:$0x0] =	sbarrier.arrive $0xFFFF  }
0x1f: {  	[tilespmem:s19], [sflag:$0x1] =	stream.indirect.gather [hbm4b:s5+s18], $0x80, s1, s18, $0xb8;
	[tilespmem:$0x1FD00] =	vst v63  }
0x20: {  	s13 =	simm.s32 $0x14080  }
0x21: {  	[tilespmem:s21], [sflag:$0x2] =	stream.indirect.gather [hbm4b:s5+s18], $0x80, s13, s18, $0xb8;
	[tilespmem:$0x1FD00] =	vst v63  }
0x22: {  	_ = 	snop  }
0x23: {  	[tilespmem:s22], [sflag:$0x5] =	stream.linear.gather [hbm4b:s10+s4], $0x80, $0x38;
	[tilespmem:$0x1FD00] =	vst v63  }
0x24: {  	s14 =	rddreg [dreg:$0x5]  }
0x25: {  	[tilespmem:s23], [sflag:$0x6] =	stream.linear.gather [hbm4b:s14+s4], $0x80, $0x38;
	[tilespmem:$0x1FD00] =	vst v63  }
0x26: {  	_ =	swait.ge [sflag:s24], $0x4000  }
0x27: {  	[sflag:s24] =	ssyncset.done $0x0  }
0x28: {  	[sflag:s24] =	ssyncadd.s32 $0xFFFFC000  }
0x29: {  	_ =	swait.ge [sflag:s25], $0x80  }
0x2a: {  	[sflag:s25] =	ssyncset.done $0x0  }
0x2b: {  	[sflag:s25] =	ssyncadd.s32 $0xFFFFFF80  }
0x2c: {  	[spmem:s2] =	stream.indirect.scatter.add.f32 [tilespmem:s19], [sflag:$0x3], $0x80, s22, s18, $0xb8;
	[tilespmem:$0x1FD00] =	vst v63  }
0x2d: {  	_ =	swait.ge [sflag:s26], $0x4000  }
0x2e: {  	[sflag:s26] =	ssyncset.done $0x0  }
0x2f: {  	[sflag:s26] =	ssyncadd.s32 $0xFFFFC000  }
0x30: {  	_ =	swait.ge [sflag:s28], $0x80  }
0x31: {  	[sflag:s28] =	ssyncset.done $0x0  }
0x32: {  	s11 =	simm.s32 $0x14180;
	s7 =	simm.s32 $0x100;
	[sflag:s28] =	ssyncadd.s32 $0xFFFFFF80  }
0x33: {  	[spmem:s2] =	stream.indirect.scatter.add.f32 [tilespmem:s21], [sflag:$0x4], $0x80, s23, s18, $0xb8;
	[tilespmem:$0x1FD00] =	vst v63  }
0x34: {  	p0 =	sne.s32 s9, $0x1;
	s20 =	simm.s32 $0x14280;
	_ =	swait.ge [sflag:s29], $0x4000  }
0x35: {  	s0 =	simm.s32 $0x1;
	s12 =	sand.u32 $0x7FFFFC00, s7;
	[sflag:s29] =	ssyncset.done $0x0  }
0x36: {  	s7 =	sand.u32 $0x300, s7;
	s12 =	sadd.s32 s3, s12;
	[sflag:s29] =	ssyncadd.s32 $0xFFFFC000  }
.Ltmp0:
0x37: {  	s7 =	sor.u32 s7, s12;
	_ =	swait.ge [sflag:s30], $0x4000;
	(pc) =	sbr.rel @!p0 .LBB2_3-.Ltmp0, $4  }
0x38: {  	s12 =	sshrl.u32 s7, $0x3;
	s1 =	simm.s32 $0x180;
	[sflag:s30] =	ssyncset.done $0x0  }
0x39: {  	s17 =	sand.u32 $0x7FFFFC00, s1;
	s13 =	simm.s32 $0x14100;
	[sflag:s30] =	ssyncadd.s32 $0xFFFFC000  }
0x3a: {  	[tilespmem:s19], [sflag:$0x1] =	stream.indirect.gather [hbm4b:s5+s18], $0x80, s13, s18, $0xb8;
	[tilespmem:$0x1FD00] =	vst v63  }
0x3b: {  	s7 =	simm.s32 $0x14180;
	s13 =	sadd.s32 s3, s17;
	s17 =	sand.u32 $0x380, s1  }
.LBB2_2:
0x3c: {  	s7 =	smov.u32 s20  }
0x3d: {  	s0 =	sadd.s32 $0x1, s0;
	s13 =	sor.u32 s17, s13;
	s1 =	sadd.s32 $0x100, s1  }
0x3e: {  	[tilespmem:s21], [sflag:$0x2] =	stream.indirect.gather [hbm4b:s5+s18], $0x80, s11, s18, $0xb8;
	[tilespmem:$0x1FD00] =	vst v63  }
0x3f: {  	p0 =	sne.s32 s9, s0;
	s11 =	sadd.s32 s6, s12;
	s12 =	sshrl.u32 s13, $0x3  }
0x40: {  	[tilespmem:s22], [sflag:$0x5] =	stream.linear.gather [hbm4b:s11+s4], $0x80, $0x38;
	[tilespmem:$0x1FD00] =	vst v63  }
0x41: {  	s12 =	sadd.s32 s6, s12;
	s11 =	smov.u32 s20  }
0x42: {  	[tilespmem:s23], [sflag:$0x6] =	stream.linear.gather [hbm4b:s12+s4], $0x80, $0x38;
	[tilespmem:$0x1FD00] =	vst v63  }
0x43: {  	_ =	swait.ge [sflag:s24], $0x4000  }
0x44: {  	[sflag:s24] =	ssyncset.done $0x0  }
0x45: {  	[sflag:s24] =	ssyncadd.s32 $0xFFFFC000  }
0x46: {  	_ =	swait.ge [sflag:s25], $0x80  }
0x47: {  	[sflag:s25] =	ssyncset.done $0x0  }
0x48: {  	[sflag:s25] =	ssyncadd.s32 $0xFFFFFF80  }
0x49: {  	[spmem:s2] =	stream.indirect.scatter.add.f32 [tilespmem:s19], [sflag:$0x3], $0x80, s22, s18, $0xb8;
	[tilespmem:$0x1FD00] =	vst v63  }
0x4a: {  	_ =	swait.ge [sflag:s26], $0x4000  }
0x4b: {  	[sflag:s26] =	ssyncset.done $0x0  }
0x4c: {  	[sflag:s26] =	ssyncadd.s32 $0xFFFFC000  }
0x4d: {  	_ =	swait.ge [sflag:s28], $0x80  }
0x4e: {  	[sflag:s28] =	ssyncset.done $0x0  }
0x4f: {  	[sflag:s28] =	ssyncadd.s32 $0xFFFFFF80  }
0x50: {  	[spmem:s2] =	stream.indirect.scatter.add.f32 [tilespmem:s21], [sflag:$0x4], $0x80, s23, s18, $0xb8;
	[tilespmem:$0x1FD00] =	vst v63  }
0x51: {  	s12 =	sadd.s32 $0xFFFFFF80, s1;
	_ =	swait.ge [sflag:s29], $0x4000  }
0x52: {  	s13 =	sand.u32 $0x7FFFFC00, s12;
	s12 =	sand.u32 $0x300, s12;
	[sflag:s29] =	ssyncset.done $0x0  }
0x53: {  	s13 =	sadd.s32 s3, s13;
	[sflag:s29] =	ssyncadd.s32 $0xFFFFC000  }
.Ltmp1:
0x54: {  	s14 =	sadd.s32 $0xFFFFFF80, s20;
	s12 =	sor.u32 s12, s13;
	(pc) =	sbr.rel @p0 .LBB2_2-.Ltmp1, $4  }
0x55: {  	s12 =	sshrl.u32 s12, $0x3;
	_ =	swait.ge [sflag:s30], $0x4000  }
0x56: {  	s20 =	sadd.s32 $0x100, s20;
	s13 =	sand.u32 $0x7FFFFC00, s1;
	[sflag:s30] =	ssyncset.done $0x0  }
0x57: {  	s17 =	sand.u32 $0x380, s1;
	s13 =	sadd.s32 s3, s13;
	[sflag:s30] =	ssyncadd.s32 $0xFFFFC000  }
0x58: {  	[tilespmem:s19], [sflag:$0x1] =	stream.indirect.gather [hbm4b:s5+s18], $0x80, s14, s18, $0xb8;
	[tilespmem:$0x1FD00] =	vst v63  }
.LBB2_3:
0x59: {  	[tilespmem:s21], [sflag:$0x2] =	stream.indirect.gather [hbm4b:s5+s18], $0x80, s11, s18, $0xb8;
	[tilespmem:$0x1FD00] =	vst v63  }
0x5a: {  	s14 =	sor.u32 s17, s13  }
0x5b: {  	s12 =	sadd.s32 s6, s12;
	s11 =	sshrl.u32 s14, $0x3  }
0x5c: {  	[tilespmem:s22], [sflag:$0x5] =	stream.linear.gather [hbm4b:s12+s4], $0x80, $0x38;
	[tilespmem:$0x1FD00] =	vst v63  }
0x5d: {  	s11 =	sadd.s32 s6, s11  }
0x5e: {  	[tilespmem:s23], [sflag:$0x6] =	stream.linear.gather [hbm4b:s11+s4], $0x80, $0x38;
	[tilespmem:$0x1FD00] =	vst v63  }
0x5f: {  	_ =	swait.ge [sflag:s24], $0x4000  }
0x60: {  	[sflag:s24] =	ssyncset.done $0x0  }
0x61: {  	[sflag:s24] =	ssyncadd.s32 $0xFFFFC000  }
0x62: {  	_ =	swait.ge [sflag:s25], $0x80  }
0x63: {  	[sflag:s25] =	ssyncset.done $0x0  }
0x64: {  	[sflag:s25] =	ssyncadd.s32 $0xFFFFFF80  }
0x65: {  	[spmem:s2] =	stream.indirect.scatter.add.f32 [tilespmem:s19], [sflag:$0x3], $0x80, s22, s18, $0xb8;
	[tilespmem:$0x1FD00] =	vst v63  }
0x66: {  	_ =	swait.ge [sflag:s26], $0x4000  }
0x67: {  	[sflag:s26] =	ssyncset.done $0x0  }
0x68: {  	[sflag:s26] =	ssyncadd.s32 $0xFFFFC000  }
0x69: {  	_ =	swait.ge [sflag:s28], $0x80  }
0x6a: {  	[sflag:s28] =	ssyncset.done $0x0  }
0x6b: {  	[sflag:s28] =	ssyncadd.s32 $0xFFFFFF80  }
0x6c: {  	[spmem:s2] =	stream.indirect.scatter.add.f32 [tilespmem:s21], [sflag:$0x4], $0x80, s23, s18, $0xb8;
	[tilespmem:$0x1FD00] =	vst v63  }
0x6d: {  	_ =	swait.ge [sflag:s29], $0x4000  }
0x6e: {  	[sflag:s29] =	ssyncset.done $0x0  }
0x6f: {  	[sflag:s29] =	ssyncadd.s32 $0xFFFFC000  }
0x70: {  	p0 =	sge.u32 s0, s9;
	_ =	swait.ge [sflag:s30], $0x4000  }
0x71: {  	s0 =	sadd.s32 @!p0 $0x80, s7;
	[sflag:s30] =	ssyncset.done $0x0  }
0x72: {  	s7 =	simm.s32 @!p0 $0x80;
	s11 =	simm.s32 @!p0 $0x17D00;
	[sflag:s30] =	ssyncadd.s32 $0xFFFFC000  }
0x73: {  	[tilespmem:s11], [sflag:$0x1] =	stream.indirect.gather @!p0 [hbm4b:s5+s7], $0x80, s0, s7, $0xb8;
	[tilespmem:$0x1FD00] =	vst v63  }
0x74: {  	s0 =	sadd.s32 $0x100, s1;
	s1 =	simm.s32 @!p0 $0x1BD00  }
0x75: {  	[tilespmem:s1], [sflag:$0x2] =	stream.indirect.gather @!p0 [hbm4b:s5+s7], $0x80, s20, s7, $0xb8;
	[tilespmem:$0x1FD00] =	vst v63  }
0x76: {  	s1 =	sadd.s32 @!p0 $0xFFFFFF80, s0  }
0x77: {  	s7 =	sand.u32 @!p0 $0x7FFFFC00, s1  }
0x78: {  	s1 =	sand.u32 @!p0 $0x300, s1;
	s7 =	sadd.s32 @!p0 s3, s7  }
0x79: {  	s1 =	sor.u32 @!p0 s1, s7  }
0x7a: {  	s1 =	sshrl.u32 @!p0 s1, $0x3  }
0x7b: {  	s11 =	simm.s32 @!p0 $0x17C00;
	s7 =	simm.s32 @!p0 $0x0;
	s1 =	sadd.s32 @!p0 s6, s1  }
0x7c: {  	[tilespmem:s11], [sflag:$0x5] =	stream.linear.gather @!p0 [hbm4b:s1+s7], $0x80, $0x38;
	[tilespmem:$0x1FD00] =	vst v63  }
0x7d: {  	s1 =	sand.u32 @!p0 $0x7FFFFC00, s0  }
0x7e: {  	s0 =	sand.u32 @!p0 $0x380, s0;
	s1 =	sadd.s32 @!p0 s3, s1  }
0x7f: {  	s0 =	sor.u32 @!p0 s0, s1  }
0x80: {  	s0 =	sshrl.u32 @!p0 s0, $0x3  }
0x81: {  	s1 =	simm.s32 @!p0 $0x17C80;
	s0 =	sadd.s32 @!p0 s6, s0  }
0x82: {  	[tilespmem:s1], [sflag:$0x6] =	stream.linear.gather @!p0 [hbm4b:s0+s7], $0x80, $0x38;
	[tilespmem:$0x1FD00] =	vst v63  }
0x83: {  	[bflag:$0x0] =	sbarrier.arrive $0xFFFF  }
0x84: {  	s17 =	rddreg [dreg:$0x6]  }
0x85: {  	[hbm:s17], [sflag:s8] =	dma.local [spmem:s15], $0x2800  }
0x86: {  	_ =	swait.ge [sflag:s16], $0x2800  }
0x87: {  	s31 =	sadd.s32 $0x1, s31;
	s20 =	rddreg [dreg:$0x7]  }
0x88: {  	p0 =	sne.s32 s31, s20  }
.Ltmp2:
0x89: {  	_ = 	snop;
	(pc) =	sbr.rel @p0 .LBB2_1-.Ltmp2, $3  }
0x8a: {  	_ =	sdelay $0x1  }
0x8b: {  	[sflag:s16] =	ssyncset.done $0x0  }
0x8c: {  	[sflag:s16] =	ssyncadd.s32 $0xFFFFD800  }
0x8d: {  	_ =	sfence.sel $0x180000  }
0x8e: {  	[bflag:$0x0] =	sbarrier.arrive $0xFFFF  }
0x8f: {  	_ =	strace $0x9000004A  }
0x90: {  	s0 =	stileid.u32;
	[bflag:$0x2] =	sbarrier.arrive $0xFFFF  }
0x91: {  	p0 =	sne.s32 s0, $0x0;
	s0 =	rddreg [dreg:$0x2]  }
0x92: {  	s0 =	sadd.s32 @!p0 $0x100000, s0  }
0x93: {  	[sflag:s0] =	ssyncadd.tile.s32 @!p0 $0x1;
	_ =	shalt  }
.Lfunc_end2:
_tile_overlayer_lowered:
.L_overlay_start_2:
0x94: {  	(tag) =	ssettag $0x2  }
0x95: {  	s0 =	rddreg [dreg:$0x0];
	s2 =	stileid.u32  }
0x96: {  	s1 =	rddreg [dreg:$0x1];
	p0 =	sne.s32 s2, $0x0  }
0x97: {  	s3 =	rddreg [dreg:$0x2];
	[bflag:$0x3] =	sbarrier.arrive $0xFFFF;
	s2 =	simm.s32 @!p0 $0x1C07  }
0x98: {  	[timem:s3], [sflag:s2] =	dma.local @!p0 [hbm:s0], s1  }
0x99: {  	s0 =	simm.s32 @!p0 $0x7  }
0x9a: {  	_ =	swait.ge @!p0 [sflag:s0], s1  }
0x9b: {  	s1 =	ssub.s32 @!p0 $0x0, s1;
	[sflag:s0] =	ssyncset.done @!p0 $0x0  }
0x9c: {  	[sflag:s0] =	ssyncadd.s32 @!p0 s1  }
0x9d: {  	[bflag:$0x3] =	sbarrier.arrive $0xFFFF  }
0x9e: {  	_ =	shalt  }

// kernel: kernel.17.cloned.1.call-start
scs
__scs_entry_jumppad:
0x0: {  	(pc) =	sbr.rel $0x88, $3  }
0x1: {  	(tag) =	ssettag $0x0;
	lr =	simm.s32 $0x1  }
0x2: {  	[smem:$0x3F96] =	sst lr;
	_ =	strace $0xD0000000  }
0x3: {  	_ = 	snop  }
0x4: {  	_ = 	snop  }
0x5: {  	_ = 	snop  }
0x6: {  	_ = 	snop  }
0x7: {  	_ = 	snop  }
__scs_overlays_trampoline_lowered:
0x8: {  	[smem:$0x3FA5] =	sst s0  }
0x9: {  	[smem:$0x3FA6] =	sst s1  }
0xa: {  	[smem:$0x3FA7] =	sst s2  }
0xb: {  	[smem:$0x3FA8] =	sst s3  }
0xc: {  	[smem:$0x3FA9] =	sst s4  }
0xd: {  	[smem:$0x3FAA] =	sst s5  }
0xe: {  	[smem:$0x3FAB] =	sst s6  }
0xf: {  	[smem:$0x3FAC] =	sst s7  }
0x10: {  	[smem:$0x3FAD] =	sst s8  }
0x11: {  	[smem:$0x3FAE] =	sst s9;
	s0 =	simm.s32 @!p0 $0x0  }
0x12: {  	s1 =	sld [smem:$0x3F94];
	s0 =	simm.s32 @p0 $0x1  }
0x13: {  	[smem:$0x3FAF] =	sst s0;
	s0 =	simm.s32 @!p1 $0x0  }
0x14: {  	s2 =	sld [smem:$0x3F93];
	s0 =	simm.s32 @p1 $0x1  }
0x15: {  	[smem:$0x3FB0] =	sst s0;
	s0 =	simm.s32 @!p2 $0x0  }
0x16: {  	s3 =	sld [smem:$0x3FDB];
	s0 =	simm.s32 @p2 $0x1  }
0x17: {  	s4 =	simm.s32 $0x1BF5;
	[smem:$0x3FB2] =	sst s0  }
0x18: {  	s0 =	sld [smem:$0x3F95];
	_ =	swait.ge [sflag:s4], $0x0  }
0x19: {  	s7 =	sld [smem:$0x3F96]  }
0x1a: {  	s8 =	sadd.s32 $0xFFFFE003, lr  }
0x1b: {  	s9 =	sadd.s32 $0xFFFFFEF7, lr;
	s5 =	simm.s32 $0xFFFFFFFF;
	p2 =	slt.u32 s8, $0xFFFFF086  }
0x1c: {  	p1 =	slt.u32 s9, $0xF7A;
	s5 =	simm.s32 @!p2 $0x0  }
0x1d: {  	s5 =	simm.s32 @p1 $0x1;
	p0 =	seq.s32 s7, s2  }
0x1e: {  	s7 =	smul.u32 @!p0 $0xF7A, s2;
	p2 =	seq.s32 @!p0 s5, $0x0  }
0x1f: {  	s9 =	smul.u32 $0xF7A, s1;
	s8 =	simm.s32 @!p0 $0x1BF5;
	p2 =	por !p2, p0  }
0x20: {  	[sflag:s8] =	ssyncset.s32 @!p0 $0xFFFFF086;
	s6 =	sadd.s32 @!p0 s3, s7;
	s7 =	simm.s32 @!p0 $0x108  }
0x21: {  	s3 =	sadd.s32 s3, s9;
	s6 =	sadd.s32 @!p0 $0x88, s6;
	s7 =	simm.s32 @p2 $0x1082  }
0x22: {  	[simem:s7], [sflag:s8] =	dma.local @!p0 [hbm:s6], $0xF7A  }
0x23: {  	s9 =	sor.u32 $0xD0000000, s2;
	s6 =	simm.s32 $0x108;
	_ =	swait.ge @!p0 [sflag:s8], $0x0  }
0x24: {  	s3 =	sadd.s32 $0x88, s3;
	s6 =	simm.s32 @!p1 $0x1082;
	[sflag:s4] =	ssyncset.s32 $0xFFFFF086  }
0x25: {  	[simem:s6], [sflag:s4] =	dma.local [hbm:s3], $0xF7A  }
0x26: {  	[smem:$0x3F96] =	sst s1;
	(tag) =	ssettag s2;
	_ =	strace s9  }
0x27: {  	s1 =	sld [smem:$0x3FA6]  }
0x28: {  	s2 =	sld [smem:$0x3FA7]  }
0x29: {  	s4 =	sld [smem:$0x3FA9]  }
0x2a: {  	p0 =	seq.s32 s5, $0x0;
	s5 =	sld [smem:$0x3FAA]  }
0x2b: {  	s6 =	sld [smem:$0x3FAB]  }
0x2c: {  	s7 =	sld [smem:$0x3FAC]  }
0x2d: {  	s3 =	simm.s32 $0x108;
	s8 =	sld [smem:$0x3FAD]  }
0x2e: {  	s3 =	simm.s32 @!p0 $0x1082;
	s9 =	sld [smem:$0x3FAE]  }
0x2f: {  	lr =	sadd.s32 s0, s3;
	s0 =	sld [smem:$0x3FA5]  }
0x30: {  	s3 =	sld [smem:$0x3FA8]  }
0x31: {  	[smem:$0x3FB1] =	sst s10  }
0x32: {  	s10 =	sld [smem:$0x3FAF];
	_ =	sdelay $0x3  }
0x33: {  	p0 =	seq.s32 s10, $0x1;
	s10 =	sld [smem:$0x3FB1];
	_ =	sdelay $0x3  }
0x34: {  	[smem:$0x3FB1] =	sst s10  }
0x35: {  	s10 =	sld [smem:$0x3FB0];
	_ =	sdelay $0x3  }
0x36: {  	p1 =	seq.s32 s10, $0x1;
	s10 =	sld [smem:$0x3FB1];
	_ =	sdelay $0x3  }
0x37: {  	[smem:$0x3FB1] =	sst s10  }
0x38: {  	s10 =	sld [smem:$0x3FB2]  }
0x39: {  	_ = 	snop;
	(pc) =	sbr.ind lr, $3  }
0x3a: {  	_ = 	snop  }
0x3b: {  	_ = 	snop  }
0x3c: {  	p2 =	seq.s32 s10, $0x1;
	s10 =	sld [smem:$0x3FB1]  }
0x3d: {  	_ =	shalt  }
0x3e: {  	_ =	shalt  }
0x3f: {  	_ =	shalt  }
0x40: {  	_ =	shalt  }
0x41: {  	_ =	shalt  }
0x42: {  	_ =	shalt  }
0x43: {  	_ =	shalt  }
0x44: {  	_ =	shalt  }
0x45: {  	_ =	shalt  }
0x46: {  	_ =	shalt  }
0x47: {  	_ =	shalt  }
0x48: {  	_ =	shalt  }
0x49: {  	_ =	shalt  }
0x4a: {  	_ =	shalt  }
0x4b: {  	_ =	shalt  }
0x4c: {  	_ =	shalt  }
0x4d: {  	_ =	shalt  }
0x4e: {  	_ =	shalt  }
0x4f: {  	_ =	shalt  }
0x50: {  	_ =	shalt  }
0x51: {  	_ =	shalt  }
0x52: {  	_ =	shalt  }
0x53: {  	_ =	shalt  }
0x54: {  	_ =	shalt  }
0x55: {  	_ =	shalt  }
0x56: {  	_ =	shalt  }
0x57: {  	_ =	shalt  }
0x58: {  	_ =	shalt  }
0x59: {  	_ =	shalt  }
0x5a: {  	_ =	shalt  }
0x5b: {  	_ =	shalt  }
0x5c: {  	_ =	shalt  }
0x5d: {  	_ =	shalt  }
0x5e: {  	_ =	shalt  }
0x5f: {  	_ =	shalt  }
0x60: {  	_ =	shalt  }
0x61: {  	_ =	shalt  }
0x62: {  	_ =	shalt  }
0x63: {  	_ =	shalt  }
0x64: {  	_ =	shalt  }
0x65: {  	_ =	shalt  }
0x66: {  	_ =	shalt  }
0x67: {  	_ =	shalt  }
0x68: {  	_ =	shalt  }
0x69: {  	_ =	shalt  }
0x6a: {  	_ =	shalt  }
0x6b: {  	_ =	shalt  }
0x6c: {  	_ =	shalt  }
0x6d: {  	_ =	shalt  }
0x6e: {  	_ =	shalt  }
0x6f: {  	_ =	shalt  }
0x70: {  	_ =	shalt  }
0x71: {  	_ =	shalt  }
0x72: {  	_ =	shalt  }
0x73: {  	_ =	shalt  }
0x74: {  	_ =	shalt  }
0x75: {  	_ =	shalt  }
0x76: {  	_ =	shalt  }
0x77: {  	_ =	shalt  }
0x78: {  	_ =	shalt  }
0x79: {  	_ =	shalt  }
0x7a: {  	_ =	shalt  }
0x7b: {  	_ =	shalt  }
0x7c: {  	_ =	shalt  }
0x7d: {  	_ =	shalt  }
0x7e: {  	_ =	shalt  }
0x7f: {  	_ =	shalt  }
0x80: {  	_ =	shalt  }
0x81: {  	_ =	shalt  }
0x82: {  	_ =	shalt  }
0x83: {  	_ =	shalt  }
0x84: {  	_ =	shalt  }
0x85: {  	_ =	shalt  }
0x86: {  	_ =	shalt  }
0x87: {  	_ =	shalt  }
.Lfunc_end0:
.L_simem_size_0:
called_computation.2_lowered:
.L_overlay_start_0:
0x88: {  	s2 =	sld [smem:$0x3FD9]  }
0x89: {  	s3 =	sld [smem:$0x3FFE];
	_ =	sdelay $0x1  }
0x8a: {  	s1 =	srdreg.scid  }
0x8b: {  	s0 =	sand.u32 $0x1, s1  }
0x8c: {  	s16 =	sshll.u32 s0, $0xA;
	s2 =	sadd.s32 s3, s2  }
0x8d: {  	s2 =	sadd.s32 s2, s16  }
0x8e: {  	[smem:$0x3FBD] =	sst s2  }
0x8f: {  	_ = 	snop  }
0x90: {  	(tm) =	ssettm $0x1  }
0x91: {  	s17 =	sld [smem:$0x3FFB];
	_ =	sdelay $0x3  }
0x92: {  	_ =	strace s17  }
0x93: {  	s2 =	sld [smem:$0x3FFC];
	_ =	sdelay $0x3  }
0x94: {  	_ =	strace s2  }
0x95: {  	s2 =	sld [smem:$0x3FFD];
	_ =	sdelay $0x3  }
0x96: {  	_ =	strace s2  }
0x97: {  	_ =	strace $0x8FFFFFFF  }
0x98: {  	s18 =	sld [smem:$0x3FDB];
	_ =	sdelay $0x1  }
0x99: {  	s19 =	simm.s32 $_scs_section_size  }
0x9a: {  	s4 =	simm.s32 $_size__tile_overlayer_lowered;
	s5 =	simm.s32 $_tile_overlayer_lowered  }
0x9b: {  	s22 =	simm.s32 $0x1BFF;
	s21 =	sshll.u32 s5, $0x1;
	s2 =	sadd.s32 s19, s18  }
0x9c: {  	s6 =	simm.s32 $0x0;
	s20 =	sshll.u32 s4, $0x1;
	s4 =	sadd.s32 s21, s2  }
0x9d: {  	[timem:s6], [sflag:s22] =	dma.local [hbm:s4], s20  }
0x9e: {  	_ =	swait.ge [sflag:s22], s20  }
0x9f: {  	s3 =	ssub.s32 $0x0, s20;
	[sflag:s22] =	ssyncset.done $0x0  }
0xa0: {  	[sflag:s22] =	ssyncadd.s32 s3;
	_ =	sdelay $0x1  }
0xa1: {  	s23 =	simm.s32 $0x1B8B  }
0xa2: {  	_ =	swait.ge [sflag:s23], $0x1  }
0xa3: {  	[sflag:s23] =	ssyncset.done $0x0  }
0xa4: {  	s25 =	simm.s32 $0x1B8E;
	s24 =	sld [smem:$0x3FFE];
	[sflag:s23] =	ssyncadd.s32 $0xFFFFFFFF  }
0xa5: {  	s26 =	simm.s32 $execute0_lowered;
	[smem:$0x3FD2] =	sst s25  }
0xa6: {  	s4 =	sshll.u32 s26, $0x1;
	_ =	strace $0x8000004C;
	[dreg:$0x1] =	wrdreg $0xFFFFFFFF  }
0xa7: {  	s28 =	simm.s32 $_size_execute0_lowered;
	s2 =	sadd.s32 s2, s4;
	[dreg:$0x0] =	wrdreg $0x0  }
0xa8: {  	s4 =	sshll.u32 s28, $0x1;
	[dreg:$0x2] =	wrdreg s2  }
0xa9: {  	[dreg:$0x3] =	wrdreg s4  }
0xaa: {  	[dreg:$0x4] =	wrdreg $0xC0  }
0xab: {  	_ =	task [dreg:s6], $0x5FFFF  }
0xac: {  	[dreg:$0x1] =	wrdreg $0xFFFFFFFF  }
0xad: {  	[dreg:$0x0] =	wrdreg $0x60  }
0xae: {  	[dreg:$0x2] =	wrdreg s24  }
0xaf: {  	[dreg:$0x3] =	wrdreg $0x0  }
0xb0: {  	[dreg:$0x4] =	wrdreg $0x9  }
0xb1: {  	_ =	task.clear_ibuf [dreg:s6], $0x5FFFF;
	_ =	strace $0x9000004C  }
0xb2: {  	s29 =	simm.s32 $0x9;
	_ =	strace $0x8000004E  }
0xb3: {  	_ =	swait.ge [sflag:s29], $0x1  }
0xb4: {  	[sflag:s29] =	ssyncadd.s32 $0xFFFFFFFF  }
0xb5: {  	_ =	strace $0x9000004E  }
0xb6: {  	_ =	sfence  }
0xb7: {  	s30 =	sld [smem:$0x0];
	_ =	sdelay $0x2  }
0xb8: {  	s31 =	sshll.u32 s1, $0xD;
	s1 =	sshrl.u32 s1, $0x2  }
0xb9: {  	s3 =	sand.u32 $0x4000, s31;
	s1 =	sadd.s32 s1, s30  }
0xba: {  	s0 =	sor.u32 s3, s0;
	s1 =	sshll.u32 s1, $0x11  }
0xbb: {  	s0 =	sor.u32 s1, s0  }
0xbc: {  	s0 =	sadd.s32 $0x8F2B, s0  }
0xbd: {  	[sflag:s0] =	ssyncadd.remote.s32 $0x1  }
0xbe: {  	_ =	sfence.sel $0xFFFF  }
0xbf: {  	[dreg:$0x0] =	wrdreg $0xFFFFFFFF;
	(pc) =	sbr.abs _section_cstart, $3  }
0xc0: {  	[dreg:$0x1] =	wrdreg $0xFFFFFFFF  }
0xc1: {  	_ =	task.clear_ibuf [dreg:s6], $0x2FFFF;
	_ =	strace $0x9FFFFFFF  }
0xc2: {  	(tm) =	ssettm $0x7FFFFFFF  }
0xc3: {  	_ =	shalt  }
tec
execute0_lowered:
.L_overlay_start_1:
0x0: {  	(tag) =	ssettag $0x1  }
0x1: {  	s0 =	srdreg.scid;
	s7 =	rddreg [dreg:$0x0]  }
0x2: {  	s13 =	stileid.u32;
	s2 =	rddreg [dreg:$0x1]  }
0x3: {  	s4 =	simm.s32 $0x0;
	s28 =	simm.s32 $0x6;
	s29 =	simm.s32 $0x3  }
0x4: {  	s30 =	simm.s32 $0x4;
	s31 =	simm.s32 $0x0;
	s0 =	sand.u32 $0x1, s0  }
0x5: {  	s16 =	smul.u32 $0x14000, s13;
	[smem:$0x7FF] =	sst s4;
	s5 =	sadd.s32 $0x49E00, s7  }
0x6: {  	s6 =	sadd.s32 $0x12E00, s7;
	s12 =	smul.u32 $0x50000, s13;
	s20 =	sshll.u32 s13, $0x6  }
0x7: {  	s1 =	sshll.u32 s0, $0x4;
	s8 =	smul.u32 $0x140000, s0;
	_ =	strace $0x8000004D  }
0x8: {  	s17 =	ssub.s32 $0x2, s0;
	p0 =	seq.s32 s0, $0x0;
	s1 =	sor.u32 s13, s1  }
0x9: {  	s9 =	sshrl.u32 s16, $0x3;
	s18 =	sshrl.u32 s17, $0x1;
	s19 =	sshrl.u32 s12, $0x2  }
0xa: {  	s3 =	smul.u32 $0x3C00, s1;
	s1 =	sadd.s32 s16, s8;
	s9 =	sadd.s32 s9, s7  }
0xb: {  	s21 =	sadd.s32 s19, s2;
	s8 =	sor.u32 $0x1C07, s20;
	s16 =	simm.s32 $0x7  }
0xc: {  	s19 =	simm.s32 $0x17D00;
	s1 =	sshrl.u32 s1, $0x3;
	s22 =	sadd.s32 $0x21E00, s9  }
0xd: {  	s9 =	simm.s32 $0x3B;
	s15 =	sshrl.u32 s21, $0x3;
	s21 =	simm.s32 $0x1BD00  }
0xe: {  	s10 =	sshrl.u32 s3, $0x3;
	s1 =	sadd.s32 s1, s7;
	[dreg:$0x3] =	wrdreg s22  }
0xf: {  	s9 =	simm.s32 @!p0 $0x13;
	s11 =	sadd.s32 s10, s7;
	s25 =	sadd.s32 $0x71000, s1  }
0x10: {  	s10 =	sadd.s32 s6, s10;
	s23 =	sadd.s32 $0x3E00, s11;
	[dreg:$0x6] =	wrdreg s25  }
0x11: {  	s7 =	ssub.s32 s17, s18;
	s24 =	sadd.s32 $0x10, s10;
	[dreg:$0x4] =	wrdreg s23  }
0x12: {  	s22 =	simm.s32 $0x17C00;
	s26 =	smax.u32 s7, $0x1;
	[dreg:$0x5] =	wrdreg s24  }
0x13: {  	s18 =	simm.s32 $0x80;
	s25 =	simm.s32 $0x5;
	[dreg:$0x7] =	wrdreg s26  }
0x14: {  	s23 =	simm.s32 $0x17C80;
	s24 =	simm.s32 $0x1;
	s26 =	simm.s32 $0x2  }
.LBB2_1:
0x15: {  	s0 =	rddreg [dreg:$0x3]  }
0x16: {  	[spmem:s15], [sflag:s8] =	dma.local [hbm:s0], $0x2800  }
0x17: {  	_ =	swait.ge [sflag:s16], $0x2800  }
0x18: {  	[sflag:s16] =	ssyncset.done $0x0  }
0x19: {  	s1 =	simm.s32 $0x14000;
	s12 =	rddreg [dreg:$0x4];
	[sflag:s16] =	ssyncadd.s32 $0xFFFFD800  }
0x1a: {  	[tilespmem:s1], [sflag:$0x7] =	stream.linear.gather [hbm4b:s12+s4], $0x3C00, $0x38;
	[tilespmem:$0x1FD00] =	vst v63  }
0x1b: {  	_ =	swait.ge [sflag:s16], $0x3C00  }
0x1c: {  	[sflag:s16] =	ssyncset.done $0x0  }
0x1d: {  	[sflag:s16] =	ssyncadd.s32 $0xFFFFC400  }
0x1e: {  	[bflag:$0x0] =	sbarrier.arrive $0xFFFF  }
0x1f: {  	[tilespmem:s19], [sflag:$0x1] =	stream.indirect.gather [hbm4b:s5+s18], $0x80, s1, s18, $0xb8;
	[tilespmem:$0x1FD00] =	vst v63  }
0x20: {  	s13 =	simm.s32 $0x14080  }
0x21: {  	[tilespmem:s21], [sflag:$0x2] =	stream.indirect.gather [hbm4b:s5+s18], $0x80, s13, s18, $0xb8;
	[tilespmem:$0x1FD00] =	vst v63  }
0x22: {  	_ = 	snop  }
0x23: {  	[tilespmem:s22], [sflag:$0x5] =	stream.linear.gather [hbm4b:s10+s4], $0x80, $0x38;
	[tilespmem:$0x1FD00] =	vst v63  }
0x24: {  	s14 =	rddreg [dreg:$0x5]  }
0x25: {  	[tilespmem:s23], [sflag:$0x6] =	stream.linear.gather [hbm4b:s14+s4], $0x80, $0x38;
	[tilespmem:$0x1FD00] =	vst v63  }
0x26: {  	_ =	swait.ge [sflag:s24], $0x4000  }
0x27: {  	[sflag:s24] =	ssyncset.done $0x0  }
0x28: {  	[sflag:s24] =	ssyncadd.s32 $0xFFFFC000  }
0x29: {  	_ =	swait.ge [sflag:s25], $0x80  }
0x2a: {  	[sflag:s25] =	ssyncset.done $0x0  }
0x2b: {  	[sflag:s25] =	ssyncadd.s32 $0xFFFFFF80  }
0x2c: {  	[spmem:s2] =	stream.indirect.scatter.add.f32 [tilespmem:s19], [sflag:$0x3], $0x80, s22, s18, $0xb8;
	[tilespmem:$0x1FD00] =	vst v63  }
0x2d: {  	_ =	swait.ge [sflag:s26], $0x4000  }
0x2e: {  	[sflag:s26] =	ssyncset.done $0x0  }
0x2f: {  	[sflag:s26] =	ssyncadd.s32 $0xFFFFC000  }
0x30: {  	_ =	swait.ge [sflag:s28], $0x80  }
0x31: {  	[sflag:s28] =	ssyncset.done $0x0  }
0x32: {  	s11 =	simm.s32 $0x14180;
	s7 =	simm.s32 $0x100;
	[sflag:s28] =	ssyncadd.s32 $0xFFFFFF80  }
0x33: {  	[spmem:s2] =	stream.indirect.scatter.add.f32 [tilespmem:s21], [sflag:$0x4], $0x80, s23, s18, $0xb8;
	[tilespmem:$0x1FD00] =	vst v63  }
0x34: {  	p0 =	sne.s32 s9, $0x1;
	s20 =	simm.s32 $0x14280;
	_ =	swait.ge [sflag:s29], $0x4000  }
0x35: {  	s0 =	simm.s32 $0x1;
	s12 =	sand.u32 $0x7FFFFC00, s7;
	[sflag:s29] =	ssyncset.done $0x0  }
0x36: {  	s7 =	sand.u32 $0x300, s7;
	s12 =	sadd.s32 s3, s12;
	[sflag:s29] =	ssyncadd.s32 $0xFFFFC000  }
.Ltmp0:
0x37: {  	s7 =	sor.u32 s7, s12;
	_ =	swait.ge [sflag:s30], $0x4000;
	(pc) =	sbr.rel @!p0 .LBB2_3-.Ltmp0, $4  }
0x38: {  	s12 =	sshrl.u32 s7, $0x3;
	s1 =	simm.s32 $0x180;
	[sflag:s30] =	ssyncset.done $0x0  }
0x39: {  	s17 =	sand.u32 $0x7FFFFC00, s1;
	s13 =	simm.s32 $0x14100;
	[sflag:s30] =	ssyncadd.s32 $0xFFFFC000  }
0x3a: {  	[tilespmem:s19], [sflag:$0x1] =	stream.indirect.gather [hbm4b:s5+s18], $0x80, s13, s18, $0xb8;
	[tilespmem:$0x1FD00] =	vst v63  }
0x3b: {  	s7 =	simm.s32 $0x14180;
	s13 =	sadd.s32 s3, s17;
	s17 =	sand.u32 $0x380, s1  }
.LBB2_2:
0x3c: {  	s7 =	smov.u32 s20  }
0x3d: {  	s0 =	sadd.s32 $0x1, s0;
	s13 =	sor.u32 s17, s13;
	s1 =	sadd.s32 $0x100, s1  }
0x3e: {  	[tilespmem:s21], [sflag:$0x2] =	stream.indirect.gather [hbm4b:s5+s18], $0x80, s11, s18, $0xb8;
	[tilespmem:$0x1FD00] =	vst v63  }
0x3f: {  	p0 =	sne.s32 s9, s0;
	s11 =	sadd.s32 s6, s12;
	s12 =	sshrl.u32 s13, $0x3  }
0x40: {  	[tilespmem:s22], [sflag:$0x5] =	stream.linear.gather [hbm4b:s11+s4], $0x80, $0x38;
	[tilespmem:$0x1FD00] =	vst v63  }
0x41: {  	s12 =	sadd.s32 s6, s12;
	s11 =	smov.u32 s20  }
0x42: {  	[tilespmem:s23], [sflag:$0x6] =	stream.linear.gather [hbm4b:s12+s4], $0x80, $0x38;
	[tilespmem:$0x1FD00] =	vst v63  }
0x43: {  	_ =	swait.ge [sflag:s24], $0x4000  }
0x44: {  	[sflag:s24] =	ssyncset.done $0x0  }
0x45: {  	[sflag:s24] =	ssyncadd.s32 $0xFFFFC000  }
0x46: {  	_ =	swait.ge [sflag:s25], $0x80  }
0x47: {  	[sflag:s25] =	ssyncset.done $0x0  }
0x48: {  	[sflag:s25] =	ssyncadd.s32 $0xFFFFFF80  }
0x49: {  	[spmem:s2] =	stream.indirect.scatter.add.f32 [tilespmem:s19], [sflag:$0x3], $0x80, s22, s18, $0xb8;
	[tilespmem:$0x1FD00] =	vst v63  }
0x4a: {  	_ =	swait.ge [sflag:s26], $0x4000  }
0x4b: {  	[sflag:s26] =	ssyncset.done $0x0  }
0x4c: {  	[sflag:s26] =	ssyncadd.s32 $0xFFFFC000  }
0x4d: {  	_ =	swait.ge [sflag:s28], $0x80  }
0x4e: {  	[sflag:s28] =	ssyncset.done $0x0  }
0x4f: {  	[sflag:s28] =	ssyncadd.s32 $0xFFFFFF80  }
0x50: {  	[spmem:s2] =	stream.indirect.scatter.add.f32 [tilespmem:s21], [sflag:$0x4], $0x80, s23, s18, $0xb8;
	[tilespmem:$0x1FD00] =	vst v63  }
0x51: {  	s12 =	sadd.s32 $0xFFFFFF80, s1;
	_ =	swait.ge [sflag:s29], $0x4000  }
0x52: {  	s13 =	sand.u32 $0x7FFFFC00, s12;
	s12 =	sand.u32 $0x300, s12;
	[sflag:s29] =	ssyncset.done $0x0  }
0x53: {  	s13 =	sadd.s32 s3, s13;
	[sflag:s29] =	ssyncadd.s32 $0xFFFFC000  }
.Ltmp1:
0x54: {  	s14 =	sadd.s32 $0xFFFFFF80, s20;
	s12 =	sor.u32 s12, s13;
	(pc) =	sbr.rel @p0 .LBB2_2-.Ltmp1, $4  }
0x55: {  	s12 =	sshrl.u32 s12, $0x3;
	_ =	swait.ge [sflag:s30], $0x4000  }
0x56: {  	s20 =	sadd.s32 $0x100, s20;
	s13 =	sand.u32 $0x7FFFFC00, s1;
	[sflag:s30] =	ssyncset.done $0x0  }
0x57: {  	s17 =	sand.u32 $0x380, s1;
	s13 =	sadd.s32 s3, s13;
	[sflag:s30] =	ssyncadd.s32 $0xFFFFC000  }
0x58: {  	[tilespmem:s19], [sflag:$0x1] =	stream.indirect.gather [hbm4b:s5+s18], $0x80, s14, s18, $0xb8;
	[tilespmem:$0x1FD00] =	vst v63  }
.LBB2_3:
0x59: {  	[tilespmem:s21], [sflag:$0x2] =	stream.indirect.gather [hbm4b:s5+s18], $0x80, s11, s18, $0xb8;
	[tilespmem:$0x1FD00] =	vst v63  }
0x5a: {  	s14 =	sor.u32 s17, s13  }
0x5b: {  	s12 =	sadd.s32 s6, s12;
	s11 =	sshrl.u32 s14, $0x3  }
0x5c: {  	[tilespmem:s22], [sflag:$0x5] =	stream.linear.gather [hbm4b:s12+s4], $0x80, $0x38;
	[tilespmem:$0x1FD00] =	vst v63  }
0x5d: {  	s11 =	sadd.s32 s6, s11  }
0x5e: {  	[tilespmem:s23], [sflag:$0x6] =	stream.linear.gather [hbm4b:s11+s4], $0x80, $0x38;
	[tilespmem:$0x1FD00] =	vst v63  }
0x5f: {  	_ =	swait.ge [sflag:s24], $0x4000  }
0x60: {  	[sflag:s24] =	ssyncset.done $0x0  }
0x61: {  	[sflag:s24] =	ssyncadd.s32 $0xFFFFC000  }
0x62: {  	_ =	swait.ge [sflag:s25], $0x80  }
0x63: {  	[sflag:s25] =	ssyncset.done $0x0  }
0x64: {  	[sflag:s25] =	ssyncadd.s32 $0xFFFFFF80  }
0x65: {  	[spmem:s2] =	stream.indirect.scatter.add.f32 [tilespmem:s19], [sflag:$0x3], $0x80, s22, s18, $0xb8;
	[tilespmem:$0x1FD00] =	vst v63  }
0x66: {  	_ =	swait.ge [sflag:s26], $0x4000  }
0x67: {  	[sflag:s26] =	ssyncset.done $0x0  }
0x68: {  	[sflag:s26] =	ssyncadd.s32 $0xFFFFC000  }
0x69: {  	_ =	swait.ge [sflag:s28], $0x80  }
0x6a: {  	[sflag:s28] =	ssyncset.done $0x0  }
0x6b: {  	[sflag:s28] =	ssyncadd.s32 $0xFFFFFF80  }
0x6c: {  	[spmem:s2] =	stream.indirect.scatter.add.f32 [tilespmem:s21], [sflag:$0x4], $0x80, s23, s18, $0xb8;
	[tilespmem:$0x1FD00] =	vst v63  }
0x6d: {  	_ =	swait.ge [sflag:s29], $0x4000  }
0x6e: {  	[sflag:s29] =	ssyncset.done $0x0  }
0x6f: {  	[sflag:s29] =	ssyncadd.s32 $0xFFFFC000  }
0x70: {  	p0 =	sge.u32 s0, s9;
	_ =	swait.ge [sflag:s30], $0x4000  }
0x71: {  	s0 =	sadd.s32 @!p0 $0x80, s7;
	[sflag:s30] =	ssyncset.done $0x0  }
0x72: {  	s7 =	simm.s32 @!p0 $0x80;
	s11 =	simm.s32 @!p0 $0x17D00;
	[sflag:s30] =	ssyncadd.s32 $0xFFFFC000  }
0x73: {  	[tilespmem:s11], [sflag:$0x1] =	stream.indirect.gather @!p0 [hbm4b:s5+s7], $0x80, s0, s7, $0xb8;
	[tilespmem:$0x1FD00] =	vst v63  }
0x74: {  	s0 =	sadd.s32 $0x100, s1;
	s1 =	simm.s32 @!p0 $0x1BD00  }
0x75: {  	[tilespmem:s1], [sflag:$0x2] =	stream.indirect.gather @!p0 [hbm4b:s5+s7], $0x80, s20, s7, $0xb8;
	[tilespmem:$0x1FD00] =	vst v63  }
0x76: {  	s1 =	sadd.s32 @!p0 $0xFFFFFF80, s0  }
0x77: {  	s7 =	sand.u32 @!p0 $0x7FFFFC00, s1  }
0x78: {  	s1 =	sand.u32 @!p0 $0x300, s1;
	s7 =	sadd.s32 @!p0 s3, s7  }
0x79: {  	s1 =	sor.u32 @!p0 s1, s7  }
0x7a: {  	s1 =	sshrl.u32 @!p0 s1, $0x3  }
0x7b: {  	s11 =	simm.s32 @!p0 $0x17C00;
	s7 =	simm.s32 @!p0 $0x0;
	s1 =	sadd.s32 @!p0 s6, s1  }
0x7c: {  	[tilespmem:s11], [sflag:$0x5] =	stream.linear.gather @!p0 [hbm4b:s1+s7], $0x80, $0x38;
	[tilespmem:$0x1FD00] =	vst v63  }
0x7d: {  	s1 =	sand.u32 @!p0 $0x7FFFFC00, s0  }
0x7e: {  	s0 =	sand.u32 @!p0 $0x380, s0;
	s1 =	sadd.s32 @!p0 s3, s1  }
0x7f: {  	s0 =	sor.u32 @!p0 s0, s1  }
0x80: {  	s0 =	sshrl.u32 @!p0 s0, $0x3  }
0x81: {  	s1 =	simm.s32 @!p0 $0x17C80;
	s0 =	sadd.s32 @!p0 s6, s0  }
0x82: {  	[tilespmem:s1], [sflag:$0x6] =	stream.linear.gather @!p0 [hbm4b:s0+s7], $0x80, $0x38;
	[tilespmem:$0x1FD00] =	vst v63  }
0x83: {  	[bflag:$0x0] =	sbarrier.arrive $0xFFFF  }
0x84: {  	s17 =	rddreg [dreg:$0x6]  }
0x85: {  	[hbm:s17], [sflag:s8] =	dma.local [spmem:s15], $0x2800  }
0x86: {  	_ =	swait.ge [sflag:s16], $0x2800  }
0x87: {  	s31 =	sadd.s32 $0x1, s31;
	s20 =	rddreg [dreg:$0x7]  }
0x88: {  	p0 =	sne.s32 s31, s20  }
.Ltmp2:
0x89: {  	_ = 	snop;
	(pc) =	sbr.rel @p0 .LBB2_1-.Ltmp2, $3  }
0x8a: {  	_ =	sdelay $0x1  }
0x8b: {  	[sflag:s16] =	ssyncset.done $0x0  }
0x8c: {  	[sflag:s16] =	ssyncadd.s32 $0xFFFFD800  }
0x8d: {  	_ =	sfence.sel $0x180000  }
0x8e: {  	[bflag:$0x0] =	sbarrier.arrive $0xFFFF  }
0x8f: {  	_ =	strace $0x9000004D  }
0x90: {  	s0 =	stileid.u32;
	[bflag:$0x2] =	sbarrier.arrive $0xFFFF  }
0x91: {  	p0 =	sne.s32 s0, $0x0;
	s0 =	rddreg [dreg:$0x2]  }
0x92: {  	s0 =	sadd.s32 @!p0 $0x100000, s0  }
0x93: {  	[sflag:s0] =	ssyncadd.tile.s32 @!p0 $0x1;
	_ =	shalt  }
.Lfunc_end2:
_tile_overlayer_lowered:
.L_overlay_start_2:
0x94: {  	(tag) =	ssettag $0x2  }
0x95: {  	s0 =	rddreg [dreg:$0x0];
	s2 =	stileid.u32  }
0x96: {  	s1 =	rddreg [dreg:$0x1];
	p0 =	sne.s32 s2, $0x0  }
0x97: {  	s3 =	rddreg [dreg:$0x2];
	[bflag:$0x3] =	sbarrier.arrive $0xFFFF;
	s2 =	simm.s32 @!p0 $0x1C07  }
0x98: {  	[timem:s3], [sflag:s2] =	dma.local @!p0 [hbm:s0], s1  }
0x99: {  	s0 =	simm.s32 @!p0 $0x7  }
0x9a: {  	_ =	swait.ge @!p0 [sflag:s0], s1  }
0x9b: {  	s1 =	ssub.s32 @!p0 $0x0, s1;
	[sflag:s0] =	ssyncset.done @!p0 $0x0  }
0x9c: {  	[sflag:s0] =	ssyncadd.s32 @!p0 s1  }
0x9d: {  	[bflag:$0x3] =	sbarrier.arrive $0xFFFF  }
0x9e: {  	_ =	shalt  }

// kernel: kernel.20.cloned.1.call-start
scs
__scs_entry_jumppad:
0x0: {  	(pc) =	sbr.rel $0x88, $3  }
0x1: {  	(tag) =	ssettag $0x0;
	lr =	simm.s32 $0x1  }
0x2: {  	[smem:$0x3F96] =	sst lr;
	_ =	strace $0xD0000000  }
0x3: {  	_ = 	snop  }
0x4: {  	_ = 	snop  }
0x5: {  	_ = 	snop  }
0x6: {  	_ = 	snop  }
0x7: {  	_ = 	snop  }
__scs_overlays_trampoline_lowered:
0x8: {  	[smem:$0x3FA5] =	sst s0  }
0x9: {  	[smem:$0x3FA6] =	sst s1  }
0xa: {  	[smem:$0x3FA7] =	sst s2  }
0xb: {  	[smem:$0x3FA8] =	sst s3  }
0xc: {  	[smem:$0x3FA9] =	sst s4  }
0xd: {  	[smem:$0x3FAA] =	sst s5  }
0xe: {  	[smem:$0x3FAB] =	sst s6  }
0xf: {  	[smem:$0x3FAC] =	sst s7  }
0x10: {  	[smem:$0x3FAD] =	sst s8  }
0x11: {  	[smem:$0x3FAE] =	sst s9;
	s0 =	simm.s32 @!p0 $0x0  }
0x12: {  	s1 =	sld [smem:$0x3F94];
	s0 =	simm.s32 @p0 $0x1  }
0x13: {  	[smem:$0x3FAF] =	sst s0;
	s0 =	simm.s32 @!p1 $0x0  }
0x14: {  	s2 =	sld [smem:$0x3F93];
	s0 =	simm.s32 @p1 $0x1  }
0x15: {  	[smem:$0x3FB0] =	sst s0;
	s0 =	simm.s32 @!p2 $0x0  }
0x16: {  	s3 =	sld [smem:$0x3FDB];
	s0 =	simm.s32 @p2 $0x1  }
0x17: {  	s4 =	simm.s32 $0x1BF5;
	[smem:$0x3FB2] =	sst s0  }
0x18: {  	s0 =	sld [smem:$0x3F95];
	_ =	swait.ge [sflag:s4], $0x0  }
0x19: {  	s7 =	sld [smem:$0x3F96]  }
0x1a: {  	s8 =	sadd.s32 $0xFFFFE003, lr  }
0x1b: {  	s9 =	sadd.s32 $0xFFFFFEF7, lr;
	s5 =	simm.s32 $0xFFFFFFFF;
	p2 =	slt.u32 s8, $0xFFFFF086  }
0x1c: {  	p1 =	slt.u32 s9, $0xF7A;
	s5 =	simm.s32 @!p2 $0x0  }
0x1d: {  	s5 =	simm.s32 @p1 $0x1;
	p0 =	seq.s32 s7, s2  }
0x1e: {  	s7 =	smul.u32 @!p0 $0xF7A, s2;
	p2 =	seq.s32 @!p0 s5, $0x0  }
0x1f: {  	s9 =	smul.u32 $0xF7A, s1;
	s8 =	simm.s32 @!p0 $0x1BF5;
	p2 =	por !p2, p0  }
0x20: {  	[sflag:s8] =	ssyncset.s32 @!p0 $0xFFFFF086;
	s6 =	sadd.s32 @!p0 s3, s7;
	s7 =	simm.s32 @!p0 $0x108  }
0x21: {  	s3 =	sadd.s32 s3, s9;
	s6 =	sadd.s32 @!p0 $0x88, s6;
	s7 =	simm.s32 @p2 $0x1082  }
0x22: {  	[simem:s7], [sflag:s8] =	dma.local @!p0 [hbm:s6], $0xF7A  }
0x23: {  	s9 =	sor.u32 $0xD0000000, s2;
	s6 =	simm.s32 $0x108;
	_ =	swait.ge @!p0 [sflag:s8], $0x0  }
0x24: {  	s3 =	sadd.s32 $0x88, s3;
	s6 =	simm.s32 @!p1 $0x1082;
	[sflag:s4] =	ssyncset.s32 $0xFFFFF086  }
0x25: {  	[simem:s6], [sflag:s4] =	dma.local [hbm:s3], $0xF7A  }
0x26: {  	[smem:$0x3F96] =	sst s1;
	(tag) =	ssettag s2;
	_ =	strace s9  }
0x27: {  	s1 =	sld [smem:$0x3FA6]  }
0x28: {  	s2 =	sld [smem:$0x3FA7]  }
0x29: {  	s4 =	sld [smem:$0x3FA9]  }
0x2a: {  	p0 =	seq.s32 s5, $0x0;
	s5 =	sld [smem:$0x3FAA]  }
0x2b: {  	s6 =	sld [smem:$0x3FAB]  }
0x2c: {  	s7 =	sld [smem:$0x3FAC]  }
0x2d: {  	s3 =	simm.s32 $0x108;
	s8 =	sld [smem:$0x3FAD]  }
0x2e: {  	s3 =	simm.s32 @!p0 $0x1082;
	s9 =	sld [smem:$0x3FAE]  }
0x2f: {  	lr =	sadd.s32 s0, s3;
	s0 =	sld [smem:$0x3FA5]  }
0x30: {  	s3 =	sld [smem:$0x3FA8]  }
0x31: {  	[smem:$0x3FB1] =	sst s10  }
0x32: {  	s10 =	sld [smem:$0x3FAF];
	_ =	sdelay $0x3  }
0x33: {  	p0 =	seq.s32 s10, $0x1;
	s10 =	sld [smem:$0x3FB1];
	_ =	sdelay $0x3  }
0x34: {  	[smem:$0x3FB1] =	sst s10  }
0x35: {  	s10 =	sld [smem:$0x3FB0];
	_ =	sdelay $0x3  }
0x36: {  	p1 =	seq.s32 s10, $0x1;
	s10 =	sld [smem:$0x3FB1];
	_ =	sdelay $0x3  }
0x37: {  	[smem:$0x3FB1] =	sst s10  }
0x38: {  	s10 =	sld [smem:$0x3FB2]  }
0x39: {  	_ = 	snop;
	(pc) =	sbr.ind lr, $3  }
0x3a: {  	_ = 	snop  }
0x3b: {  	_ = 	snop  }
0x3c: {  	p2 =	seq.s32 s10, $0x1;
	s10 =	sld [smem:$0x3FB1]  }
0x3d: {  	_ =	shalt  }
0x3e: {  	_ =	shalt  }
0x3f: {  	_ =	shalt  }
0x40: {  	_ =	shalt  }
0x41: {  	_ =	shalt  }
0x42: {  	_ =	shalt  }
0x43: {  	_ =	shalt  }
0x44: {  	_ =	shalt  }
0x45: {  	_ =	shalt  }
0x46: {  	_ =	shalt  }
0x47: {  	_ =	shalt  }
0x48: {  	_ =	shalt  }
0x49: {  	_ =	shalt  }
0x4a: {  	_ =	shalt  }
0x4b: {  	_ =	shalt  }
0x4c: {  	_ =	shalt  }
0x4d: {  	_ =	shalt  }
0x4e: {  	_ =	shalt  }
0x4f: {  	_ =	shalt  }
0x50: {  	_ =	shalt  }
0x51: {  	_ =	shalt  }
0x52: {  	_ =	shalt  }
0x53: {  	_ =	shalt  }
0x54: {  	_ =	shalt  }
0x55: {  	_ =	shalt  }
0x56: {  	_ =	shalt  }
0x57: {  	_ =	shalt  }
0x58: {  	_ =	shalt  }
0x59: {  	_ =	shalt  }
0x5a: {  	_ =	shalt  }
0x5b: {  	_ =	shalt  }
0x5c: {  	_ =	shalt  }
0x5d: {  	_ =	shalt  }
0x5e: {  	_ =	shalt  }
0x5f: {  	_ =	shalt  }
0x60: {  	_ =	shalt  }
0x61: {  	_ =	shalt  }
0x62: {  	_ =	shalt  }
0x63: {  	_ =	shalt  }
0x64: {  	_ =	shalt  }
0x65: {  	_ =	shalt  }
0x66: {  	_ =	shalt  }
0x67: {  	_ =	shalt  }
0x68: {  	_ =	shalt  }
0x69: {  	_ =	shalt  }
0x6a: {  	_ =	shalt  }
0x6b: {  	_ =	shalt  }
0x6c: {  	_ =	shalt  }
0x6d: {  	_ =	shalt  }
0x6e: {  	_ =	shalt  }
0x6f: {  	_ =	shalt  }
0x70: {  	_ =	shalt  }
0x71: {  	_ =	shalt  }
0x72: {  	_ =	shalt  }
0x73: {  	_ =	shalt  }
0x74: {  	_ =	shalt  }
0x75: {  	_ =	shalt  }
0x76: {  	_ =	shalt  }
0x77: {  	_ =	shalt  }
0x78: {  	_ =	shalt  }
0x79: {  	_ =	shalt  }
0x7a: {  	_ =	shalt  }
0x7b: {  	_ =	shalt  }
0x7c: {  	_ =	shalt  }
0x7d: {  	_ =	shalt  }
0x7e: {  	_ =	shalt  }
0x7f: {  	_ =	shalt  }
0x80: {  	_ =	shalt  }
0x81: {  	_ =	shalt  }
0x82: {  	_ =	shalt  }
0x83: {  	_ =	shalt  }
0x84: {  	_ =	shalt  }
0x85: {  	_ =	shalt  }
0x86: {  	_ =	shalt  }
0x87: {  	_ =	shalt  }
.Lfunc_end0:
.L_simem_size_0:
called_computation.3_lowered:
.L_overlay_start_0:
0x88: {  	s2 =	sld [smem:$0x3FD9]  }
0x89: {  	s3 =	sld [smem:$0x3FFE];
	_ =	sdelay $0x1  }
0x8a: {  	s1 =	srdreg.scid  }
0x8b: {  	s0 =	sand.u32 $0x1, s1  }
0x8c: {  	s16 =	sshll.u32 s0, $0xA;
	s2 =	sadd.s32 s3, s2  }
0x8d: {  	s2 =	sadd.s32 s2, s16  }
0x8e: {  	[smem:$0x3FBD] =	sst s2  }
0x8f: {  	_ = 	snop  }
0x90: {  	(tm) =	ssettm $0x1  }
0x91: {  	s17 =	sld [smem:$0x3FFB];
	_ =	sdelay $0x3  }
0x92: {  	_ =	strace s17  }
0x93: {  	s2 =	sld [smem:$0x3FFC];
	_ =	sdelay $0x3  }
0x94: {  	_ =	strace s2  }
0x95: {  	s2 =	sld [smem:$0x3FFD];
	_ =	sdelay $0x3  }
0x96: {  	_ =	strace s2  }
0x97: {  	_ =	strace $0x8FFFFFFF  }
0x98: {  	s18 =	sld [smem:$0x3FDB];
	_ =	sdelay $0x1  }
0x99: {  	s19 =	simm.s32 $_scs_section_size  }
0x9a: {  	s4 =	simm.s32 $_size__tile_overlayer_lowered;
	s5 =	simm.s32 $_tile_overlayer_lowered  }
0x9b: {  	s22 =	simm.s32 $0x1BFF;
	s21 =	sshll.u32 s5, $0x1;
	s2 =	sadd.s32 s19, s18  }
0x9c: {  	s6 =	simm.s32 $0x0;
	s20 =	sshll.u32 s4, $0x1;
	s4 =	sadd.s32 s21, s2  }
0x9d: {  	[timem:s6], [sflag:s22] =	dma.local [hbm:s4], s20  }
0x9e: {  	_ =	swait.ge [sflag:s22], s20  }
0x9f: {  	s3 =	ssub.s32 $0x0, s20;
	[sflag:s22] =	ssyncset.done $0x0  }
0xa0: {  	[sflag:s22] =	ssyncadd.s32 s3;
	_ =	sdelay $0x1  }
0xa1: {  	s23 =	simm.s32 $0x1B8B  }
0xa2: {  	_ =	swait.ge [sflag:s23], $0x1  }
0xa3: {  	[sflag:s23] =	ssyncset.done $0x0  }
0xa4: {  	s25 =	simm.s32 $0x1B8E;
	s24 =	sld [smem:$0x3FFE];
	[sflag:s23] =	ssyncadd.s32 $0xFFFFFFFF  }
0xa5: {  	s26 =	simm.s32 $execute0_lowered;
	[smem:$0x3FD2] =	sst s25  }
0xa6: {  	s4 =	sshll.u32 s26, $0x1;
	_ =	strace $0x8000004F;
	[dreg:$0x1] =	wrdreg $0xFFFFFFFF  }
0xa7: {  	s28 =	simm.s32 $_size_execute0_lowered;
	s2 =	sadd.s32 s2, s4;
	[dreg:$0x0] =	wrdreg $0x0  }
0xa8: {  	s4 =	sshll.u32 s28, $0x1;
	[dreg:$0x2] =	wrdreg s2  }
0xa9: {  	[dreg:$0x3] =	wrdreg s4  }
0xaa: {  	[dreg:$0x4] =	wrdreg $0xC0  }
0xab: {  	_ =	task [dreg:s6], $0x5FFFF  }
0xac: {  	[dreg:$0x1] =	wrdreg $0xFFFFFFFF  }
0xad: {  	[dreg:$0x0] =	wrdreg $0x60  }
0xae: {  	[dreg:$0x2] =	wrdreg s24  }
0xaf: {  	[dreg:$0x3] =	wrdreg $0x0  }
0xb0: {  	[dreg:$0x4] =	wrdreg $0x9  }
0xb1: {  	_ =	task.clear_ibuf [dreg:s6], $0x5FFFF;
	_ =	strace $0x9000004F  }
0xb2: {  	s29 =	simm.s32 $0x9;
	_ =	strace $0x80000051  }
0xb3: {  	_ =	swait.ge [sflag:s29], $0x1  }
0xb4: {  	[sflag:s29] =	ssyncadd.s32 $0xFFFFFFFF  }
0xb5: {  	_ =	strace $0x90000051  }
0xb6: {  	_ =	sfence  }
0xb7: {  	s30 =	sld [smem:$0x0];
	_ =	sdelay $0x2  }
0xb8: {  	s31 =	sshll.u32 s1, $0xD;
	s1 =	sshrl.u32 s1, $0x2  }
0xb9: {  	s3 =	sand.u32 $0x4000, s31;
	s1 =	sadd.s32 s1, s30  }
0xba: {  	s0 =	sor.u32 s3, s0;
	s1 =	sshll.u32 s1, $0x11  }
0xbb: {  	s0 =	sor.u32 s1, s0  }
0xbc: {  	s0 =	sadd.s32 $0x8F2B, s0  }
0xbd: {  	[sflag:s0] =	ssyncadd.remote.s32 $0x1  }
0xbe: {  	_ =	sfence.sel $0xFFFF  }
0xbf: {  	[dreg:$0x0] =	wrdreg $0xFFFFFFFF;
	(pc) =	sbr.abs _section_cstart, $3  }
0xc0: {  	[dreg:$0x1] =	wrdreg $0xFFFFFFFF  }
0xc1: {  	_ =	task.clear_ibuf [dreg:s6], $0x2FFFF;
	_ =	strace $0x9FFFFFFF  }
0xc2: {  	(tm) =	ssettm $0x7FFFFFFF  }
0xc3: {  	_ =	shalt  }
tec
execute0_lowered:
.L_overlay_start_1:
0x0: {  	(tag) =	ssettag $0x1  }
0x1: {  	s0 =	srdreg.scid;
	s7 =	rddreg [dreg:$0x0]  }
0x2: {  	s13 =	stileid.u32;
	s2 =	rddreg [dreg:$0x1]  }
0x3: {  	s4 =	simm.s32 $0x0;
	s28 =	simm.s32 $0x6;
	s29 =	simm.s32 $0x3  }
0x4: {  	s30 =	simm.s32 $0x4;
	s31 =	simm.s32 $0x0;
	s0 =	sand.u32 $0x1, s0  }
0x5: {  	s16 =	smul.u32 $0x14000, s13;
	[smem:$0x7FF] =	sst s4;
	s5 =	sadd.s32 $0x49E00, s7  }
0x6: {  	s6 =	sadd.s32 $0x12E00, s7;
	s12 =	smul.u32 $0x50000, s13;
	s20 =	sshll.u32 s13, $0x6  }
0x7: {  	s1 =	sshll.u32 s0, $0x4;
	s8 =	smul.u32 $0x140000, s0;
	_ =	strace $0x80000050  }
0x8: {  	s17 =	ssub.s32 $0x2, s0;
	p0 =	seq.s32 s0, $0x0;
	s1 =	sor.u32 s13, s1  }
0x9: {  	s9 =	sshrl.u32 s16, $0x3;
	s18 =	sshrl.u32 s17, $0x1;
	s19 =	sshrl.u32 s12, $0x2  }
0xa: {  	s3 =	smul.u32 $0x3C00, s1;
	s1 =	sadd.s32 s16, s8;
	s9 =	sadd.s32 s9, s7  }
0xb: {  	s21 =	sadd.s32 s19, s2;
	s8 =	sor.u32 $0x1C07, s20;
	s16 =	simm.s32 $0x7  }
0xc: {  	s19 =	simm.s32 $0x17D00;
	s1 =	sshrl.u32 s1, $0x3;
	s22 =	sadd.s32 $0x21E00, s9  }
0xd: {  	s9 =	simm.s32 $0x3B;
	s15 =	sshrl.u32 s21, $0x3;
	s21 =	simm.s32 $0x1BD00  }
0xe: {  	s10 =	sshrl.u32 s3, $0x3;
	s1 =	sadd.s32 s1, s7;
	[dreg:$0x3] =	wrdreg s22  }
0xf: {  	s9 =	simm.s32 @!p0 $0x13;
	s11 =	sadd.s32 s10, s7;
	s25 =	sadd.s32 $0x71000, s1  }
0x10: {  	s10 =	sadd.s32 s6, s10;
	s23 =	sadd.s32 $0x3E00, s11;
	[dreg:$0x6] =	wrdreg s25  }
0x11: {  	s7 =	ssub.s32 s17, s18;
	s24 =	sadd.s32 $0x10, s10;
	[dreg:$0x4] =	wrdreg s23  }
0x12: {  	s22 =	simm.s32 $0x17C00;
	s26 =	smax.u32 s7, $0x1;
	[dreg:$0x5] =	wrdreg s24  }
0x13: {  	s18 =	simm.s32 $0x80;
	s25 =	simm.s32 $0x5;
	[dreg:$0x7] =	wrdreg s26  }
0x14: {  	s23 =	simm.s32 $0x17C80;
	s24 =	simm.s32 $0x1;
	s26 =	simm.s32 $0x2  }
.LBB2_1:
0x15: {  	s0 =	rddreg [dreg:$0x3]  }
0x16: {  	[spmem:s15], [sflag:s8] =	dma.local [hbm:s0], $0x2800  }
0x17: {  	_ =	swait.ge [sflag:s16], $0x2800  }
0x18: {  	[sflag:s16] =	ssyncset.done $0x0  }
0x19: {  	s1 =	simm.s32 $0x14000;
	s12 =	rddreg [dreg:$0x4];
	[sflag:s16] =	ssyncadd.s32 $0xFFFFD800  }
0x1a: {  	[tilespmem:s1], [sflag:$0x7] =	stream.linear.gather [hbm4b:s12+s4], $0x3C00, $0x38;
	[tilespmem:$0x1FD00] =	vst v63  }
0x1b: {  	_ =	swait.ge [sflag:s16], $0x3C00  }
0x1c: {  	[sflag:s16] =	ssyncset.done $0x0  }
0x1d: {  	[sflag:s16] =	ssyncadd.s32 $0xFFFFC400  }
0x1e: {  	[bflag:$0x0] =	sbarrier.arrive $0xFFFF  }
0x1f: {  	[tilespmem:s19], [sflag:$0x1] =	stream.indirect.gather [hbm4b:s5+s18], $0x80, s1, s18, $0xb8;
	[tilespmem:$0x1FD00] =	vst v63  }
0x20: {  	s13 =	simm.s32 $0x14080  }
0x21: {  	[tilespmem:s21], [sflag:$0x2] =	stream.indirect.gather [hbm4b:s5+s18], $0x80, s13, s18, $0xb8;
	[tilespmem:$0x1FD00] =	vst v63  }
0x22: {  	_ = 	snop  }
0x23: {  	[tilespmem:s22], [sflag:$0x5] =	stream.linear.gather [hbm4b:s10+s4], $0x80, $0x38;
	[tilespmem:$0x1FD00] =	vst v63  }
0x24: {  	s14 =	rddreg [dreg:$0x5]  }
0x25: {  	[tilespmem:s23], [sflag:$0x6] =	stream.linear.gather [hbm4b:s14+s4], $0x80, $0x38;
	[tilespmem:$0x1FD00] =	vst v63  }
0x26: {  	_ =	swait.ge [sflag:s24], $0x4000  }
0x27: {  	[sflag:s24] =	ssyncset.done $0x0  }
0x28: {  	[sflag:s24] =	ssyncadd.s32 $0xFFFFC000  }
0x29: {  	_ =	swait.ge [sflag:s25], $0x80  }
0x2a: {  	[sflag:s25] =	ssyncset.done $0x0  }
0x2b: {  	[sflag:s25] =	ssyncadd.s32 $0xFFFFFF80  }
0x2c: {  	[spmem:s2] =	stream.indirect.scatter.add.f32 [tilespmem:s19], [sflag:$0x3], $0x80, s22, s18, $0xb8;
	[tilespmem:$0x1FD00] =	vst v63  }
0x2d: {  	_ =	swait.ge [sflag:s26], $0x4000  }
0x2e: {  	[sflag:s26] =	ssyncset.done $0x0  }
0x2f: {  	[sflag:s26] =	ssyncadd.s32 $0xFFFFC000  }
0x30: {  	_ =	swait.ge [sflag:s28], $0x80  }
0x31: {  	[sflag:s28] =	ssyncset.done $0x0  }
0x32: {  	s11 =	simm.s32 $0x14180;
	s7 =	simm.s32 $0x100;
	[sflag:s28] =	ssyncadd.s32 $0xFFFFFF80  }
0x33: {  	[spmem:s2] =	stream.indirect.scatter.add.f32 [tilespmem:s21], [sflag:$0x4], $0x80, s23, s18, $0xb8;
	[tilespmem:$0x1FD00] =	vst v63  }
0x34: {  	p0 =	sne.s32 s9, $0x1;
	s20 =	simm.s32 $0x14280;
	_ =	swait.ge [sflag:s29], $0x4000  }
0x35: {  	s0 =	simm.s32 $0x1;
	s12 =	sand.u32 $0x7FFFFC00, s7;
	[sflag:s29] =	ssyncset.done $0x0  }
0x36: {  	s7 =	sand.u32 $0x300, s7;
	s12 =	sadd.s32 s3, s12;
	[sflag:s29] =	ssyncadd.s32 $0xFFFFC000  }
.Ltmp0:
0x37: {  	s7 =	sor.u32 s7, s12;
	_ =	swait.ge [sflag:s30], $0x4000;
	(pc) =	sbr.rel @!p0 .LBB2_3-.Ltmp0, $4  }
0x38: {  	s12 =	sshrl.u32 s7, $0x3;
	s1 =	simm.s32 $0x180;
	[sflag:s30] =	ssyncset.done $0x0  }
0x39: {  	s17 =	sand.u32 $0x7FFFFC00, s1;
	s13 =	simm.s32 $0x14100;
	[sflag:s30] =	ssyncadd.s32 $0xFFFFC000  }
0x3a: {  	[tilespmem:s19], [sflag:$0x1] =	stream.indirect.gather [hbm4b:s5+s18], $0x80, s13, s18, $0xb8;
	[tilespmem:$0x1FD00] =	vst v63  }
0x3b: {  	s7 =	simm.s32 $0x14180;
	s13 =	sadd.s32 s3, s17;
	s17 =	sand.u32 $0x380, s1  }
.LBB2_2:
0x3c: {  	s7 =	smov.u32 s20  }
0x3d: {  	s0 =	sadd.s32 $0x1, s0;
	s13 =	sor.u32 s17, s13;
	s1 =	sadd.s32 $0x100, s1  }
0x3e: {  	[tilespmem:s21], [sflag:$0x2] =	stream.indirect.gather [hbm4b:s5+s18], $0x80, s11, s18, $0xb8;
	[tilespmem:$0x1FD00] =	vst v63  }
0x3f: {  	p0 =	sne.s32 s9, s0;
	s11 =	sadd.s32 s6, s12;
	s12 =	sshrl.u32 s13, $0x3  }
0x40: {  	[tilespmem:s22], [sflag:$0x5] =	stream.linear.gather [hbm4b:s11+s4], $0x80, $0x38;
	[tilespmem:$0x1FD00] =	vst v63  }
0x41: {  	s12 =	sadd.s32 s6, s12;
	s11 =	smov.u32 s20  }
0x42: {  	[tilespmem:s23], [sflag:$0x6] =	stream.linear.gather [hbm4b:s12+s4], $0x80, $0x38;
	[tilespmem:$0x1FD00] =	vst v63  }
0x43: {  	_ =	swait.ge [sflag:s24], $0x4000  }
0x44: {  	[sflag:s24] =	ssyncset.done $0x0  }
0x45: {  	[sflag:s24] =	ssyncadd.s32 $0xFFFFC000  }
0x46: {  	_ =	swait.ge [sflag:s25], $0x80  }
0x47: {  	[sflag:s25] =	ssyncset.done $0x0  }
0x48: {  	[sflag:s25] =	ssyncadd.s32 $0xFFFFFF80  }
0x49: {  	[spmem:s2] =	stream.indirect.scatter.add.f32 [tilespmem:s19], [sflag:$0x3], $0x80, s22, s18, $0xb8;
	[tilespmem:$0x1FD00] =	vst v63  }
0x4a: {  	_ =	swait.ge [sflag:s26], $0x4000  }
0x4b: {  	[sflag:s26] =	ssyncset.done $0x0  }
0x4c: {  	[sflag:s26] =	ssyncadd.s32 $0xFFFFC000  }
0x4d: {  	_ =	swait.ge [sflag:s28], $0x80  }
0x4e: {  	[sflag:s28] =	ssyncset.done $0x0  }
0x4f: {  	[sflag:s28] =	ssyncadd.s32 $0xFFFFFF80  }
0x50: {  	[spmem:s2] =	stream.indirect.scatter.add.f32 [tilespmem:s21], [sflag:$0x4], $0x80, s23, s18, $0xb8;
	[tilespmem:$0x1FD00] =	vst v63  }
0x51: {  	s12 =	sadd.s32 $0xFFFFFF80, s1;
	_ =	swait.ge [sflag:s29], $0x4000  }
0x52: {  	s13 =	sand.u32 $0x7FFFFC00, s12;
	s12 =	sand.u32 $0x300, s12;
	[sflag:s29] =	ssyncset.done $0x0  }
0x53: {  	s13 =	sadd.s32 s3, s13;
	[sflag:s29] =	ssyncadd.s32 $0xFFFFC000  }
.Ltmp1:
0x54: {  	s14 =	sadd.s32 $0xFFFFFF80, s20;
	s12 =	sor.u32 s12, s13;
	(pc) =	sbr.rel @p0 .LBB2_2-.Ltmp1, $4  }
0x55: {  	s12 =	sshrl.u32 s12, $0x3;
	_ =	swait.ge [sflag:s30], $0x4000  }
0x56: {  	s20 =	sadd.s32 $0x100, s20;
	s13 =	sand.u32 $0x7FFFFC00, s1;
	[sflag:s30] =	ssyncset.done $0x0  }
0x57: {  	s17 =	sand.u32 $0x380, s1;
	s13 =	sadd.s32 s3, s13;
	[sflag:s30] =	ssyncadd.s32 $0xFFFFC000  }
0x58: {  	[tilespmem:s19], [sflag:$0x1] =	stream.indirect.gather [hbm4b:s5+s18], $0x80, s14, s18, $0xb8;
	[tilespmem:$0x1FD00] =	vst v63  }
.LBB2_3:
0x59: {  	[tilespmem:s21], [sflag:$0x2] =	stream.indirect.gather [hbm4b:s5+s18], $0x80, s11, s18, $0xb8;
	[tilespmem:$0x1FD00] =	vst v63  }
0x5a: {  	s14 =	sor.u32 s17, s13  }
0x5b: {  	s12 =	sadd.s32 s6, s12;
	s11 =	sshrl.u32 s14, $0x3  }
0x5c: {  	[tilespmem:s22], [sflag:$0x5] =	stream.linear.gather [hbm4b:s12+s4], $0x80, $0x38;
	[tilespmem:$0x1FD00] =	vst v63  }
0x5d: {  	s11 =	sadd.s32 s6, s11  }
0x5e: {  	[tilespmem:s23], [sflag:$0x6] =	stream.linear.gather [hbm4b:s11+s4], $0x80, $0x38;
	[tilespmem:$0x1FD00] =	vst v63  }
0x5f: {  	_ =	swait.ge [sflag:s24], $0x4000  }
0x60: {  	[sflag:s24] =	ssyncset.done $0x0  }
0x61: {  	[sflag:s24] =	ssyncadd.s32 $0xFFFFC000  }
0x62: {  	_ =	swait.ge [sflag:s25], $0x80  }
0x63: {  	[sflag:s25] =	ssyncset.done $0x0  }
0x64: {  	[sflag:s25] =	ssyncadd.s32 $0xFFFFFF80  }
0x65: {  	[spmem:s2] =	stream.indirect.scatter.add.f32 [tilespmem:s19], [sflag:$0x3], $0x80, s22, s18, $0xb8;
	[tilespmem:$0x1FD00] =	vst v63  }
0x66: {  	_ =	swait.ge [sflag:s26], $0x4000  }
0x67: {  	[sflag:s26] =	ssyncset.done $0x0  }
0x68: {  	[sflag:s26] =	ssyncadd.s32 $0xFFFFC000  }
0x69: {  	_ =	swait.ge [sflag:s28], $0x80  }
0x6a: {  	[sflag:s28] =	ssyncset.done $0x0  }
0x6b: {  	[sflag:s28] =	ssyncadd.s32 $0xFFFFFF80  }
0x6c: {  	[spmem:s2] =	stream.indirect.scatter.add.f32 [tilespmem:s21], [sflag:$0x4], $0x80, s23, s18, $0xb8;
	[tilespmem:$0x1FD00] =	vst v63  }
0x6d: {  	_ =	swait.ge [sflag:s29], $0x4000  }
0x6e: {  	[sflag:s29] =	ssyncset.done $0x0  }
0x6f: {  	[sflag:s29] =	ssyncadd.s32 $0xFFFFC000  }
0x70: {  	p0 =	sge.u32 s0, s9;
	_ =	swait.ge [sflag:s30], $0x4000  }
0x71: {  	s0 =	sadd.s32 @!p0 $0x80, s7;
	[sflag:s30] =	ssyncset.done $0x0  }
0x72: {  	s7 =	simm.s32 @!p0 $0x80;
	s11 =	simm.s32 @!p0 $0x17D00;
	[sflag:s30] =	ssyncadd.s32 $0xFFFFC000  }
0x73: {  	[tilespmem:s11], [sflag:$0x1] =	stream.indirect.gather @!p0 [hbm4b:s5+s7], $0x80, s0, s7, $0xb8;
	[tilespmem:$0x1FD00] =	vst v63  }
0x74: {  	s0 =	sadd.s32 $0x100, s1;
	s1 =	simm.s32 @!p0 $0x1BD00  }
0x75: {  	[tilespmem:s1], [sflag:$0x2] =	stream.indirect.gather @!p0 [hbm4b:s5+s7], $0x80, s20, s7, $0xb8;
	[tilespmem:$0x1FD00] =	vst v63  }
0x76: {  	s1 =	sadd.s32 @!p0 $0xFFFFFF80, s0  }
0x77: {  	s7 =	sand.u32 @!p0 $0x7FFFFC00, s1  }
0x78: {  	s1 =	sand.u32 @!p0 $0x300, s1;
	s7 =	sadd.s32 @!p0 s3, s7  }
0x79: {  	s1 =	sor.u32 @!p0 s1, s7  }
0x7a: {  	s1 =	sshrl.u32 @!p0 s1, $0x3  }
0x7b: {  	s11 =	simm.s32 @!p0 $0x17C00;
	s7 =	simm.s32 @!p0 $0x0;
	s1 =	sadd.s32 @!p0 s6, s1  }
0x7c: {  	[tilespmem:s11], [sflag:$0x5] =	stream.linear.gather @!p0 [hbm4b:s1+s7], $0x80, $0x38;
	[tilespmem:$0x1FD00] =	vst v63  }
0x7d: {  	s1 =	sand.u32 @!p0 $0x7FFFFC00, s0  }
0x7e: {  	s0 =	sand.u32 @!p0 $0x380, s0;
	s1 =	sadd.s32 @!p0 s3, s1  }
0x7f: {  	s0 =	sor.u32 @!p0 s0, s1  }
0x80: {  	s0 =	sshrl.u32 @!p0 s0, $0x3  }
0x81: {  	s1 =	simm.s32 @!p0 $0x17C80;
	s0 =	sadd.s32 @!p0 s6, s0  }
0x82: {  	[tilespmem:s1], [sflag:$0x6] =	stream.linear.gather @!p0 [hbm4b:s0+s7], $0x80, $0x38;
	[tilespmem:$0x1FD00] =	vst v63  }
0x83: {  	[bflag:$0x0] =	sbarrier.arrive $0xFFFF  }
0x84: {  	s17 =	rddreg [dreg:$0x6]  }
0x85: {  	[hbm:s17], [sflag:s8] =	dma.local [spmem:s15], $0x2800  }
0x86: {  	_ =	swait.ge [sflag:s16], $0x2800  }
0x87: {  	s31 =	sadd.s32 $0x1, s31;
	s20 =	rddreg [dreg:$0x7]  }
0x88: {  	p0 =	sne.s32 s31, s20  }
.Ltmp2:
0x89: {  	_ = 	snop;
	(pc) =	sbr.rel @p0 .LBB2_1-.Ltmp2, $3  }
0x8a: {  	_ =	sdelay $0x1  }
0x8b: {  	[sflag:s16] =	ssyncset.done $0x0  }
0x8c: {  	[sflag:s16] =	ssyncadd.s32 $0xFFFFD800  }
0x8d: {  	_ =	sfence.sel $0x180000  }
0x8e: {  	[bflag:$0x0] =	sbarrier.arrive $0xFFFF  }
0x8f: {  	_ =	strace $0x90000050  }
0x90: {  	s0 =	stileid.u32;
	[bflag:$0x2] =	sbarrier.arrive $0xFFFF  }
0x91: {  	p0 =	sne.s32 s0, $0x0;
	s0 =	rddreg [dreg:$0x2]  }
0x92: {  	s0 =	sadd.s32 @!p0 $0x100000, s0  }
0x93: {  	[sflag:s0] =	ssyncadd.tile.s32 @!p0 $0x1;
	_ =	shalt  }
.Lfunc_end2:
_tile_overlayer_lowered:
.L_overlay_start_2:
0x94: {  	(tag) =	ssettag $0x2  }
0x95: {  	s0 =	rddreg [dreg:$0x0];
	s2 =	stileid.u32  }
0x96: {  	s1 =	rddreg [dreg:$0x1];
	p0 =	sne.s32 s2, $0x0  }
0x97: {  	s3 =	rddreg [dreg:$0x2];
	[bflag:$0x3] =	sbarrier.arrive $0xFFFF;
	s2 =	simm.s32 @!p0 $0x1C07  }
0x98: {  	[timem:s3], [sflag:s2] =	dma.local @!p0 [hbm:s0], s1  }
0x99: {  	s0 =	simm.s32 @!p0 $0x7  }
0x9a: {  	_ =	swait.ge @!p0 [sflag:s0], s1  }
0x9b: {  	s1 =	ssub.s32 @!p0 $0x0, s1;
	[sflag:s0] =	ssyncset.done @!p0 $0x0  }
0x9c: {  	[sflag:s0] =	ssyncadd.s32 @!p0 s1  }
0x9d: {  	[bflag:$0x3] =	sbarrier.arrive $0xFFFF  }
0x9e: {  	_ =	shalt  }

</sc_bundles>
